<compile_context>
chip_gen: v7x
topology: tpu7x:2x2x1
jax: 0.10.2.dev20260603
libtpu: 0.0.44.dev20260713+nightly
codegen_flags: <defaults>
</compile_context>

<pallas_src>
import functools

import jax
import jax.numpy as jnp
from jax import lax
from jax.experimental import pallas as pl
from jax.experimental.pallas import tpu as pltpu
from jax.experimental.pallas import tpu_sc as plsc

B, S, D, E = 4, 2048, 2048, 64
EPS = 1e-06

T = B * S
NW = 32
TPW = T // NW


def _logits_body(x_ref, scale_ref, w_ref, logits_ref):
    x = x_ref[...]
    ssq = jnp.sum(x * x, axis=1, keepdims=True)
    r = lax.rsqrt(ssq * (1.0 / D) + EPS)
    xn = x * r
    ws = w_ref[...] * scale_ref[...]
    logits_ref[...] = lax.dot_general(
        ws, xn,
        dimension_numbers=(((1,), (1,)), ((), ())),
        preferred_element_type=jnp.float32,
    )


def _route_sc_body(lg_hbm, routes_hbm, p_hbm, lg_v, routes_v, p_v):
    wid = lax.axis_index("s") * 2 + lax.axis_index("c")
    tbase = wid * TPW
    pltpu.sync_copy(lg_hbm.at[:, pl.ds(tbase, TPW)], lg_v)

    def group(g, carry):
        i0 = pl.multiple_of(g * 16, 16)
        sl = pl.ds(i0, 16)
        m = lg_v[0, sl]
        routes = jnp.zeros((16,), jnp.int32)
        for e in range(1, E):
            v = lg_v[e, sl]
            upd = v > m
            m = jnp.where(upd, v, m)
            routes = jnp.where(upd, jnp.full((16,), e, jnp.int32), routes)
        denom = jnp.zeros((16,), jnp.float32)
        for e in range(E):
            denom = denom + jnp.exp(lg_v[e, sl] - m)
        routes_v[sl] = routes
        p_v[sl] = 1.0 / denom
        return carry

    lax.fori_loop(0, TPW // 16, group, 0)
    pltpu.sync_copy(routes_v, routes_hbm.at[pl.ds(tbase, TPW)])
    pltpu.sync_copy(p_v, p_hbm.at[pl.ds(tbase, TPW)])


@functools.partial(jax.jit, static_argnames=())
def kernel(hidden_states, scale, W):
    d = hidden_states.shape[2]
    x = hidden_states.reshape(T, d)
    TB = 1024
    G = T // TB
    logits2 = pl.pallas_call(
        _logits_body,
        grid=(G,),
        in_specs=[
            pl.BlockSpec((TB, d), lambda i: (i, 0)),
            pl.BlockSpec((1, d), lambda i: (0, 0)),
            pl.BlockSpec((E, d), lambda i: (0, 0)),
        ],
        out_specs=pl.BlockSpec((E, TB), lambda i: (0, i)),
        out_shape=jax.ShapeDtypeStruct((E, T), jnp.float32),
        compiler_params=pltpu.CompilerParams(
            dimension_semantics=("parallel",),
        ),
    )(x, scale.reshape(1, d), W)

    mesh = plsc.VectorSubcoreMesh(core_axis_name="c", subcore_axis_name="s")
    routes, p = pl.kernel(
        _route_sc_body,
        mesh=mesh,
        out_type=(
            jax.ShapeDtypeStruct((T,), jnp.int32),
            jax.ShapeDtypeStruct((T,), jnp.float32),
        ),
        scratch_types=[
            pltpu.VMEM((E, TPW), jnp.float32),
            pltpu.VMEM((TPW,), jnp.int32),
            pltpu.VMEM((TPW,), jnp.float32),
        ],
    )(logits2)
    return routes, p

# --- scband reference (transcript-rebuilt; emitter-appended) ---
"""Pipeline reference for scband-switch-router-12421045420200 (READ-ONLY COPY).

The authoritative reference and input builder live on the scoring server;
editing this copy changes nothing except your own understanding.
"""

import jax, jax.numpy as jnp
import numpy as np

B, S, D, E = 4, 2048, 2048, 64
EPS = 1e-06

def setup_inputs(seed: int = 0) -> dict:
    key = jax.random.key(seed)
    k1, k2 = jax.random.split(key, 2)
    hidden_states = jax.random.normal(k1, (B, S, D), dtype=jnp.float32)
    # LayerNorm scale (T5-style, ones init)
    scale = jnp.ones((D,), dtype=jnp.float32)
    # Router linear weight, torch nn.Linear layout [num_experts, d_model]
    W = jax.random.normal(k2, (E, D), dtype=jnp.float32) * (1.0 / np.sqrt(D))
    return {"hidden_states": hidden_states, "scale": scale, "W": W}

def reference(hidden_states, scale, W):
    # T5-style LayerNorm: no mean subtraction, no bias
    variance = jnp.mean(hidden_states.astype(jnp.float32) ** 2, axis=-1, keepdims=True)
    h = hidden_states * jax.lax.rsqrt(variance + EPS)
    h = scale * h
    b, s, d = h.shape
    h = h.reshape(-1, d)
    # Router: Linear(d_model -> num_experts, bias=False) then softmax
    logits = h @ W.T
    route_prob = jax.nn.softmax(logits, axis=-1)
    route_prob_max = jnp.max(route_prob, axis=-1)
    routes = jnp.argmax(route_prob, axis=-1).astype(jnp.int64)
    return (routes, route_prob_max)

if __name__ == "__main__":
    import jax
    _d = setup_inputs()
    print(jax.jit(kernel)(*tuple(_d.values())))

</pallas_src>

<mosaic_0001>
#map = affine_map<(d0, d1) -> (0, 0)>
#map1 = affine_map<(d0, d1) -> (0)>
module attributes {stable_mosaic.version = 14 : i64} {
  func.func @_route_sc_body(%arg0: i32, %arg1: i32, %arg2: memref<64x8192xf32, #tpu.memory_space<hbm>>, %arg3: memref<8192xi32, #tpu.memory_space<hbm>>, %arg4: memref<8192xf32, #tpu.memory_space<hbm>>, %arg5: memref<64x256xf32, #tpu.memory_space<vmem>>, %arg6: memref<256xi32, #tpu.memory_space<vmem>>, %arg7: memref<256xf32, #tpu.memory_space<vmem>>) attributes {dimension_semantics = [#tpu.dimension_semantics<core_parallel>, #tpu.dimension_semantics<subcore_parallel>], iteration_bounds = array<i64: 2, 16>, scalar_prefetch = 0 : i64, scratch_operands = 3 : i64, tpu.core_type = #tpu.core_type<sc_vector_subcore>, window_params = [{transform_indices = #map}, {transform_indices = #map1}, {transform_indices = #map1}]} {
    %mul3A = arith.constant 2 : i32
    %mul3A_0 = arith.muli %arg1, %mul3A : i32
    %add3A = arith.addi %mul3A_0, %arg0 : i32
    %mul3A_1 = arith.constant 256 : i32
    %mul3A_2 = arith.muli %add3A, %mul3A_1 : i32
    "tpu.region"() ({
      %run_scoped3A = tpu.sem_alloc : memref<!tpu.dma_semaphore, #tpu.memory_space<semaphore_mem>>
      %dma_start3A = arith.constant 0 : i32
      %dma_start3A_8 = tpu.memref_slice %arg2[%dma_start3A, %mul3A_2] : memref<64x8192xf32, #tpu.memory_space<hbm>> -> memref<64x256xf32, #tpu.memory_space<hbm>>
      %dma_start3A_9 = arith.constant 0 : i32
      %dma_start3A_10 = tpu.memref_slice %arg2[%dma_start3A_9, %mul3A_2] : memref<64x8192xf32, #tpu.memory_space<hbm>> -> memref<64x256xf32, #tpu.memory_space<hbm>>
      tpu.enqueue_dma source(%dma_start3A_10 : memref<64x256xf32, #tpu.memory_space<hbm>>) target(%arg5 : memref<64x256xf32, #tpu.memory_space<vmem>>) target_semaphore(%run_scoped3A : memref<!tpu.dma_semaphore, #tpu.memory_space<semaphore_mem>>)
      %dma_wait3A = arith.constant 0 : i32
      %dma_wait3A_11 = tpu.memref_slice %arg2[%dma_wait3A, %mul3A_2] : memref<64x8192xf32, #tpu.memory_space<hbm>> -> memref<64x256xf32, #tpu.memory_space<hbm>>
      %dma_wait3A_12 = arith.constant 0 : i32
      %dma_wait3A_13 = tpu.memref_slice %arg2[%dma_wait3A_12, %mul3A_2] : memref<64x8192xf32, #tpu.memory_space<hbm>> -> memref<64x256xf32, #tpu.memory_space<hbm>>
      tpu.wait_dma2 semaphore(%run_scoped3A : memref<!tpu.dma_semaphore, #tpu.memory_space<semaphore_mem>>) src(%dma_wait3A_13 : memref<64x256xf32, #tpu.memory_space<hbm>>) dst(%arg5 : memref<64x256xf32, #tpu.memory_space<vmem>>)
      tpu.yield
    }) : () -> ()
    %scan3A = arith.constant 0 : i32
    %scan3A_3 = arith.constant 0 : i32
    %scan3A_4 = arith.constant 16 : i32
    %scan3A_5 = arith.addi %scan3A_3, %scan3A_4 : i32
    %scan3A_6 = arith.constant 1 : i32
    scf.for %scan3A_8 = %scan3A_3 to %scan3A_5 step %scan3A_6  : i32 {
      %mul3A_9 = arith.constant 16 : i32
      %mul3A_10 = arith.muli %scan3A_8, %mul3A_9 : i32
      %multiple_of3A = tpu.assume_multiple %mul3A_10, 16 : i32
      %get3A = arith.constant 0 : i32
      %get3A_11 = arith.index_cast %get3A : i32 to index
      %get3A_12 = arith.index_cast %multiple_of3A : i32 to index
      %get3A_13 = tpu.vector_load %arg5[%get3A_11, %get3A_12] {strides = array<i32>} : memref<64x256xf32, #tpu.memory_space<vmem>>, vector<1x16xf32>,
      %get3A_14 = vector.shape_cast %get3A_13 : vector<1x16xf32> to vector<16xf32>
      %broadcast_in_dim3A = arith.constant 0 : i32
      %broadcast_in_dim3A_15 = vector.broadcast %broadcast_in_dim3A : i32 to vector<16xi32>
      %get3A_16 = arith.constant 1 : i32
      %get3A_17 = arith.index_cast %get3A_16 : i32 to index
      %get3A_18 = arith.index_cast %multiple_of3A : i32 to index
      %get3A_19 = tpu.vector_load %arg5[%get3A_17, %get3A_18] {strides = array<i32>} : memref<64x256xf32, #tpu.memory_space<vmem>>, vector<1x16xf32>,
      %get3A_20 = vector.shape_cast %get3A_19 : vector<1x16xf32> to vector<16xf32>
      %gt3A = arith.cmpf ogt, %get3A_20, %get3A_14 : vector<16xf32>
      %select_n3A = arith.select %gt3A, %get3A_20, %get3A_14 : vector<16xi1>, vector<16xf32>
      %broadcast_in_dim3A_21 = arith.constant 1 : i32
      %broadcast_in_dim3A_22 = vector.broadcast %broadcast_in_dim3A_21 : i32 to vector<16xi32>
      %select_n3A_23 = arith.select %gt3A, %broadcast_in_dim3A_22, %broadcast_in_dim3A_15 : vector<16xi1>, vector<16xi32>
      %get3A_24 = arith.constant 2 : i32
      %get3A_25 = arith.index_cast %get3A_24 : i32 to index
      %get3A_26 = arith.index_cast %multiple_of3A : i32 to index
      %get3A_27 = tpu.vector_load %arg5[%get3A_25, %get3A_26] {strides = array<i32>} : memref<64x256xf32, #tpu.memory_space<vmem>>, vector<1x16xf32>,
      %get3A_28 = vector.shape_cast %get3A_27 : vector<1x16xf32> to vector<16xf32>
      %gt3A_29 = arith.cmpf ogt, %get3A_28, %select_n3A : vector<16xf32>
      %select_n3A_30 = arith.select %gt3A_29, %get3A_28, %select_n3A : vector<16xi1>, vector<16xf32>
      %broadcast_in_dim3A_31 = arith.constant 2 : i32
      %broadcast_in_dim3A_32 = vector.broadcast %broadcast_in_dim3A_31 : i32 to vector<16xi32>
      %select_n3A_33 = arith.select %gt3A_29, %broadcast_in_dim3A_32, %select_n3A_23 : vector<16xi1>, vector<16xi32>
      %get3A_34 = arith.constant 3 : i32
      %get3A_35 = arith.index_cast %get3A_34 : i32 to index
      %get3A_36 = arith.index_cast %multiple_of3A : i32 to index
      %get3A_37 = tpu.vector_load %arg5[%get3A_35, %get3A_36] {strides = array<i32>} : memref<64x256xf32, #tpu.memory_space<vmem>>, vector<1x16xf32>,
      %get3A_38 = vector.shape_cast %get3A_37 : vector<1x16xf32> to vector<16xf32>
      %gt3A_39 = arith.cmpf ogt, %get3A_38, %select_n3A_30 : vector<16xf32>
      %select_n3A_40 = arith.select %gt3A_39, %get3A_38, %select_n3A_30 : vector<16xi1>, vector<16xf32>
      %broadcast_in_dim3A_41 = arith.constant 3 : i32
      %broadcast_in_dim3A_42 = vector.broadcast %broadcast_in_dim3A_41 : i32 to vector<16xi32>
      %select_n3A_43 = arith.select %gt3A_39, %broadcast_in_dim3A_42, %select_n3A_33 : vector<16xi1>, vector<16xi32>
      %get3A_44 = arith.constant 4 : i32
      %get3A_45 = arith.index_cast %get3A_44 : i32 to index
      %get3A_46 = arith.index_cast %multiple_of3A : i32 to index
      %get3A_47 = tpu.vector_load %arg5[%get3A_45, %get3A_46] {strides = array<i32>} : memref<64x256xf32, #tpu.memory_space<vmem>>, vector<1x16xf32>,
      %get3A_48 = vector.shape_cast %get3A_47 : vector<1x16xf32> to vector<16xf32>
      %gt3A_49 = arith.cmpf ogt, %get3A_48, %select_n3A_40 : vector<16xf32>
      %select_n3A_50 = arith.select %gt3A_49, %get3A_48, %select_n3A_40 : vector<16xi1>, vector<16xf32>
      %broadcast_in_dim3A_51 = arith.constant 4 : i32
      %broadcast_in_dim3A_52 = vector.broadcast %broadcast_in_dim3A_51 : i32 to vector<16xi32>
      %select_n3A_53 = arith.select %gt3A_49, %broadcast_in_dim3A_52, %select_n3A_43 : vector<16xi1>, vector<16xi32>
      %get3A_54 = arith.constant 5 : i32
      %get3A_55 = arith.index_cast %get3A_54 : i32 to index
      %get3A_56 = arith.index_cast %multiple_of3A : i32 to index
      %get3A_57 = tpu.vector_load %arg5[%get3A_55, %get3A_56] {strides = array<i32>} : memref<64x256xf32, #tpu.memory_space<vmem>>, vector<1x16xf32>,
      %get3A_58 = vector.shape_cast %get3A_57 : vector<1x16xf32> to vector<16xf32>
      %gt3A_59 = arith.cmpf ogt, %get3A_58, %select_n3A_50 : vector<16xf32>
      %select_n3A_60 = arith.select %gt3A_59, %get3A_58, %select_n3A_50 : vector<16xi1>, vector<16xf32>
      %broadcast_in_dim3A_61 = arith.constant 5 : i32
      %broadcast_in_dim3A_62 = vector.broadcast %broadcast_in_dim3A_61 : i32 to vector<16xi32>
      %select_n3A_63 = arith.select %gt3A_59, %broadcast_in_dim3A_62, %select_n3A_53 : vector<16xi1>, vector<16xi32>
      %get3A_64 = arith.constant 6 : i32
      %get3A_65 = arith.index_cast %get3A_64 : i32 to index
      %get3A_66 = arith.index_cast %multiple_of3A : i32 to index
      %get3A_67 = tpu.vector_load %arg5[%get3A_65, %get3A_66] {strides = array<i32>} : memref<64x256xf32, #tpu.memory_space<vmem>>, vector<1x16xf32>,
      %get3A_68 = vector.shape_cast %get3A_67 : vector<1x16xf32> to vector<16xf32>
      %gt3A_69 = arith.cmpf ogt, %get3A_68, %select_n3A_60 : vector<16xf32>
      %select_n3A_70 = arith.select %gt3A_69, %get3A_68, %select_n3A_60 : vector<16xi1>, vector<16xf32>
      %broadcast_in_dim3A_71 = arith.constant 6 : i32
      %broadcast_in_dim3A_72 = vector.broadcast %broadcast_in_dim3A_71 : i32 to vector<16xi32>
      %select_n3A_73 = arith.select %gt3A_69, %broadcast_in_dim3A_72, %select_n3A_63 : vector<16xi1>, vector<16xi32>
      %get3A_74 = arith.constant 7 : i32
      %get3A_75 = arith.index_cast %get3A_74 : i32 to index
      %get3A_76 = arith.index_cast %multiple_of3A : i32 to index
      %get3A_77 = tpu.vector_load %arg5[%get3A_75, %get3A_76] {strides = array<i32>} : memref<64x256xf32, #tpu.memory_space<vmem>>, vector<1x16xf32>,
      %get3A_78 = vector.shape_cast %get3A_77 : vector<1x16xf32> to vector<16xf32>
      %gt3A_79 = arith.cmpf ogt, %get3A_78, %select_n3A_70 : vector<16xf32>
      %select_n3A_80 = arith.select %gt3A_79, %get3A_78, %select_n3A_70 : vector<16xi1>, vector<16xf32>
      %broadcast_in_dim3A_81 = arith.constant 7 : i32
      %broadcast_in_dim3A_82 = vector.broadcast %broadcast_in_dim3A_81 : i32 to vector<16xi32>
      %select_n3A_83 = arith.select %gt3A_79, %broadcast_in_dim3A_82, %select_n3A_73 : vector<16xi1>, vector<16xi32>
      %get3A_84 = arith.constant 8 : i32
      %get3A_85 = arith.index_cast %get3A_84 : i32 to index
      %get3A_86 = arith.index_cast %multiple_of3A : i32 to index
      %get3A_87 = tpu.vector_load %arg5[%get3A_85, %get3A_86] {strides = array<i32>} : memref<64x256xf32, #tpu.memory_space<vmem>>, vector<1x16xf32>,
      %get3A_88 = vector.shape_cast %get3A_87 : vector<1x16xf32> to vector<16xf32>
      %gt3A_89 = arith.cmpf ogt, %get3A_88, %select_n3A_80 : vector<16xf32>
      %select_n3A_90 = arith.select %gt3A_89, %get3A_88, %select_n3A_80 : vector<16xi1>, vector<16xf32>
      %broadcast_in_dim3A_91 = arith.constant 8 : i32
      %broadcast_in_dim3A_92 = vector.broadcast %broadcast_in_dim3A_91 : i32 to vector<16xi32>
      %select_n3A_93 = arith.select %gt3A_89, %broadcast_in_dim3A_92, %select_n3A_83 : vector<16xi1>, vector<16xi32>
      %get3A_94 = arith.constant 9 : i32
      %get3A_95 = arith.index_cast %get3A_94 : i32 to index
      %get3A_96 = arith.index_cast %multiple_of3A : i32 to index
      %get3A_97 = tpu.vector_load %arg5[%get3A_95, %get3A_96] {strides = array<i32>} : memref<64x256xf32, #tpu.memory_space<vmem>>, vector<1x16xf32>,
      %get3A_98 = vector.shape_cast %get3A_97 : vector<1x16xf32> to vector<16xf32>
      %gt3A_99 = arith.cmpf ogt, %get3A_98, %select_n3A_90 : vector<16xf32>
      %select_n3A_100 = arith.select %gt3A_99, %get3A_98, %select_n3A_90 : vector<16xi1>, vector<16xf32>
      %broadcast_in_dim3A_101 = arith.constant 9 : i32
      %broadcast_in_dim3A_102 = vector.broadcast %broadcast_in_dim3A_101 : i32 to vector<16xi32>
      %select_n3A_103 = arith.select %gt3A_99, %broadcast_in_dim3A_102, %select_n3A_93 : vector<16xi1>, vector<16xi32>
      %get3A_104 = arith.constant 10 : i32
      %get3A_105 = arith.index_cast %get3A_104 : i32 to index
      %get3A_106 = arith.index_cast %multiple_of3A : i32 to index
      %get3A_107 = tpu.vector_load %arg5[%get3A_105, %get3A_106] {strides = array<i32>} : memref<64x256xf32, #tpu.memory_space<vmem>>, vector<1x16xf32>,
      %get3A_108 = vector.shape_cast %get3A_107 : vector<1x16xf32> to vector<16xf32>
      %gt3A_109 = arith.cmpf ogt, %get3A_108, %select_n3A_100 : vector<16xf32>
      %select_n3A_110 = arith.select %gt3A_109, %get3A_108, %select_n3A_100 : vector<16xi1>, vector<16xf32>
      %broadcast_in_dim3A_111 = arith.constant 10 : i32
      %broadcast_in_dim3A_112 = vector.broadcast %broadcast_in_dim3A_111 : i32 to vector<16xi32>
      %select_n3A_113 = arith.select %gt3A_109, %broadcast_in_dim3A_112, %select_n3A_103 : vector<16xi1>, vector<16xi32>
      %get3A_114 = arith.constant 11 : i32
      %get3A_115 = arith.index_cast %get3A_114 : i32 to index
      %get3A_116 = arith.index_cast %multiple_of3A : i32 to index
      %get3A_117 = tpu.vector_load %arg5[%get3A_115, %get3A_116] {strides = array<i32>} : memref<64x256xf32, #tpu.memory_space<vmem>>, vector<1x16xf32>,
      %get3A_118 = vector.shape_cast %get3A_117 : vector<1x16xf32> to vector<16xf32>
      %gt3A_119 = arith.cmpf ogt, %get3A_118, %select_n3A_110 : vector<16xf32>
      %select_n3A_120 = arith.select %gt3A_119, %get3A_118, %select_n3A_110 : vector<16xi1>, vector<16xf32>
      %broadcast_in_dim3A_121 = arith.constant 11 : i32
      %broadcast_in_dim3A_122 = vector.broadcast %broadcast_in_dim3A_121 : i32 to vector<16xi32>
      %select_n3A_123 = arith.select %gt3A_119, %broadcast_in_dim3A_122, %select_n3A_113 : vector<16xi1>, vector<16xi32>
      %get3A_124 = arith.constant 12 : i32
      %get3A_125 = arith.index_cast %get3A_124 : i32 to index
      %get3A_126 = arith.index_cast %multiple_of3A : i32 to index
      %get3A_127 = tpu.vector_load %arg5[%get3A_125, %get3A_126] {strides = array<i32>} : memref<64x256xf32, #tpu.memory_space<vmem>>, vector<1x16xf32>,
      %get3A_128 = vector.shape_cast %get3A_127 : vector<1x16xf32> to vector<16xf32>
      %gt3A_129 = arith.cmpf ogt, %get3A_128, %select_n3A_120 : vector<16xf32>
      %select_n3A_130 = arith.select %gt3A_129, %get3A_128, %select_n3A_120 : vector<16xi1>, vector<16xf32>
      %broadcast_in_dim3A_131 = arith.constant 12 : i32
      %broadcast_in_dim3A_132 = vector.broadcast %broadcast_in_dim3A_131 : i32 to vector<16xi32>
      %select_n3A_133 = arith.select %gt3A_129, %broadcast_in_dim3A_132, %select_n3A_123 : vector<16xi1>, vector<16xi32>
      %get3A_134 = arith.constant 13 : i32
      %get3A_135 = arith.index_cast %get3A_134 : i32 to index
      %get3A_136 = arith.index_cast %multiple_of3A : i32 to index
      %get3A_137 = tpu.vector_load %arg5[%get3A_135, %get3A_136] {strides = array<i32>} : memref<64x256xf32, #tpu.memory_space<vmem>>, vector<1x16xf32>,
      %get3A_138 = vector.shape_cast %get3A_137 : vector<1x16xf32> to vector<16xf32>
      %gt3A_139 = arith.cmpf ogt, %get3A_138, %select_n3A_130 : vector<16xf32>
      %select_n3A_140 = arith.select %gt3A_139, %get3A_138, %select_n3A_130 : vector<16xi1>, vector<16xf32>
      %broadcast_in_dim3A_141 = arith.constant 13 : i32
      %broadcast_in_dim3A_142 = vector.broadcast %broadcast_in_dim3A_141 : i32 to vector<16xi32>
      %select_n3A_143 = arith.select %gt3A_139, %broadcast_in_dim3A_142, %select_n3A_133 : vector<16xi1>, vector<16xi32>
      %get3A_144 = arith.constant 14 : i32
      %get3A_145 = arith.index_cast %get3A_144 : i32 to index
      %get3A_146 = arith.index_cast %multiple_of3A : i32 to index
      %get3A_147 = tpu.vector_load %arg5[%get3A_145, %get3A_146] {strides = array<i32>} : memref<64x256xf32, #tpu.memory_space<vmem>>, vector<1x16xf32>,
      %get3A_148 = vector.shape_cast %get3A_147 : vector<1x16xf32> to vector<16xf32>
      %gt3A_149 = arith.cmpf ogt, %get3A_148, %select_n3A_140 : vector<16xf32>
      %select_n3A_150 = arith.select %gt3A_149, %get3A_148, %select_n3A_140 : vector<16xi1>, vector<16xf32>
      %broadcast_in_dim3A_151 = arith.constant 14 : i32
      %broadcast_in_dim3A_152 = vector.broadcast %broadcast_in_dim3A_151 : i32 to vector<16xi32>
      %select_n3A_153 = arith.select %gt3A_149, %broadcast_in_dim3A_152, %select_n3A_143 : vector<16xi1>, vector<16xi32>
      %get3A_154 = arith.constant 15 : i32
      %get3A_155 = arith.index_cast %get3A_154 : i32 to index
      %get3A_156 = arith.index_cast %multiple_of3A : i32 to index
      %get3A_157 = tpu.vector_load %arg5[%get3A_155, %get3A_156] {strides = array<i32>} : memref<64x256xf32, #tpu.memory_space<vmem>>, vector<1x16xf32>,
      %get3A_158 = vector.shape_cast %get3A_157 : vector<1x16xf32> to vector<16xf32>
      %gt3A_159 = arith.cmpf ogt, %get3A_158, %select_n3A_150 : vector<16xf32>
      %select_n3A_160 = arith.select %gt3A_159, %get3A_158, %select_n3A_150 : vector<16xi1>, vector<16xf32>
      %broadcast_in_dim3A_161 = arith.constant 15 : i32
      %broadcast_in_dim3A_162 = vector.broadcast %broadcast_in_dim3A_161 : i32 to vector<16xi32>
      %select_n3A_163 = arith.select %gt3A_159, %broadcast_in_dim3A_162, %select_n3A_153 : vector<16xi1>, vector<16xi32>
      %get3A_164 = arith.constant 16 : i32
      %get3A_165 = arith.index_cast %get3A_164 : i32 to index
      %get3A_166 = arith.index_cast %multiple_of3A : i32 to index
      %get3A_167 = tpu.vector_load %arg5[%get3A_165, %get3A_166] {strides = array<i32>} : memref<64x256xf32, #tpu.memory_space<vmem>>, vector<1x16xf32>,
      %get3A_168 = vector.shape_cast %get3A_167 : vector<1x16xf32> to vector<16xf32>
      %gt3A_169 = arith.cmpf ogt, %get3A_168, %select_n3A_160 : vector<16xf32>
      %select_n3A_170 = arith.select %gt3A_169, %get3A_168, %select_n3A_160 : vector<16xi1>, vector<16xf32>
      %broadcast_in_dim3A_171 = arith.constant 16 : i32
      %broadcast_in_dim3A_172 = vector.broadcast %broadcast_in_dim3A_171 : i32 to vector<16xi32>
      %select_n3A_173 = arith.select %gt3A_169, %broadcast_in_dim3A_172, %select_n3A_163 : vector<16xi1>, vector<16xi32>
      %get3A_174 = arith.constant 17 : i32
      %get3A_175 = arith.index_cast %get3A_174 : i32 to index
      %get3A_176 = arith.index_cast %multiple_of3A : i32 to index
      %get3A_177 = tpu.vector_load %arg5[%get3A_175, %get3A_176] {strides = array<i32>} : memref<64x256xf32, #tpu.memory_space<vmem>>, vector<1x16xf32>,
      %get3A_178 = vector.shape_cast %get3A_177 : vector<1x16xf32> to vector<16xf32>
      %gt3A_179 = arith.cmpf ogt, %get3A_178, %select_n3A_170 : vector<16xf32>
      %select_n3A_180 = arith.select %gt3A_179, %get3A_178, %select_n3A_170 : vector<16xi1>, vector<16xf32>
      %broadcast_in_dim3A_181 = arith.constant 17 : i32
      %broadcast_in_dim3A_182 = vector.broadcast %broadcast_in_dim3A_181 : i32 to vector<16xi32>
      %select_n3A_183 = arith.select %gt3A_179, %broadcast_in_dim3A_182, %select_n3A_173 : vector<16xi1>, vector<16xi32>
      %get3A_184 = arith.constant 18 : i32
      %get3A_185 = arith.index_cast %get3A_184 : i32 to index
      %get3A_186 = arith.index_cast %multiple_of3A : i32 to index
      %get3A_187 = tpu.vector_load %arg5[%get3A_185, %get3A_186] {strides = array<i32>} : memref<64x256xf32, #tpu.memory_space<vmem>>, vector<1x16xf32>,
      %get3A_188 = vector.shape_cast %get3A_187 : vector<1x16xf32> to vector<16xf32>
      %gt3A_189 = arith.cmpf ogt, %get3A_188, %select_n3A_180 : vector<16xf32>
      %select_n3A_190 = arith.select %gt3A_189, %get3A_188, %select_n3A_180 : vector<16xi1>, vector<16xf32>
      %broadcast_in_dim3A_191 = arith.constant 18 : i32
      %broadcast_in_dim3A_192 = vector.broadcast %broadcast_in_dim3A_191 : i32 to vector<16xi32>
      %select_n3A_193 = arith.select %gt3A_189, %broadcast_in_dim3A_192, %select_n3A_183 : vector<16xi1>, vector<16xi32>
      %get3A_194 = arith.constant 19 : i32
      %get3A_195 = arith.index_cast %get3A_194 : i32 to index
      %get3A_196 = arith.index_cast %multiple_of3A : i32 to index
      %get3A_197 = tpu.vector_load %arg5[%get3A_195, %get3A_196] {strides = array<i32>} : memref<64x256xf32, #tpu.memory_space<vmem>>, vector<1x16xf32>,
      %get3A_198 = vector.shape_cast %get3A_197 : vector<1x16xf32> to vector<16xf32>
      %gt3A_199 = arith.cmpf ogt, %get3A_198, %select_n3A_190 : vector<16xf32>
      %select_n3A_200 = arith.select %gt3A_199, %get3A_198, %select_n3A_190 : vector<16xi1>, vector<16xf32>
      %broadcast_in_dim3A_201 = arith.constant 19 : i32
      %broadcast_in_dim3A_202 = vector.broadcast %broadcast_in_dim3A_201 : i32 to vector<16xi32>
      %select_n3A_203 = arith.select %gt3A_199, %broadcast_in_dim3A_202, %select_n3A_193 : vector<16xi1>, vector<16xi32>
      %get3A_204 = arith.constant 20 : i32
      %get3A_205 = arith.index_cast %get3A_204 : i32 to index
      %get3A_206 = arith.index_cast %multiple_of3A : i32 to index
      %get3A_207 = tpu.vector_load %arg5[%get3A_205, %get3A_206] {strides = array<i32>} : memref<64x256xf32, #tpu.memory_space<vmem>>, vector<1x16xf32>,
      %get3A_208 = vector.shape_cast %get3A_207 : vector<1x16xf32> to vector<16xf32>
      %gt3A_209 = arith.cmpf ogt, %get3A_208, %select_n3A_200 : vector<16xf32>
      %select_n3A_210 = arith.select %gt3A_209, %get3A_208, %select_n3A_200 : vector<16xi1>, vector<16xf32>
      %broadcast_in_dim3A_211 = arith.constant 20 : i32
      %broadcast_in_dim3A_212 = vector.broadcast %broadcast_in_dim3A_211 : i32 to vector<16xi32>
      %select_n3A_213 = arith.select %gt3A_209, %broadcast_in_dim3A_212, %select_n3A_203 : vector<16xi1>, vector<16xi32>
      %get3A_214 = arith.constant 21 : i32
      %get3A_215 = arith.index_cast %get3A_214 : i32 to index
      %get3A_216 = arith.index_cast %multiple_of3A : i32 to index
      %get3A_217 = tpu.vector_load %arg5[%get3A_215, %get3A_216] {strides = array<i32>} : memref<64x256xf32, #tpu.memory_space<vmem>>, vector<1x16xf32>,
      %get3A_218 = vector.shape_cast %get3A_217 : vector<1x16xf32> to vector<16xf32>
      %gt3A_219 = arith.cmpf ogt, %get3A_218, %select_n3A_210 : vector<16xf32>
      %select_n3A_220 = arith.select %gt3A_219, %get3A_218, %select_n3A_210 : vector<16xi1>, vector<16xf32>
      %broadcast_in_dim3A_221 = arith.constant 21 : i32
      %broadcast_in_dim3A_222 = vector.broadcast %broadcast_in_dim3A_221 : i32 to vector<16xi32>
      %select_n3A_223 = arith.select %gt3A_219, %broadcast_in_dim3A_222, %select_n3A_213 : vector<16xi1>, vector<16xi32>
      %get3A_224 = arith.constant 22 : i32
      %get3A_225 = arith.index_cast %get3A_224 : i32 to index
      %get3A_226 = arith.index_cast %multiple_of3A : i32 to index
      %get3A_227 = tpu.vector_load %arg5[%get3A_225, %get3A_226] {strides = array<i32>} : memref<64x256xf32, #tpu.memory_space<vmem>>, vector<1x16xf32>,
      %get3A_228 = vector.shape_cast %get3A_227 : vector<1x16xf32> to vector<16xf32>
      %gt3A_229 = arith.cmpf ogt, %get3A_228, %select_n3A_220 : vector<16xf32>
      %select_n3A_230 = arith.select %gt3A_229, %get3A_228, %select_n3A_220 : vector<16xi1>, vector<16xf32>
      %broadcast_in_dim3A_231 = arith.constant 22 : i32
      %broadcast_in_dim3A_232 = vector.broadcast %broadcast_in_dim3A_231 : i32 to vector<16xi32>
      %select_n3A_233 = arith.select %gt3A_229, %broadcast_in_dim3A_232, %select_n3A_223 : vector<16xi1>, vector<16xi32>
      %get3A_234 = arith.constant 23 : i32
      %get3A_235 = arith.index_cast %get3A_234 : i32 to index
      %get3A_236 = arith.index_cast %multiple_of3A : i32 to index
      %get3A_237 = tpu.vector_load %arg5[%get3A_235, %get3A_236] {strides = array<i32>} : memref<64x256xf32, #tpu.memory_space<vmem>>, vector<1x16xf32>,
      %get3A_238 = vector.shape_cast %get3A_237 : vector<1x16xf32> to vector<16xf32>
      %gt3A_239 = arith.cmpf ogt, %get3A_238, %select_n3A_230 : vector<16xf32>
      %select_n3A_240 = arith.select %gt3A_239, %get3A_238, %select_n3A_230 : vector<16xi1>, vector<16xf32>
      %broadcast_in_dim3A_241 = arith.constant 23 : i32
      %broadcast_in_dim3A_242 = vector.broadcast %broadcast_in_dim3A_241 : i32 to vector<16xi32>
      %select_n3A_243 = arith.select %gt3A_239, %broadcast_in_dim3A_242, %select_n3A_233 : vector<16xi1>, vector<16xi32>
      %get3A_244 = arith.constant 24 : i32
      %get3A_245 = arith.index_cast %get3A_244 : i32 to index
      %get3A_246 = arith.index_cast %multiple_of3A : i32 to index
      %get3A_247 = tpu.vector_load %arg5[%get3A_245, %get3A_246] {strides = array<i32>} : memref<64x256xf32, #tpu.memory_space<vmem>>, vector<1x16xf32>,
      %get3A_248 = vector.shape_cast %get3A_247 : vector<1x16xf32> to vector<16xf32>
      %gt3A_249 = arith.cmpf ogt, %get3A_248, %select_n3A_240 : vector<16xf32>
      %select_n3A_250 = arith.select %gt3A_249, %get3A_248, %select_n3A_240 : vector<16xi1>, vector<16xf32>
      %broadcast_in_dim3A_251 = arith.constant 24 : i32
      %broadcast_in_dim3A_252 = vector.broadcast %broadcast_in_dim3A_251 : i32 to vector<16xi32>
      %select_n3A_253 = arith.select %gt3A_249, %broadcast_in_dim3A_252, %select_n3A_243 : vector<16xi1>, vector<16xi32>
      %get3A_254 = arith.constant 25 : i32
      %get3A_255 = arith.index_cast %get3A_254 : i32 to index
      %get3A_256 = arith.index_cast %multiple_of3A : i32 to index
      %get3A_257 = tpu.vector_load %arg5[%get3A_255, %get3A_256] {strides = array<i32>} : memref<64x256xf32, #tpu.memory_space<vmem>>, vector<1x16xf32>,
      %get3A_258 = vector.shape_cast %get3A_257 : vector<1x16xf32> to vector<16xf32>
      %gt3A_259 = arith.cmpf ogt, %get3A_258, %select_n3A_250 : vector<16xf32>
      %select_n3A_260 = arith.select %gt3A_259, %get3A_258, %select_n3A_250 : vector<16xi1>, vector<16xf32>
      %broadcast_in_dim3A_261 = arith.constant 25 : i32
      %broadcast_in_dim3A_262 = vector.broadcast %broadcast_in_dim3A_261 : i32 to vector<16xi32>
      %select_n3A_263 = arith.select %gt3A_259, %broadcast_in_dim3A_262, %select_n3A_253 : vector<16xi1>, vector<16xi32>
      %get3A_264 = arith.constant 26 : i32
      %get3A_265 = arith.index_cast %get3A_264 : i32 to index
      %get3A_266 = arith.index_cast %multiple_of3A : i32 to index
      %get3A_267 = tpu.vector_load %arg5[%get3A_265, %get3A_266] {strides = array<i32>} : memref<64x256xf32, #tpu.memory_space<vmem>>, vector<1x16xf32>,
      %get3A_268 = vector.shape_cast %get3A_267 : vector<1x16xf32> to vector<16xf32>
      %gt3A_269 = arith.cmpf ogt, %get3A_268, %select_n3A_260 : vector<16xf32>
      %select_n3A_270 = arith.select %gt3A_269, %get3A_268, %select_n3A_260 : vector<16xi1>, vector<16xf32>
      %broadcast_in_dim3A_271 = arith.constant 26 : i32
      %broadcast_in_dim3A_272 = vector.broadcast %broadcast_in_dim3A_271 : i32 to vector<16xi32>
      %select_n3A_273 = arith.select %gt3A_269, %broadcast_in_dim3A_272, %select_n3A_263 : vector<16xi1>, vector<16xi32>
      %get3A_274 = arith.constant 27 : i32
      %get3A_275 = arith.index_cast %get3A_274 : i32 to index
      %get3A_276 = arith.index_cast %multiple_of3A : i32 to index
      %get3A_277 = tpu.vector_load %arg5[%get3A_275, %get3A_276] {strides = array<i32>} : memref<64x256xf32, #tpu.memory_space<vmem>>, vector<1x16xf32>,
      %get3A_278 = vector.shape_cast %get3A_277 : vector<1x16xf32> to vector<16xf32>
      %gt3A_279 = arith.cmpf ogt, %get3A_278, %select_n3A_270 : vector<16xf32>
      %select_n3A_280 = arith.select %gt3A_279, %get3A_278, %select_n3A_270 : vector<16xi1>, vector<16xf32>
      %broadcast_in_dim3A_281 = arith.constant 27 : i32
      %broadcast_in_dim3A_282 = vector.broadcast %broadcast_in_dim3A_281 : i32 to vector<16xi32>
      %select_n3A_283 = arith.select %gt3A_279, %broadcast_in_dim3A_282, %select_n3A_273 : vector<16xi1>, vector<16xi32>
      %get3A_284 = arith.constant 28 : i32
      %get3A_285 = arith.index_cast %get3A_284 : i32 to index
      %get3A_286 = arith.index_cast %multiple_of3A : i32 to index
      %get3A_287 = tpu.vector_load %arg5[%get3A_285, %get3A_286] {strides = array<i32>} : memref<64x256xf32, #tpu.memory_space<vmem>>, vector<1x16xf32>,
      %get3A_288 = vector.shape_cast %get3A_287 : vector<1x16xf32> to vector<16xf32>
      %gt3A_289 = arith.cmpf ogt, %get3A_288, %select_n3A_280 : vector<16xf32>
      %select_n3A_290 = arith.select %gt3A_289, %get3A_288, %select_n3A_280 : vector<16xi1>, vector<16xf32>
      %broadcast_in_dim3A_291 = arith.constant 28 : i32
      %broadcast_in_dim3A_292 = vector.broadcast %broadcast_in_dim3A_291 : i32 to vector<16xi32>
      %select_n3A_293 = arith.select %gt3A_289, %broadcast_in_dim3A_292, %select_n3A_283 : vector<16xi1>, vector<16xi32>
      %get3A_294 = arith.constant 29 : i32
      %get3A_295 = arith.index_cast %get3A_294 : i32 to index
      %get3A_296 = arith.index_cast %multiple_of3A : i32 to index
      %get3A_297 = tpu.vector_load %arg5[%get3A_295, %get3A_296] {strides = array<i32>} : memref<64x256xf32, #tpu.memory_space<vmem>>, vector<1x16xf32>,
      %get3A_298 = vector.shape_cast %get3A_297 : vector<1x16xf32> to vector<16xf32>
      %gt3A_299 = arith.cmpf ogt, %get3A_298, %select_n3A_290 : vector<16xf32>
      %select_n3A_300 = arith.select %gt3A_299, %get3A_298, %select_n3A_290 : vector<16xi1>, vector<16xf32>
      %broadcast_in_dim3A_301 = arith.constant 29 : i32
      %broadcast_in_dim3A_302 = vector.broadcast %broadcast_in_dim3A_301 : i32 to vector<16xi32>
      %select_n3A_303 = arith.select %gt3A_299, %broadcast_in_dim3A_302, %select_n3A_293 : vector<16xi1>, vector<16xi32>
      %get3A_304 = arith.constant 30 : i32
      %get3A_305 = arith.index_cast %get3A_304 : i32 to index
      %get3A_306 = arith.index_cast %multiple_of3A : i32 to index
      %get3A_307 = tpu.vector_load %arg5[%get3A_305, %get3A_306] {strides = array<i32>} : memref<64x256xf32, #tpu.memory_space<vmem>>, vector<1x16xf32>,
      %get3A_308 = vector.shape_cast %get3A_307 : vector<1x16xf32> to vector<16xf32>
      %gt3A_309 = arith.cmpf ogt, %get3A_308, %select_n3A_300 : vector<16xf32>
      %select_n3A_310 = arith.select %gt3A_309, %get3A_308, %select_n3A_300 : vector<16xi1>, vector<16xf32>
      %broadcast_in_dim3A_311 = arith.constant 30 : i32
      %broadcast_in_dim3A_312 = vector.broadcast %broadcast_in_dim3A_311 : i32 to vector<16xi32>
      %select_n3A_313 = arith.select %gt3A_309, %broadcast_in_dim3A_312, %select_n3A_303 : vector<16xi1>, vector<16xi32>
      %get3A_314 = arith.constant 31 : i32
      %get3A_315 = arith.index_cast %get3A_314 : i32 to index
      %get3A_316 = arith.index_cast %multiple_of3A : i32 to index
      %get3A_317 = tpu.vector_load %arg5[%get3A_315, %get3A_316] {strides = array<i32>} : memref<64x256xf32, #tpu.memory_space<vmem>>, vector<1x16xf32>,
      %get3A_318 = vector.shape_cast %get3A_317 : vector<1x16xf32> to vector<16xf32>
      %gt3A_319 = arith.cmpf ogt, %get3A_318, %select_n3A_310 : vector<16xf32>
      %select_n3A_320 = arith.select %gt3A_319, %get3A_318, %select_n3A_310 : vector<16xi1>, vector<16xf32>
      %broadcast_in_dim3A_321 = arith.constant 31 : i32
      %broadcast_in_dim3A_322 = vector.broadcast %broadcast_in_dim3A_321 : i32 to vector<16xi32>
      %select_n3A_323 = arith.select %gt3A_319, %broadcast_in_dim3A_322, %select_n3A_313 : vector<16xi1>, vector<16xi32>
      %get3A_324 = arith.constant 32 : i32
      %get3A_325 = arith.index_cast %get3A_324 : i32 to index
      %get3A_326 = arith.index_cast %multiple_of3A : i32 to index
      %get3A_327 = tpu.vector_load %arg5[%get3A_325, %get3A_326] {strides = array<i32>} : memref<64x256xf32, #tpu.memory_space<vmem>>, vector<1x16xf32>,
      %get3A_328 = vector.shape_cast %get3A_327 : vector<1x16xf32> to vector<16xf32>
      %gt3A_329 = arith.cmpf ogt, %get3A_328, %select_n3A_320 : vector<16xf32>
      %select_n3A_330 = arith.select %gt3A_329, %get3A_328, %select_n3A_320 : vector<16xi1>, vector<16xf32>
      %broadcast_in_dim3A_331 = arith.constant 32 : i32
      %broadcast_in_dim3A_332 = vector.broadcast %broadcast_in_dim3A_331 : i32 to vector<16xi32>
      %select_n3A_333 = arith.select %gt3A_329, %broadcast_in_dim3A_332, %select_n3A_323 : vector<16xi1>, vector<16xi32>
      %get3A_334 = arith.constant 33 : i32
      %get3A_335 = arith.index_cast %get3A_334 : i32 to index
      %get3A_336 = arith.index_cast %multiple_of3A : i32 to index
      %get3A_337 = tpu.vector_load %arg5[%get3A_335, %get3A_336] {strides = array<i32>} : memref<64x256xf32, #tpu.memory_space<vmem>>, vector<1x16xf32>,
      %get3A_338 = vector.shape_cast %get3A_337 : vector<1x16xf32> to vector<16xf32>
      %gt3A_339 = arith.cmpf ogt, %get3A_338, %select_n3A_330 : vector<16xf32>
      %select_n3A_340 = arith.select %gt3A_339, %get3A_338, %select_n3A_330 : vector<16xi1>, vector<16xf32>
      %broadcast_in_dim3A_341 = arith.constant 33 : i32
      %broadcast_in_dim3A_342 = vector.broadcast %broadcast_in_dim3A_341 : i32 to vector<16xi32>
      %select_n3A_343 = arith.select %gt3A_339, %broadcast_in_dim3A_342, %select_n3A_333 : vector<16xi1>, vector<16xi32>
      %get3A_344 = arith.constant 34 : i32
      %get3A_345 = arith.index_cast %get3A_344 : i32 to index
      %get3A_346 = arith.index_cast %multiple_of3A : i32 to index
      %get3A_347 = tpu.vector_load %arg5[%get3A_345, %get3A_346] {strides = array<i32>} : memref<64x256xf32, #tpu.memory_space<vmem>>, vector<1x16xf32>,
      %get3A_348 = vector.shape_cast %get3A_347 : vector<1x16xf32> to vector<16xf32>
      %gt3A_349 = arith.cmpf ogt, %get3A_348, %select_n3A_340 : vector<16xf32>
      %select_n3A_350 = arith.select %gt3A_349, %get3A_348, %select_n3A_340 : vector<16xi1>, vector<16xf32>
      %broadcast_in_dim3A_351 = arith.constant 34 : i32
      %broadcast_in_dim3A_352 = vector.broadcast %broadcast_in_dim3A_351 : i32 to vector<16xi32>
      %select_n3A_353 = arith.select %gt3A_349, %broadcast_in_dim3A_352, %select_n3A_343 : vector<16xi1>, vector<16xi32>
      %get3A_354 = arith.constant 35 : i32
      %get3A_355 = arith.index_cast %get3A_354 : i32 to index
      %get3A_356 = arith.index_cast %multiple_of3A : i32 to index
      %get3A_357 = tpu.vector_load %arg5[%get3A_355, %get3A_356] {strides = array<i32>} : memref<64x256xf32, #tpu.memory_space<vmem>>, vector<1x16xf32>,
      %get3A_358 = vector.shape_cast %get3A_357 : vector<1x16xf32> to vector<16xf32>
      %gt3A_359 = arith.cmpf ogt, %get3A_358, %select_n3A_350 : vector<16xf32>
      %select_n3A_360 = arith.select %gt3A_359, %get3A_358, %select_n3A_350 : vector<16xi1>, vector<16xf32>
      %broadcast_in_dim3A_361 = arith.constant 35 : i32
      %broadcast_in_dim3A_362 = vector.broadcast %broadcast_in_dim3A_361 : i32 to vector<16xi32>
      %select_n3A_363 = arith.select %gt3A_359, %broadcast_in_dim3A_362, %select_n3A_353 : vector<16xi1>, vector<16xi32>
      %get3A_364 = arith.constant 36 : i32
      %get3A_365 = arith.index_cast %get3A_364 : i32 to index
      %get3A_366 = arith.index_cast %multiple_of3A : i32 to index
      %get3A_367 = tpu.vector_load %arg5[%get3A_365, %get3A_366] {strides = array<i32>} : memref<64x256xf32, #tpu.memory_space<vmem>>, vector<1x16xf32>,
      %get3A_368 = vector.shape_cast %get3A_367 : vector<1x16xf32> to vector<16xf32>
      %gt3A_369 = arith.cmpf ogt, %get3A_368, %select_n3A_360 : vector<16xf32>
      %select_n3A_370 = arith.select %gt3A_369, %get3A_368, %select_n3A_360 : vector<16xi1>, vector<16xf32>
      %broadcast_in_dim3A_371 = arith.constant 36 : i32
      %broadcast_in_dim3A_372 = vector.broadcast %broadcast_in_dim3A_371 : i32 to vector<16xi32>
      %select_n3A_373 = arith.select %gt3A_369, %broadcast_in_dim3A_372, %select_n3A_363 : vector<16xi1>, vector<16xi32>
      %get3A_374 = arith.constant 37 : i32
      %get3A_375 = arith.index_cast %get3A_374 : i32 to index
      %get3A_376 = arith.index_cast %multiple_of3A : i32 to index
      %get3A_377 = tpu.vector_load %arg5[%get3A_375, %get3A_376] {strides = array<i32>} : memref<64x256xf32, #tpu.memory_space<vmem>>, vector<1x16xf32>,
      %get3A_378 = vector.shape_cast %get3A_377 : vector<1x16xf32> to vector<16xf32>
      %gt3A_379 = arith.cmpf ogt, %get3A_378, %select_n3A_370 : vector<16xf32>
      %select_n3A_380 = arith.select %gt3A_379, %get3A_378, %select_n3A_370 : vector<16xi1>, vector<16xf32>
      %broadcast_in_dim3A_381 = arith.constant 37 : i32
      %broadcast_in_dim3A_382 = vector.broadcast %broadcast_in_dim3A_381 : i32 to vector<16xi32>
      %select_n3A_383 = arith.select %gt3A_379, %broadcast_in_dim3A_382, %select_n3A_373 : vector<16xi1>, vector<16xi32>
      %get3A_384 = arith.constant 38 : i32
      %get3A_385 = arith.index_cast %get3A_384 : i32 to index
      %get3A_386 = arith.index_cast %multiple_of3A : i32 to index
      %get3A_387 = tpu.vector_load %arg5[%get3A_385, %get3A_386] {strides = array<i32>} : memref<64x256xf32, #tpu.memory_space<vmem>>, vector<1x16xf32>,
      %get3A_388 = vector.shape_cast %get3A_387 : vector<1x16xf32> to vector<16xf32>
      %gt3A_389 = arith.cmpf ogt, %get3A_388, %select_n3A_380 : vector<16xf32>
      %select_n3A_390 = arith.select %gt3A_389, %get3A_388, %select_n3A_380 : vector<16xi1>, vector<16xf32>
      %broadcast_in_dim3A_391 = arith.constant 38 : i32
      %broadcast_in_dim3A_392 = vector.broadcast %broadcast_in_dim3A_391 : i32 to vector<16xi32>
      %select_n3A_393 = arith.select %gt3A_389, %broadcast_in_dim3A_392, %select_n3A_383 : vector<16xi1>, vector<16xi32>
      %get3A_394 = arith.constant 39 : i32
      %get3A_395 = arith.index_cast %get3A_394 : i32 to index
      %get3A_396 = arith.index_cast %multiple_of3A : i32 to index
      %get3A_397 = tpu.vector_load %arg5[%get3A_395, %get3A_396] {strides = array<i32>} : memref<64x256xf32, #tpu.memory_space<vmem>>, vector<1x16xf32>,
      %get3A_398 = vector.shape_cast %get3A_397 : vector<1x16xf32> to vector<16xf32>
      %gt3A_399 = arith.cmpf ogt, %get3A_398, %select_n3A_390 : vector<16xf32>
      %select_n3A_400 = arith.select %gt3A_399, %get3A_398, %select_n3A_390 : vector<16xi1>, vector<16xf32>
      %broadcast_in_dim3A_401 = arith.constant 39 : i32
      %broadcast_in_dim3A_402 = vector.broadcast %broadcast_in_dim3A_401 : i32 to vector<16xi32>
      %select_n3A_403 = arith.select %gt3A_399, %broadcast_in_dim3A_402, %select_n3A_393 : vector<16xi1>, vector<16xi32>
      %get3A_404 = arith.constant 40 : i32
      %get3A_405 = arith.index_cast %get3A_404 : i32 to index
      %get3A_406 = arith.index_cast %multiple_of3A : i32 to index
      %get3A_407 = tpu.vector_load %arg5[%get3A_405, %get3A_406] {strides = array<i32>} : memref<64x256xf32, #tpu.memory_space<vmem>>, vector<1x16xf32>,
      %get3A_408 = vector.shape_cast %get3A_407 : vector<1x16xf32> to vector<16xf32>
      %gt3A_409 = arith.cmpf ogt, %get3A_408, %select_n3A_400 : vector<16xf32>
      %select_n3A_410 = arith.select %gt3A_409, %get3A_408, %select_n3A_400 : vector<16xi1>, vector<16xf32>
      %broadcast_in_dim3A_411 = arith.constant 40 : i32
      %broadcast_in_dim3A_412 = vector.broadcast %broadcast_in_dim3A_411 : i32 to vector<16xi32>
      %select_n3A_413 = arith.select %gt3A_409, %broadcast_in_dim3A_412, %select_n3A_403 : vector<16xi1>, vector<16xi32>
      %get3A_414 = arith.constant 41 : i32
      %get3A_415 = arith.index_cast %get3A_414 : i32 to index
      %get3A_416 = arith.index_cast %multiple_of3A : i32 to index
      %get3A_417 = tpu.vector_load %arg5[%get3A_415, %get3A_416] {strides = array<i32>} : memref<64x256xf32, #tpu.memory_space<vmem>>, vector<1x16xf32>,
      %get3A_418 = vector.shape_cast %get3A_417 : vector<1x16xf32> to vector<16xf32>
      %gt3A_419 = arith.cmpf ogt, %get3A_418, %select_n3A_410 : vector<16xf32>
      %select_n3A_420 = arith.select %gt3A_419, %get3A_418, %select_n3A_410 : vector<16xi1>, vector<16xf32>
      %broadcast_in_dim3A_421 = arith.constant 41 : i32
      %broadcast_in_dim3A_422 = vector.broadcast %broadcast_in_dim3A_421 : i32 to vector<16xi32>
      %select_n3A_423 = arith.select %gt3A_419, %broadcast_in_dim3A_422, %select_n3A_413 : vector<16xi1>, vector<16xi32>
      %get3A_424 = arith.constant 42 : i32
      %get3A_425 = arith.index_cast %get3A_424 : i32 to index
      %get3A_426 = arith.index_cast %multiple_of3A : i32 to index
      %get3A_427 = tpu.vector_load %arg5[%get3A_425, %get3A_426] {strides = array<i32>} : memref<64x256xf32, #tpu.memory_space<vmem>>, vector<1x16xf32>,
      %get3A_428 = vector.shape_cast %get3A_427 : vector<1x16xf32> to vector<16xf32>
      %gt3A_429 = arith.cmpf ogt, %get3A_428, %select_n3A_420 : vector<16xf32>
      %select_n3A_430 = arith.select %gt3A_429, %get3A_428, %select_n3A_420 : vector<16xi1>, vector<16xf32>
      %broadcast_in_dim3A_431 = arith.constant 42 : i32
      %broadcast_in_dim3A_432 = vector.broadcast %broadcast_in_dim3A_431 : i32 to vector<16xi32>
      %select_n3A_433 = arith.select %gt3A_429, %broadcast_in_dim3A_432, %select_n3A_423 : vector<16xi1>, vector<16xi32>
      %get3A_434 = arith.constant 43 : i32
      %get3A_435 = arith.index_cast %get3A_434 : i32 to index
      %get3A_436 = arith.index_cast %multiple_of3A : i32 to index
      %get3A_437 = tpu.vector_load %arg5[%get3A_435, %get3A_436] {strides = array<i32>} : memref<64x256xf32, #tpu.memory_space<vmem>>, vector<1x16xf32>,
      %get3A_438 = vector.shape_cast %get3A_437 : vector<1x16xf32> to vector<16xf32>
      %gt3A_439 = arith.cmpf ogt, %get3A_438, %select_n3A_430 : vector<16xf32>
      %select_n3A_440 = arith.select %gt3A_439, %get3A_438, %select_n3A_430 : vector<16xi1>, vector<16xf32>
      %broadcast_in_dim3A_441 = arith.constant 43 : i32
      %broadcast_in_dim3A_442 = vector.broadcast %broadcast_in_dim3A_441 : i32 to vector<16xi32>
      %select_n3A_443 = arith.select %gt3A_439, %broadcast_in_dim3A_442, %select_n3A_433 : vector<16xi1>, vector<16xi32>
      %get3A_444 = arith.constant 44 : i32
      %get3A_445 = arith.index_cast %get3A_444 : i32 to index
      %get3A_446 = arith.index_cast %multiple_of3A : i32 to index
      %get3A_447 = tpu.vector_load %arg5[%get3A_445, %get3A_446] {strides = array<i32>} : memref<64x256xf32, #tpu.memory_space<vmem>>, vector<1x16xf32>,
      %get3A_448 = vector.shape_cast %get3A_447 : vector<1x16xf32> to vector<16xf32>
      %gt3A_449 = arith.cmpf ogt, %get3A_448, %select_n3A_440 : vector<16xf32>
      %select_n3A_450 = arith.select %gt3A_449, %get3A_448, %select_n3A_440 : vector<16xi1>, vector<16xf32>
      %broadcast_in_dim3A_451 = arith.constant 44 : i32
      %broadcast_in_dim3A_452 = vector.broadcast %broadcast_in_dim3A_451 : i32 to vector<16xi32>
      %select_n3A_453 = arith.select %gt3A_449, %broadcast_in_dim3A_452, %select_n3A_443 : vector<16xi1>, vector<16xi32>
      %get3A_454 = arith.constant 45 : i32
      %get3A_455 = arith.index_cast %get3A_454 : i32 to index
      %get3A_456 = arith.index_cast %multiple_of3A : i32 to index
      %get3A_457 = tpu.vector_load %arg5[%get3A_455, %get3A_456] {strides = array<i32>} : memref<64x256xf32, #tpu.memory_space<vmem>>, vector<1x16xf32>,
      %get3A_458 = vector.shape_cast %get3A_457 : vector<1x16xf32> to vector<16xf32>
      %gt3A_459 = arith.cmpf ogt, %get3A_458, %select_n3A_450 : vector<16xf32>
      %select_n3A_460 = arith.select %gt3A_459, %get3A_458, %select_n3A_450 : vector<16xi1>, vector<16xf32>
      %broadcast_in_dim3A_461 = arith.constant 45 : i32
      %broadcast_in_dim3A_462 = vector.broadcast %broadcast_in_dim3A_461 : i32 to vector<16xi32>
      %select_n3A_463 = arith.select %gt3A_459, %broadcast_in_dim3A_462, %select_n3A_453 : vector<16xi1>, vector<16xi32>
      %get3A_464 = arith.constant 46 : i32
      %get3A_465 = arith.index_cast %get3A_464 : i32 to index
      %get3A_466 = arith.index_cast %multiple_of3A : i32 to index
      %get3A_467 = tpu.vector_load %arg5[%get3A_465, %get3A_466] {strides = array<i32>} : memref<64x256xf32, #tpu.memory_space<vmem>>, vector<1x16xf32>,
      %get3A_468 = vector.shape_cast %get3A_467 : vector<1x16xf32> to vector<16xf32>
      %gt3A_469 = arith.cmpf ogt, %get3A_468, %select_n3A_460 : vector<16xf32>
      %select_n3A_470 = arith.select %gt3A_469, %get3A_468, %select_n3A_460 : vector<16xi1>, vector<16xf32>
      %broadcast_in_dim3A_471 = arith.constant 46 : i32
      %broadcast_in_dim3A_472 = vector.broadcast %broadcast_in_dim3A_471 : i32 to vector<16xi32>
      %select_n3A_473 = arith.select %gt3A_469, %broadcast_in_dim3A_472, %select_n3A_463 : vector<16xi1>, vector<16xi32>
      %get3A_474 = arith.constant 47 : i32
      %get3A_475 = arith.index_cast %get3A_474 : i32 to index
      %get3A_476 = arith.index_cast %multiple_of3A : i32 to index
      %get3A_477 = tpu.vector_load %arg5[%get3A_475, %get3A_476] {strides = array<i32>} : memref<64x256xf32, #tpu.memory_space<vmem>>, vector<1x16xf32>,
      %get3A_478 = vector.shape_cast %get3A_477 : vector<1x16xf32> to vector<16xf32>
      %gt3A_479 = arith.cmpf ogt, %get3A_478, %select_n3A_470 : vector<16xf32>
      %select_n3A_480 = arith.select %gt3A_479, %get3A_478, %select_n3A_470 : vector<16xi1>, vector<16xf32>
      %broadcast_in_dim3A_481 = arith.constant 47 : i32
      %broadcast_in_dim3A_482 = vector.broadcast %broadcast_in_dim3A_481 : i32 to vector<16xi32>
      %select_n3A_483 = arith.select %gt3A_479, %broadcast_in_dim3A_482, %select_n3A_473 : vector<16xi1>, vector<16xi32>
      %get3A_484 = arith.constant 48 : i32
      %get3A_485 = arith.index_cast %get3A_484 : i32 to index
      %get3A_486 = arith.index_cast %multiple_of3A : i32 to index
      %get3A_487 = tpu.vector_load %arg5[%get3A_485, %get3A_486] {strides = array<i32>} : memref<64x256xf32, #tpu.memory_space<vmem>>, vector<1x16xf32>,
      %get3A_488 = vector.shape_cast %get3A_487 : vector<1x16xf32> to vector<16xf32>
      %gt3A_489 = arith.cmpf ogt, %get3A_488, %select_n3A_480 : vector<16xf32>
      %select_n3A_490 = arith.select %gt3A_489, %get3A_488, %select_n3A_480 : vector<16xi1>, vector<16xf32>
      %broadcast_in_dim3A_491 = arith.constant 48 : i32
      %broadcast_in_dim3A_492 = vector.broadcast %broadcast_in_dim3A_491 : i32 to vector<16xi32>
      %select_n3A_493 = arith.select %gt3A_489, %broadcast_in_dim3A_492, %select_n3A_483 : vector<16xi1>, vector<16xi32>
      %get3A_494 = arith.constant 49 : i32
      %get3A_495 = arith.index_cast %get3A_494 : i32 to index
      %get3A_496 = arith.index_cast %multiple_of3A : i32 to index
      %get3A_497 = tpu.vector_load %arg5[%get3A_495, %get3A_496] {strides = array<i32>} : memref<64x256xf32, #tpu.memory_space<vmem>>, vector<1x16xf32>,
      %get3A_498 = vector.shape_cast %get3A_497 : vector<1x16xf32> to vector<16xf32>
      %gt3A_499 = arith.cmpf ogt, %get3A_498, %select_n3A_490 : vector<16xf32>
      %select_n3A_500 = arith.select %gt3A_499, %get3A_498, %select_n3A_490 : vector<16xi1>, vector<16xf32>
      %broadcast_in_dim3A_501 = arith.constant 49 : i32
      %broadcast_in_dim3A_502 = vector.broadcast %broadcast_in_dim3A_501 : i32 to vector<16xi32>
      %select_n3A_503 = arith.select %gt3A_499, %broadcast_in_dim3A_502, %select_n3A_493 : vector<16xi1>, vector<16xi32>
      %get3A_504 = arith.constant 50 : i32
      %get3A_505 = arith.index_cast %get3A_504 : i32 to index
      %get3A_506 = arith.index_cast %multiple_of3A : i32 to index
      %get3A_507 = tpu.vector_load %arg5[%get3A_505, %get3A_506] {strides = array<i32>} : memref<64x256xf32, #tpu.memory_space<vmem>>, vector<1x16xf32>,
      %get3A_508 = vector.shape_cast %get3A_507 : vector<1x16xf32> to vector<16xf32>
      %gt3A_509 = arith.cmpf ogt, %get3A_508, %select_n3A_500 : vector<16xf32>
      %select_n3A_510 = arith.select %gt3A_509, %get3A_508, %select_n3A_500 : vector<16xi1>, vector<16xf32>
      %broadcast_in_dim3A_511 = arith.constant 50 : i32
      %broadcast_in_dim3A_512 = vector.broadcast %broadcast_in_dim3A_511 : i32 to vector<16xi32>
      %select_n3A_513 = arith.select %gt3A_509, %broadcast_in_dim3A_512, %select_n3A_503 : vector<16xi1>, vector<16xi32>
      %get3A_514 = arith.constant 51 : i32
      %get3A_515 = arith.index_cast %get3A_514 : i32 to index
      %get3A_516 = arith.index_cast %multiple_of3A : i32 to index
      %get3A_517 = tpu.vector_load %arg5[%get3A_515, %get3A_516] {strides = array<i32>} : memref<64x256xf32, #tpu.memory_space<vmem>>, vector<1x16xf32>,
      %get3A_518 = vector.shape_cast %get3A_517 : vector<1x16xf32> to vector<16xf32>
      %gt3A_519 = arith.cmpf ogt, %get3A_518, %select_n3A_510 : vector<16xf32>
      %select_n3A_520 = arith.select %gt3A_519, %get3A_518, %select_n3A_510 : vector<16xi1>, vector<16xf32>
      %broadcast_in_dim3A_521 = arith.constant 51 : i32
      %broadcast_in_dim3A_522 = vector.broadcast %broadcast_in_dim3A_521 : i32 to vector<16xi32>
      %select_n3A_523 = arith.select %gt3A_519, %broadcast_in_dim3A_522, %select_n3A_513 : vector<16xi1>, vector<16xi32>
      %get3A_524 = arith.constant 52 : i32
      %get3A_525 = arith.index_cast %get3A_524 : i32 to index
      %get3A_526 = arith.index_cast %multiple_of3A : i32 to index
      %get3A_527 = tpu.vector_load %arg5[%get3A_525, %get3A_526] {strides = array<i32>} : memref<64x256xf32, #tpu.memory_space<vmem>>, vector<1x16xf32>,
      %get3A_528 = vector.shape_cast %get3A_527 : vector<1x16xf32> to vector<16xf32>
      %gt3A_529 = arith.cmpf ogt, %get3A_528, %select_n3A_520 : vector<16xf32>
      %select_n3A_530 = arith.select %gt3A_529, %get3A_528, %select_n3A_520 : vector<16xi1>, vector<16xf32>
      %broadcast_in_dim3A_531 = arith.constant 52 : i32
      %broadcast_in_dim3A_532 = vector.broadcast %broadcast_in_dim3A_531 : i32 to vector<16xi32>
      %select_n3A_533 = arith.select %gt3A_529, %broadcast_in_dim3A_532, %select_n3A_523 : vector<16xi1>, vector<16xi32>
      %get3A_534 = arith.constant 53 : i32
      %get3A_535 = arith.index_cast %get3A_534 : i32 to index
      %get3A_536 = arith.index_cast %multiple_of3A : i32 to index
      %get3A_537 = tpu.vector_load %arg5[%get3A_535, %get3A_536] {strides = array<i32>} : memref<64x256xf32, #tpu.memory_space<vmem>>, vector<1x16xf32>,
      %get3A_538 = vector.shape_cast %get3A_537 : vector<1x16xf32> to vector<16xf32>
      %gt3A_539 = arith.cmpf ogt, %get3A_538, %select_n3A_530 : vector<16xf32>
      %select_n3A_540 = arith.select %gt3A_539, %get3A_538, %select_n3A_530 : vector<16xi1>, vector<16xf32>
      %broadcast_in_dim3A_541 = arith.constant 53 : i32
      %broadcast_in_dim3A_542 = vector.broadcast %broadcast_in_dim3A_541 : i32 to vector<16xi32>
      %select_n3A_543 = arith.select %gt3A_539, %broadcast_in_dim3A_542, %select_n3A_533 : vector<16xi1>, vector<16xi32>
      %get3A_544 = arith.constant 54 : i32
      %get3A_545 = arith.index_cast %get3A_544 : i32 to index
      %get3A_546 = arith.index_cast %multiple_of3A : i32 to index
      %get3A_547 = tpu.vector_load %arg5[%get3A_545, %get3A_546] {strides = array<i32>} : memref<64x256xf32, #tpu.memory_space<vmem>>, vector<1x16xf32>,
      %get3A_548 = vector.shape_cast %get3A_547 : vector<1x16xf32> to vector<16xf32>
      %gt3A_549 = arith.cmpf ogt, %get3A_548, %select_n3A_540 : vector<16xf32>
      %select_n3A_550 = arith.select %gt3A_549, %get3A_548, %select_n3A_540 : vector<16xi1>, vector<16xf32>
      %broadcast_in_dim3A_551 = arith.constant 54 : i32
      %broadcast_in_dim3A_552 = vector.broadcast %broadcast_in_dim3A_551 : i32 to vector<16xi32>
      %select_n3A_553 = arith.select %gt3A_549, %broadcast_in_dim3A_552, %select_n3A_543 : vector<16xi1>, vector<16xi32>
      %get3A_554 = arith.constant 55 : i32
      %get3A_555 = arith.index_cast %get3A_554 : i32 to index
      %get3A_556 = arith.index_cast %multiple_of3A : i32 to index
      %get3A_557 = tpu.vector_load %arg5[%get3A_555, %get3A_556] {strides = array<i32>} : memref<64x256xf32, #tpu.memory_space<vmem>>, vector<1x16xf32>,
      %get3A_558 = vector.shape_cast %get3A_557 : vector<1x16xf32> to vector<16xf32>
      %gt3A_559 = arith.cmpf ogt, %get3A_558, %select_n3A_550 : vector<16xf32>
      %select_n3A_560 = arith.select %gt3A_559, %get3A_558, %select_n3A_550 : vector<16xi1>, vector<16xf32>
      %broadcast_in_dim3A_561 = arith.constant 55 : i32
      %broadcast_in_dim3A_562 = vector.broadcast %broadcast_in_dim3A_561 : i32 to vector<16xi32>
      %select_n3A_563 = arith.select %gt3A_559, %broadcast_in_dim3A_562, %select_n3A_553 : vector<16xi1>, vector<16xi32>
      %get3A_564 = arith.constant 56 : i32
      %get3A_565 = arith.index_cast %get3A_564 : i32 to index
      %get3A_566 = arith.index_cast %multiple_of3A : i32 to index
      %get3A_567 = tpu.vector_load %arg5[%get3A_565, %get3A_566] {strides = array<i32>} : memref<64x256xf32, #tpu.memory_space<vmem>>, vector<1x16xf32>,
      %get3A_568 = vector.shape_cast %get3A_567 : vector<1x16xf32> to vector<16xf32>
      %gt3A_569 = arith.cmpf ogt, %get3A_568, %select_n3A_560 : vector<16xf32>
      %select_n3A_570 = arith.select %gt3A_569, %get3A_568, %select_n3A_560 : vector<16xi1>, vector<16xf32>
      %broadcast_in_dim3A_571 = arith.constant 56 : i32
      %broadcast_in_dim3A_572 = vector.broadcast %broadcast_in_dim3A_571 : i32 to vector<16xi32>
      %select_n3A_573 = arith.select %gt3A_569, %broadcast_in_dim3A_572, %select_n3A_563 : vector<16xi1>, vector<16xi32>
      %get3A_574 = arith.constant 57 : i32
      %get3A_575 = arith.index_cast %get3A_574 : i32 to index
      %get3A_576 = arith.index_cast %multiple_of3A : i32 to index
      %get3A_577 = tpu.vector_load %arg5[%get3A_575, %get3A_576] {strides = array<i32>} : memref<64x256xf32, #tpu.memory_space<vmem>>, vector<1x16xf32>,
      %get3A_578 = vector.shape_cast %get3A_577 : vector<1x16xf32> to vector<16xf32>
      %gt3A_579 = arith.cmpf ogt, %get3A_578, %select_n3A_570 : vector<16xf32>
      %select_n3A_580 = arith.select %gt3A_579, %get3A_578, %select_n3A_570 : vector<16xi1>, vector<16xf32>
      %broadcast_in_dim3A_581 = arith.constant 57 : i32
      %broadcast_in_dim3A_582 = vector.broadcast %broadcast_in_dim3A_581 : i32 to vector<16xi32>
      %select_n3A_583 = arith.select %gt3A_579, %broadcast_in_dim3A_582, %select_n3A_573 : vector<16xi1>, vector<16xi32>
      %get3A_584 = arith.constant 58 : i32
      %get3A_585 = arith.index_cast %get3A_584 : i32 to index
      %get3A_586 = arith.index_cast %multiple_of3A : i32 to index
      %get3A_587 = tpu.vector_load %arg5[%get3A_585, %get3A_586] {strides = array<i32>} : memref<64x256xf32, #tpu.memory_space<vmem>>, vector<1x16xf32>,
      %get3A_588 = vector.shape_cast %get3A_587 : vector<1x16xf32> to vector<16xf32>
      %gt3A_589 = arith.cmpf ogt, %get3A_588, %select_n3A_580 : vector<16xf32>
      %select_n3A_590 = arith.select %gt3A_589, %get3A_588, %select_n3A_580 : vector<16xi1>, vector<16xf32>
      %broadcast_in_dim3A_591 = arith.constant 58 : i32
      %broadcast_in_dim3A_592 = vector.broadcast %broadcast_in_dim3A_591 : i32 to vector<16xi32>
      %select_n3A_593 = arith.select %gt3A_589, %broadcast_in_dim3A_592, %select_n3A_583 : vector<16xi1>, vector<16xi32>
      %get3A_594 = arith.constant 59 : i32
      %get3A_595 = arith.index_cast %get3A_594 : i32 to index
      %get3A_596 = arith.index_cast %multiple_of3A : i32 to index
      %get3A_597 = tpu.vector_load %arg5[%get3A_595, %get3A_596] {strides = array<i32>} : memref<64x256xf32, #tpu.memory_space<vmem>>, vector<1x16xf32>,
      %get3A_598 = vector.shape_cast %get3A_597 : vector<1x16xf32> to vector<16xf32>
      %gt3A_599 = arith.cmpf ogt, %get3A_598, %select_n3A_590 : vector<16xf32>
      %select_n3A_600 = arith.select %gt3A_599, %get3A_598, %select_n3A_590 : vector<16xi1>, vector<16xf32>
      %broadcast_in_dim3A_601 = arith.constant 59 : i32
      %broadcast_in_dim3A_602 = vector.broadcast %broadcast_in_dim3A_601 : i32 to vector<16xi32>
      %select_n3A_603 = arith.select %gt3A_599, %broadcast_in_dim3A_602, %select_n3A_593 : vector<16xi1>, vector<16xi32>
      %get3A_604 = arith.constant 60 : i32
      %get3A_605 = arith.index_cast %get3A_604 : i32 to index
      %get3A_606 = arith.index_cast %multiple_of3A : i32 to index
      %get3A_607 = tpu.vector_load %arg5[%get3A_605, %get3A_606] {strides = array<i32>} : memref<64x256xf32, #tpu.memory_space<vmem>>, vector<1x16xf32>,
      %get3A_608 = vector.shape_cast %get3A_607 : vector<1x16xf32> to vector<16xf32>
      %gt3A_609 = arith.cmpf ogt, %get3A_608, %select_n3A_600 : vector<16xf32>
      %select_n3A_610 = arith.select %gt3A_609, %get3A_608, %select_n3A_600 : vector<16xi1>, vector<16xf32>
      %broadcast_in_dim3A_611 = arith.constant 60 : i32
      %broadcast_in_dim3A_612 = vector.broadcast %broadcast_in_dim3A_611 : i32 to vector<16xi32>
      %select_n3A_613 = arith.select %gt3A_609, %broadcast_in_dim3A_612, %select_n3A_603 : vector<16xi1>, vector<16xi32>
      %get3A_614 = arith.constant 61 : i32
      %get3A_615 = arith.index_cast %get3A_614 : i32 to index
      %get3A_616 = arith.index_cast %multiple_of3A : i32 to index
      %get3A_617 = tpu.vector_load %arg5[%get3A_615, %get3A_616] {strides = array<i32>} : memref<64x256xf32, #tpu.memory_space<vmem>>, vector<1x16xf32>,
      %get3A_618 = vector.shape_cast %get3A_617 : vector<1x16xf32> to vector<16xf32>
      %gt3A_619 = arith.cmpf ogt, %get3A_618, %select_n3A_610 : vector<16xf32>
      %select_n3A_620 = arith.select %gt3A_619, %get3A_618, %select_n3A_610 : vector<16xi1>, vector<16xf32>
      %broadcast_in_dim3A_621 = arith.constant 61 : i32
      %broadcast_in_dim3A_622 = vector.broadcast %broadcast_in_dim3A_621 : i32 to vector<16xi32>
      %select_n3A_623 = arith.select %gt3A_619, %broadcast_in_dim3A_622, %select_n3A_613 : vector<16xi1>, vector<16xi32>
      %get3A_624 = arith.constant 62 : i32
      %get3A_625 = arith.index_cast %get3A_624 : i32 to index
      %get3A_626 = arith.index_cast %multiple_of3A : i32 to index
      %get3A_627 = tpu.vector_load %arg5[%get3A_625, %get3A_626] {strides = array<i32>} : memref<64x256xf32, #tpu.memory_space<vmem>>, vector<1x16xf32>,
      %get3A_628 = vector.shape_cast %get3A_627 : vector<1x16xf32> to vector<16xf32>
      %gt3A_629 = arith.cmpf ogt, %get3A_628, %select_n3A_620 : vector<16xf32>
      %select_n3A_630 = arith.select %gt3A_629, %get3A_628, %select_n3A_620 : vector<16xi1>, vector<16xf32>
      %broadcast_in_dim3A_631 = arith.constant 62 : i32
      %broadcast_in_dim3A_632 = vector.broadcast %broadcast_in_dim3A_631 : i32 to vector<16xi32>
      %select_n3A_633 = arith.select %gt3A_629, %broadcast_in_dim3A_632, %select_n3A_623 : vector<16xi1>, vector<16xi32>
      %get3A_634 = arith.constant 63 : i32
      %get3A_635 = arith.index_cast %get3A_634 : i32 to index
      %get3A_636 = arith.index_cast %multiple_of3A : i32 to index
      %get3A_637 = tpu.vector_load %arg5[%get3A_635, %get3A_636] {strides = array<i32>} : memref<64x256xf32, #tpu.memory_space<vmem>>, vector<1x16xf32>,
      %get3A_638 = vector.shape_cast %get3A_637 : vector<1x16xf32> to vector<16xf32>
      %gt3A_639 = arith.cmpf ogt, %get3A_638, %select_n3A_630 : vector<16xf32>
      %select_n3A_640 = arith.select %gt3A_639, %get3A_638, %select_n3A_630 : vector<16xi1>, vector<16xf32>
      %broadcast_in_dim3A_641 = arith.constant 63 : i32
      %broadcast_in_dim3A_642 = vector.broadcast %broadcast_in_dim3A_641 : i32 to vector<16xi32>
      %select_n3A_643 = arith.select %gt3A_639, %broadcast_in_dim3A_642, %select_n3A_633 : vector<16xi1>, vector<16xi32>
      %broadcast_in_dim3A_644 = arith.constant 0.000000e+00 : f32
      %broadcast_in_dim3A_645 = vector.broadcast %broadcast_in_dim3A_644 : f32 to vector<16xf32>
      %get3A_646 = arith.constant 0 : i32
      %get3A_647 = arith.index_cast %get3A_646 : i32 to index
      %get3A_648 = arith.index_cast %multiple_of3A : i32 to index
      %get3A_649 = tpu.vector_load %arg5[%get3A_647, %get3A_648] {strides = array<i32>} : memref<64x256xf32, #tpu.memory_space<vmem>>, vector<1x16xf32>,
      %get3A_650 = vector.shape_cast %get3A_649 : vector<1x16xf32> to vector<16xf32>
      %sub3A = arith.subf %get3A_650, %select_n3A_640 : vector<16xf32>
      %exp3A = math.exp %sub3A : vector<16xf32>
      %add3A_651 = arith.addf %broadcast_in_dim3A_645, %exp3A : vector<16xf32>
      %get3A_652 = arith.constant 1 : i32
      %get3A_653 = arith.index_cast %get3A_652 : i32 to index
      %get3A_654 = arith.index_cast %multiple_of3A : i32 to index
      %get3A_655 = tpu.vector_load %arg5[%get3A_653, %get3A_654] {strides = array<i32>} : memref<64x256xf32, #tpu.memory_space<vmem>>, vector<1x16xf32>,
      %get3A_656 = vector.shape_cast %get3A_655 : vector<1x16xf32> to vector<16xf32>
      %sub3A_657 = arith.subf %get3A_656, %select_n3A_640 : vector<16xf32>
      %exp3A_658 = math.exp %sub3A_657 : vector<16xf32>
      %add3A_659 = arith.addf %add3A_651, %exp3A_658 : vector<16xf32>
      %get3A_660 = arith.constant 2 : i32
      %get3A_661 = arith.index_cast %get3A_660 : i32 to index
      %get3A_662 = arith.index_cast %multiple_of3A : i32 to index
      %get3A_663 = tpu.vector_load %arg5[%get3A_661, %get3A_662] {strides = array<i32>} : memref<64x256xf32, #tpu.memory_space<vmem>>, vector<1x16xf32>,
      %get3A_664 = vector.shape_cast %get3A_663 : vector<1x16xf32> to vector<16xf32>
      %sub3A_665 = arith.subf %get3A_664, %select_n3A_640 : vector<16xf32>
      %exp3A_666 = math.exp %sub3A_665 : vector<16xf32>
      %add3A_667 = arith.addf %add3A_659, %exp3A_666 : vector<16xf32>
      %get3A_668 = arith.constant 3 : i32
      %get3A_669 = arith.index_cast %get3A_668 : i32 to index
      %get3A_670 = arith.index_cast %multiple_of3A : i32 to index
      %get3A_671 = tpu.vector_load %arg5[%get3A_669, %get3A_670] {strides = array<i32>} : memref<64x256xf32, #tpu.memory_space<vmem>>, vector<1x16xf32>,
      %get3A_672 = vector.shape_cast %get3A_671 : vector<1x16xf32> to vector<16xf32>
      %sub3A_673 = arith.subf %get3A_672, %select_n3A_640 : vector<16xf32>
      %exp3A_674 = math.exp %sub3A_673 : vector<16xf32>
      %add3A_675 = arith.addf %add3A_667, %exp3A_674 : vector<16xf32>
      %get3A_676 = arith.constant 4 : i32
      %get3A_677 = arith.index_cast %get3A_676 : i32 to index
      %get3A_678 = arith.index_cast %multiple_of3A : i32 to index
      %get3A_679 = tpu.vector_load %arg5[%get3A_677, %get3A_678] {strides = array<i32>} : memref<64x256xf32, #tpu.memory_space<vmem>>, vector<1x16xf32>,
      %get3A_680 = vector.shape_cast %get3A_679 : vector<1x16xf32> to vector<16xf32>
      %sub3A_681 = arith.subf %get3A_680, %select_n3A_640 : vector<16xf32>
      %exp3A_682 = math.exp %sub3A_681 : vector<16xf32>
      %add3A_683 = arith.addf %add3A_675, %exp3A_682 : vector<16xf32>
      %get3A_684 = arith.constant 5 : i32
      %get3A_685 = arith.index_cast %get3A_684 : i32 to index
      %get3A_686 = arith.index_cast %multiple_of3A : i32 to index
      %get3A_687 = tpu.vector_load %arg5[%get3A_685, %get3A_686] {strides = array<i32>} : memref<64x256xf32, #tpu.memory_space<vmem>>, vector<1x16xf32>,
      %get3A_688 = vector.shape_cast %get3A_687 : vector<1x16xf32> to vector<16xf32>
      %sub3A_689 = arith.subf %get3A_688, %select_n3A_640 : vector<16xf32>
      %exp3A_690 = math.exp %sub3A_689 : vector<16xf32>
      %add3A_691 = arith.addf %add3A_683, %exp3A_690 : vector<16xf32>
      %get3A_692 = arith.constant 6 : i32
      %get3A_693 = arith.index_cast %get3A_692 : i32 to index
      %get3A_694 = arith.index_cast %multiple_of3A : i32 to index
      %get3A_695 = tpu.vector_load %arg5[%get3A_693, %get3A_694] {strides = array<i32>} : memref<64x256xf32, #tpu.memory_space<vmem>>, vector<1x16xf32>,
      %get3A_696 = vector.shape_cast %get3A_695 : vector<1x16xf32> to vector<16xf32>
      %sub3A_697 = arith.subf %get3A_696, %select_n3A_640 : vector<16xf32>
      %exp3A_698 = math.exp %sub3A_697 : vector<16xf32>
      %add3A_699 = arith.addf %add3A_691, %exp3A_698 : vector<16xf32>
      %get3A_700 = arith.constant 7 : i32
      %get3A_701 = arith.index_cast %get3A_700 : i32 to index
      %get3A_702 = arith.index_cast %multiple_of3A : i32 to index
      %get3A_703 = tpu.vector_load %arg5[%get3A_701, %get3A_702] {strides = array<i32>} : memref<64x256xf32, #tpu.memory_space<vmem>>, vector<1x16xf32>,
      %get3A_704 = vector.shape_cast %get3A_703 : vector<1x16xf32> to vector<16xf32>
      %sub3A_705 = arith.subf %get3A_704, %select_n3A_640 : vector<16xf32>
      %exp3A_706 = math.exp %sub3A_705 : vector<16xf32>
      %add3A_707 = arith.addf %add3A_699, %exp3A_706 : vector<16xf32>
      %get3A_708 = arith.constant 8 : i32
      %get3A_709 = arith.index_cast %get3A_708 : i32 to index
      %get3A_710 = arith.index_cast %multiple_of3A : i32 to index
      %get3A_711 = tpu.vector_load %arg5[%get3A_709, %get3A_710] {strides = array<i32>} : memref<64x256xf32, #tpu.memory_space<vmem>>, vector<1x16xf32>,
      %get3A_712 = vector.shape_cast %get3A_711 : vector<1x16xf32> to vector<16xf32>
      %sub3A_713 = arith.subf %get3A_712, %select_n3A_640 : vector<16xf32>
      %exp3A_714 = math.exp %sub3A_713 : vector<16xf32>
      %add3A_715 = arith.addf %add3A_707, %exp3A_714 : vector<16xf32>
      %get3A_716 = arith.constant 9 : i32
      %get3A_717 = arith.index_cast %get3A_716 : i32 to index
      %get3A_718 = arith.index_cast %multiple_of3A : i32 to index
      %get3A_719 = tpu.vector_load %arg5[%get3A_717, %get3A_718] {strides = array<i32>} : memref<64x256xf32, #tpu.memory_space<vmem>>, vector<1x16xf32>,
      %get3A_720 = vector.shape_cast %get3A_719 : vector<1x16xf32> to vector<16xf32>
      %sub3A_721 = arith.subf %get3A_720, %select_n3A_640 : vector<16xf32>
      %exp3A_722 = math.exp %sub3A_721 : vector<16xf32>
      %add3A_723 = arith.addf %add3A_715, %exp3A_722 : vector<16xf32>
      %get3A_724 = arith.constant 10 : i32
      %get3A_725 = arith.index_cast %get3A_724 : i32 to index
      %get3A_726 = arith.index_cast %multiple_of3A : i32 to index
      %get3A_727 = tpu.vector_load %arg5[%get3A_725, %get3A_726] {strides = array<i32>} : memref<64x256xf32, #tpu.memory_space<vmem>>, vector<1x16xf32>,
      %get3A_728 = vector.shape_cast %get3A_727 : vector<1x16xf32> to vector<16xf32>
      %sub3A_729 = arith.subf %get3A_728, %select_n3A_640 : vector<16xf32>
      %exp3A_730 = math.exp %sub3A_729 : vector<16xf32>
      %add3A_731 = arith.addf %add3A_723, %exp3A_730 : vector<16xf32>
      %get3A_732 = arith.constant 11 : i32
      %get3A_733 = arith.index_cast %get3A_732 : i32 to index
      %get3A_734 = arith.index_cast %multiple_of3A : i32 to index
      %get3A_735 = tpu.vector_load %arg5[%get3A_733, %get3A_734] {strides = array<i32>} : memref<64x256xf32, #tpu.memory_space<vmem>>, vector<1x16xf32>,
      %get3A_736 = vector.shape_cast %get3A_735 : vector<1x16xf32> to vector<16xf32>
      %sub3A_737 = arith.subf %get3A_736, %select_n3A_640 : vector<16xf32>
      %exp3A_738 = math.exp %sub3A_737 : vector<16xf32>
      %add3A_739 = arith.addf %add3A_731, %exp3A_738 : vector<16xf32>
      %get3A_740 = arith.constant 12 : i32
      %get3A_741 = arith.index_cast %get3A_740 : i32 to index
      %get3A_742 = arith.index_cast %multiple_of3A : i32 to index
      %get3A_743 = tpu.vector_load %arg5[%get3A_741, %get3A_742] {strides = array<i32>} : memref<64x256xf32, #tpu.memory_space<vmem>>, vector<1x16xf32>,
      %get3A_744 = vector.shape_cast %get3A_743 : vector<1x16xf32> to vector<16xf32>
      %sub3A_745 = arith.subf %get3A_744, %select_n3A_640 : vector<16xf32>
      %exp3A_746 = math.exp %sub3A_745 : vector<16xf32>
      %add3A_747 = arith.addf %add3A_739, %exp3A_746 : vector<16xf32>
      %get3A_748 = arith.constant 13 : i32
      %get3A_749 = arith.index_cast %get3A_748 : i32 to index
      %get3A_750 = arith.index_cast %multiple_of3A : i32 to index
      %get3A_751 = tpu.vector_load %arg5[%get3A_749, %get3A_750] {strides = array<i32>} : memref<64x256xf32, #tpu.memory_space<vmem>>, vector<1x16xf32>,
      %get3A_752 = vector.shape_cast %get3A_751 : vector<1x16xf32> to vector<16xf32>
      %sub3A_753 = arith.subf %get3A_752, %select_n3A_640 : vector<16xf32>
      %exp3A_754 = math.exp %sub3A_753 : vector<16xf32>
      %add3A_755 = arith.addf %add3A_747, %exp3A_754 : vector<16xf32>
      %get3A_756 = arith.constant 14 : i32
      %get3A_757 = arith.index_cast %get3A_756 : i32 to index
      %get3A_758 = arith.index_cast %multiple_of3A : i32 to index
      %get3A_759 = tpu.vector_load %arg5[%get3A_757, %get3A_758] {strides = array<i32>} : memref<64x256xf32, #tpu.memory_space<vmem>>, vector<1x16xf32>,
      %get3A_760 = vector.shape_cast %get3A_759 : vector<1x16xf32> to vector<16xf32>
      %sub3A_761 = arith.subf %get3A_760, %select_n3A_640 : vector<16xf32>
      %exp3A_762 = math.exp %sub3A_761 : vector<16xf32>
      %add3A_763 = arith.addf %add3A_755, %exp3A_762 : vector<16xf32>
      %get3A_764 = arith.constant 15 : i32
      %get3A_765 = arith.index_cast %get3A_764 : i32 to index
      %get3A_766 = arith.index_cast %multiple_of3A : i32 to index
      %get3A_767 = tpu.vector_load %arg5[%get3A_765, %get3A_766] {strides = array<i32>} : memref<64x256xf32, #tpu.memory_space<vmem>>, vector<1x16xf32>,
      %get3A_768 = vector.shape_cast %get3A_767 : vector<1x16xf32> to vector<16xf32>
      %sub3A_769 = arith.subf %get3A_768, %select_n3A_640 : vector<16xf32>
      %exp3A_770 = math.exp %sub3A_769 : vector<16xf32>
      %add3A_771 = arith.addf %add3A_763, %exp3A_770 : vector<16xf32>
      %get3A_772 = arith.constant 16 : i32
      %get3A_773 = arith.index_cast %get3A_772 : i32 to index
      %get3A_774 = arith.index_cast %multiple_of3A : i32 to index
      %get3A_775 = tpu.vector_load %arg5[%get3A_773, %get3A_774] {strides = array<i32>} : memref<64x256xf32, #tpu.memory_space<vmem>>, vector<1x16xf32>,
      %get3A_776 = vector.shape_cast %get3A_775 : vector<1x16xf32> to vector<16xf32>
      %sub3A_777 = arith.subf %get3A_776, %select_n3A_640 : vector<16xf32>
      %exp3A_778 = math.exp %sub3A_777 : vector<16xf32>
      %add3A_779 = arith.addf %add3A_771, %exp3A_778 : vector<16xf32>
      %get3A_780 = arith.constant 17 : i32
      %get3A_781 = arith.index_cast %get3A_780 : i32 to index
      %get3A_782 = arith.index_cast %multiple_of3A : i32 to index
      %get3A_783 = tpu.vector_load %arg5[%get3A_781, %get3A_782] {strides = array<i32>} : memref<64x256xf32, #tpu.memory_space<vmem>>, vector<1x16xf32>,
      %get3A_784 = vector.shape_cast %get3A_783 : vector<1x16xf32> to vector<16xf32>
      %sub3A_785 = arith.subf %get3A_784, %select_n3A_640 : vector<16xf32>
      %exp3A_786 = math.exp %sub3A_785 : vector<16xf32>
      %add3A_787 = arith.addf %add3A_779, %exp3A_786 : vector<16xf32>
      %get3A_788 = arith.constant 18 : i32
      %get3A_789 = arith.index_cast %get3A_788 : i32 to index
      %get3A_790 = arith.index_cast %multiple_of3A : i32 to index
      %get3A_791 = tpu.vector_load %arg5[%get3A_789, %get3A_790] {strides = array<i32>} : memref<64x256xf32, #tpu.memory_space<vmem>>, vector<1x16xf32>,
      %get3A_792 = vector.shape_cast %get3A_791 : vector<1x16xf32> to vector<16xf32>
      %sub3A_793 = arith.subf %get3A_792, %select_n3A_640 : vector<16xf32>
      %exp3A_794 = math.exp %sub3A_793 : vector<16xf32>
      %add3A_795 = arith.addf %add3A_787, %exp3A_794 : vector<16xf32>
      %get3A_796 = arith.constant 19 : i32
      %get3A_797 = arith.index_cast %get3A_796 : i32 to index
      %get3A_798 = arith.index_cast %multiple_of3A : i32 to index
      %get3A_799 = tpu.vector_load %arg5[%get3A_797, %get3A_798] {strides = array<i32>} : memref<64x256xf32, #tpu.memory_space<vmem>>, vector<1x16xf32>,
      %get3A_800 = vector.shape_cast %get3A_799 : vector<1x16xf32> to vector<16xf32>
      %sub3A_801 = arith.subf %get3A_800, %select_n3A_640 : vector<16xf32>
      %exp3A_802 = math.exp %sub3A_801 : vector<16xf32>
      %add3A_803 = arith.addf %add3A_795, %exp3A_802 : vector<16xf32>
      %get3A_804 = arith.constant 20 : i32
      %get3A_805 = arith.index_cast %get3A_804 : i32 to index
      %get3A_806 = arith.index_cast %multiple_of3A : i32 to index
      %get3A_807 = tpu.vector_load %arg5[%get3A_805, %get3A_806] {strides = array<i32>} : memref<64x256xf32, #tpu.memory_space<vmem>>, vector<1x16xf32>,
      %get3A_808 = vector.shape_cast %get3A_807 : vector<1x16xf32> to vector<16xf32>
      %sub3A_809 = arith.subf %get3A_808, %select_n3A_640 : vector<16xf32>
      %exp3A_810 = math.exp %sub3A_809 : vector<16xf32>
      %add3A_811 = arith.addf %add3A_803, %exp3A_810 : vector<16xf32>
      %get3A_812 = arith.constant 21 : i32
      %get3A_813 = arith.index_cast %get3A_812 : i32 to index
      %get3A_814 = arith.index_cast %multiple_of3A : i32 to index
      %get3A_815 = tpu.vector_load %arg5[%get3A_813, %get3A_814] {strides = array<i32>} : memref<64x256xf32, #tpu.memory_space<vmem>>, vector<1x16xf32>,
      %get3A_816 = vector.shape_cast %get3A_815 : vector<1x16xf32> to vector<16xf32>
      %sub3A_817 = arith.subf %get3A_816, %select_n3A_640 : vector<16xf32>
      %exp3A_818 = math.exp %sub3A_817 : vector<16xf32>
      %add3A_819 = arith.addf %add3A_811, %exp3A_818 : vector<16xf32>
      %get3A_820 = arith.constant 22 : i32
      %get3A_821 = arith.index_cast %get3A_820 : i32 to index
      %get3A_822 = arith.index_cast %multiple_of3A : i32 to index
      %get3A_823 = tpu.vector_load %arg5[%get3A_821, %get3A_822] {strides = array<i32>} : memref<64x256xf32, #tpu.memory_space<vmem>>, vector<1x16xf32>,
      %get3A_824 = vector.shape_cast %get3A_823 : vector<1x16xf32> to vector<16xf32>
      %sub3A_825 = arith.subf %get3A_824, %select_n3A_640 : vector<16xf32>
      %exp3A_826 = math.exp %sub3A_825 : vector<16xf32>
      %add3A_827 = arith.addf %add3A_819, %exp3A_826 : vector<16xf32>
      %get3A_828 = arith.constant 23 : i32
      %get3A_829 = arith.index_cast %get3A_828 : i32 to index
      %get3A_830 = arith.index_cast %multiple_of3A : i32 to index
      %get3A_831 = tpu.vector_load %arg5[%get3A_829, %get3A_830] {strides = array<i32>} : memref<64x256xf32, #tpu.memory_space<vmem>>, vector<1x16xf32>,
      %get3A_832 = vector.shape_cast %get3A_831 : vector<1x16xf32> to vector<16xf32>
      %sub3A_833 = arith.subf %get3A_832, %select_n3A_640 : vector<16xf32>
      %exp3A_834 = math.exp %sub3A_833 : vector<16xf32>
      %add3A_835 = arith.addf %add3A_827, %exp3A_834 : vector<16xf32>
      %get3A_836 = arith.constant 24 : i32
      %get3A_837 = arith.index_cast %get3A_836 : i32 to index
      %get3A_838 = arith.index_cast %multiple_of3A : i32 to index
      %get3A_839 = tpu.vector_load %arg5[%get3A_837, %get3A_838] {strides = array<i32>} : memref<64x256xf32, #tpu.memory_space<vmem>>, vector<1x16xf32>,
      %get3A_840 = vector.shape_cast %get3A_839 : vector<1x16xf32> to vector<16xf32>
      %sub3A_841 = arith.subf %get3A_840, %select_n3A_640 : vector<16xf32>
      %exp3A_842 = math.exp %sub3A_841 : vector<16xf32>
      %add3A_843 = arith.addf %add3A_835, %exp3A_842 : vector<16xf32>
      %get3A_844 = arith.constant 25 : i32
      %get3A_845 = arith.index_cast %get3A_844 : i32 to index
      %get3A_846 = arith.index_cast %multiple_of3A : i32 to index
      %get3A_847 = tpu.vector_load %arg5[%get3A_845, %get3A_846] {strides = array<i32>} : memref<64x256xf32, #tpu.memory_space<vmem>>, vector<1x16xf32>,
      %get3A_848 = vector.shape_cast %get3A_847 : vector<1x16xf32> to vector<16xf32>
      %sub3A_849 = arith.subf %get3A_848, %select_n3A_640 : vector<16xf32>
      %exp3A_850 = math.exp %sub3A_849 : vector<16xf32>
      %add3A_851 = arith.addf %add3A_843, %exp3A_850 : vector<16xf32>
      %get3A_852 = arith.constant 26 : i32
      %get3A_853 = arith.index_cast %get3A_852 : i32 to index
      %get3A_854 = arith.index_cast %multiple_of3A : i32 to index
      %get3A_855 = tpu.vector_load %arg5[%get3A_853, %get3A_854] {strides = array<i32>} : memref<64x256xf32, #tpu.memory_space<vmem>>, vector<1x16xf32>,
      %get3A_856 = vector.shape_cast %get3A_855 : vector<1x16xf32> to vector<16xf32>
      %sub3A_857 = arith.subf %get3A_856, %select_n3A_640 : vector<16xf32>
      %exp3A_858 = math.exp %sub3A_857 : vector<16xf32>
      %add3A_859 = arith.addf %add3A_851, %exp3A_858 : vector<16xf32>
      %get3A_860 = arith.constant 27 : i32
      %get3A_861 = arith.index_cast %get3A_860 : i32 to index
      %get3A_862 = arith.index_cast %multiple_of3A : i32 to index
      %get3A_863 = tpu.vector_load %arg5[%get3A_861, %get3A_862] {strides = array<i32>} : memref<64x256xf32, #tpu.memory_space<vmem>>, vector<1x16xf32>,
      %get3A_864 = vector.shape_cast %get3A_863 : vector<1x16xf32> to vector<16xf32>
      %sub3A_865 = arith.subf %get3A_864, %select_n3A_640 : vector<16xf32>
      %exp3A_866 = math.exp %sub3A_865 : vector<16xf32>
      %add3A_867 = arith.addf %add3A_859, %exp3A_866 : vector<16xf32>
      %get3A_868 = arith.constant 28 : i32
      %get3A_869 = arith.index_cast %get3A_868 : i32 to index
      %get3A_870 = arith.index_cast %multiple_of3A : i32 to index
      %get3A_871 = tpu.vector_load %arg5[%get3A_869, %get3A_870] {strides = array<i32>} : memref<64x256xf32, #tpu.memory_space<vmem>>, vector<1x16xf32>,
      %get3A_872 = vector.shape_cast %get3A_871 : vector<1x16xf32> to vector<16xf32>
      %sub3A_873 = arith.subf %get3A_872, %select_n3A_640 : vector<16xf32>
      %exp3A_874 = math.exp %sub3A_873 : vector<16xf32>
      %add3A_875 = arith.addf %add3A_867, %exp3A_874 : vector<16xf32>
      %get3A_876 = arith.constant 29 : i32
      %get3A_877 = arith.index_cast %get3A_876 : i32 to index
      %get3A_878 = arith.index_cast %multiple_of3A : i32 to index
      %get3A_879 = tpu.vector_load %arg5[%get3A_877, %get3A_878] {strides = array<i32>} : memref<64x256xf32, #tpu.memory_space<vmem>>, vector<1x16xf32>,
      %get3A_880 = vector.shape_cast %get3A_879 : vector<1x16xf32> to vector<16xf32>
      %sub3A_881 = arith.subf %get3A_880, %select_n3A_640 : vector<16xf32>
      %exp3A_882 = math.exp %sub3A_881 : vector<16xf32>
      %add3A_883 = arith.addf %add3A_875, %exp3A_882 : vector<16xf32>
      %get3A_884 = arith.constant 30 : i32
      %get3A_885 = arith.index_cast %get3A_884 : i32 to index
      %get3A_886 = arith.index_cast %multiple_of3A : i32 to index
      %get3A_887 = tpu.vector_load %arg5[%get3A_885, %get3A_886] {strides = array<i32>} : memref<64x256xf32, #tpu.memory_space<vmem>>, vector<1x16xf32>,
      %get3A_888 = vector.shape_cast %get3A_887 : vector<1x16xf32> to vector<16xf32>
      %sub3A_889 = arith.subf %get3A_888, %select_n3A_640 : vector<16xf32>
      %exp3A_890 = math.exp %sub3A_889 : vector<16xf32>
      %add3A_891 = arith.addf %add3A_883, %exp3A_890 : vector<16xf32>
      %get3A_892 = arith.constant 31 : i32
      %get3A_893 = arith.index_cast %get3A_892 : i32 to index
      %get3A_894 = arith.index_cast %multiple_of3A : i32 to index
      %get3A_895 = tpu.vector_load %arg5[%get3A_893, %get3A_894] {strides = array<i32>} : memref<64x256xf32, #tpu.memory_space<vmem>>, vector<1x16xf32>,
      %get3A_896 = vector.shape_cast %get3A_895 : vector<1x16xf32> to vector<16xf32>
      %sub3A_897 = arith.subf %get3A_896, %select_n3A_640 : vector<16xf32>
      %exp3A_898 = math.exp %sub3A_897 : vector<16xf32>
      %add3A_899 = arith.addf %add3A_891, %exp3A_898 : vector<16xf32>
      %get3A_900 = arith.constant 32 : i32
      %get3A_901 = arith.index_cast %get3A_900 : i32 to index
      %get3A_902 = arith.index_cast %multiple_of3A : i32 to index
      %get3A_903 = tpu.vector_load %arg5[%get3A_901, %get3A_902] {strides = array<i32>} : memref<64x256xf32, #tpu.memory_space<vmem>>, vector<1x16xf32>,
      %get3A_904 = vector.shape_cast %get3A_903 : vector<1x16xf32> to vector<16xf32>
      %sub3A_905 = arith.subf %get3A_904, %select_n3A_640 : vector<16xf32>
      %exp3A_906 = math.exp %sub3A_905 : vector<16xf32>
      %add3A_907 = arith.addf %add3A_899, %exp3A_906 : vector<16xf32>
      %get3A_908 = arith.constant 33 : i32
      %get3A_909 = arith.index_cast %get3A_908 : i32 to index
      %get3A_910 = arith.index_cast %multiple_of3A : i32 to index
      %get3A_911 = tpu.vector_load %arg5[%get3A_909, %get3A_910] {strides = array<i32>} : memref<64x256xf32, #tpu.memory_space<vmem>>, vector<1x16xf32>,
      %get3A_912 = vector.shape_cast %get3A_911 : vector<1x16xf32> to vector<16xf32>
      %sub3A_913 = arith.subf %get3A_912, %select_n3A_640 : vector<16xf32>
      %exp3A_914 = math.exp %sub3A_913 : vector<16xf32>
      %add3A_915 = arith.addf %add3A_907, %exp3A_914 : vector<16xf32>
      %get3A_916 = arith.constant 34 : i32
      %get3A_917 = arith.index_cast %get3A_916 : i32 to index
      %get3A_918 = arith.index_cast %multiple_of3A : i32 to index
      %get3A_919 = tpu.vector_load %arg5[%get3A_917, %get3A_918] {strides = array<i32>} : memref<64x256xf32, #tpu.memory_space<vmem>>, vector<1x16xf32>,
      %get3A_920 = vector.shape_cast %get3A_919 : vector<1x16xf32> to vector<16xf32>
      %sub3A_921 = arith.subf %get3A_920, %select_n3A_640 : vector<16xf32>
      %exp3A_922 = math.exp %sub3A_921 : vector<16xf32>
      %add3A_923 = arith.addf %add3A_915, %exp3A_922 : vector<16xf32>
      %get3A_924 = arith.constant 35 : i32
      %get3A_925 = arith.index_cast %get3A_924 : i32 to index
      %get3A_926 = arith.index_cast %multiple_of3A : i32 to index
      %get3A_927 = tpu.vector_load %arg5[%get3A_925, %get3A_926] {strides = array<i32>} : memref<64x256xf32, #tpu.memory_space<vmem>>, vector<1x16xf32>,
      %get3A_928 = vector.shape_cast %get3A_927 : vector<1x16xf32> to vector<16xf32>
      %sub3A_929 = arith.subf %get3A_928, %select_n3A_640 : vector<16xf32>
      %exp3A_930 = math.exp %sub3A_929 : vector<16xf32>
      %add3A_931 = arith.addf %add3A_923, %exp3A_930 : vector<16xf32>
      %get3A_932 = arith.constant 36 : i32
      %get3A_933 = arith.index_cast %get3A_932 : i32 to index
      %get3A_934 = arith.index_cast %multiple_of3A : i32 to index
      %get3A_935 = tpu.vector_load %arg5[%get3A_933, %get3A_934] {strides = array<i32>} : memref<64x256xf32, #tpu.memory_space<vmem>>, vector<1x16xf32>,
      %get3A_936 = vector.shape_cast %get3A_935 : vector<1x16xf32> to vector<16xf32>
      %sub3A_937 = arith.subf %get3A_936, %select_n3A_640 : vector<16xf32>
      %exp3A_938 = math.exp %sub3A_937 : vector<16xf32>
      %add3A_939 = arith.addf %add3A_931, %exp3A_938 : vector<16xf32>
      %get3A_940 = arith.constant 37 : i32
      %get3A_941 = arith.index_cast %get3A_940 : i32 to index
      %get3A_942 = arith.index_cast %multiple_of3A : i32 to index
      %get3A_943 = tpu.vector_load %arg5[%get3A_941, %get3A_942] {strides = array<i32>} : memref<64x256xf32, #tpu.memory_space<vmem>>, vector<1x16xf32>,
      %get3A_944 = vector.shape_cast %get3A_943 : vector<1x16xf32> to vector<16xf32>
      %sub3A_945 = arith.subf %get3A_944, %select_n3A_640 : vector<16xf32>
      %exp3A_946 = math.exp %sub3A_945 : vector<16xf32>
      %add3A_947 = arith.addf %add3A_939, %exp3A_946 : vector<16xf32>
      %get3A_948 = arith.constant 38 : i32
      %get3A_949 = arith.index_cast %get3A_948 : i32 to index
      %get3A_950 = arith.index_cast %multiple_of3A : i32 to index
      %get3A_951 = tpu.vector_load %arg5[%get3A_949, %get3A_950] {strides = array<i32>} : memref<64x256xf32, #tpu.memory_space<vmem>>, vector<1x16xf32>,
      %get3A_952 = vector.shape_cast %get3A_951 : vector<1x16xf32> to vector<16xf32>
      %sub3A_953 = arith.subf %get3A_952, %select_n3A_640 : vector<16xf32>
      %exp3A_954 = math.exp %sub3A_953 : vector<16xf32>
      %add3A_955 = arith.addf %add3A_947, %exp3A_954 : vector<16xf32>
      %get3A_956 = arith.constant 39 : i32
      %get3A_957 = arith.index_cast %get3A_956 : i32 to index
      %get3A_958 = arith.index_cast %multiple_of3A : i32 to index
      %get3A_959 = tpu.vector_load %arg5[%get3A_957, %get3A_958] {strides = array<i32>} : memref<64x256xf32, #tpu.memory_space<vmem>>, vector<1x16xf32>,
      %get3A_960 = vector.shape_cast %get3A_959 : vector<1x16xf32> to vector<16xf32>
      %sub3A_961 = arith.subf %get3A_960, %select_n3A_640 : vector<16xf32>
      %exp3A_962 = math.exp %sub3A_961 : vector<16xf32>
      %add3A_963 = arith.addf %add3A_955, %exp3A_962 : vector<16xf32>
      %get3A_964 = arith.constant 40 : i32
      %get3A_965 = arith.index_cast %get3A_964 : i32 to index
      %get3A_966 = arith.index_cast %multiple_of3A : i32 to index
      %get3A_967 = tpu.vector_load %arg5[%get3A_965, %get3A_966] {strides = array<i32>} : memref<64x256xf32, #tpu.memory_space<vmem>>, vector<1x16xf32>,
      %get3A_968 = vector.shape_cast %get3A_967 : vector<1x16xf32> to vector<16xf32>
      %sub3A_969 = arith.subf %get3A_968, %select_n3A_640 : vector<16xf32>
      %exp3A_970 = math.exp %sub3A_969 : vector<16xf32>
      %add3A_971 = arith.addf %add3A_963, %exp3A_970 : vector<16xf32>
      %get3A_972 = arith.constant 41 : i32
      %get3A_973 = arith.index_cast %get3A_972 : i32 to index
      %get3A_974 = arith.index_cast %multiple_of3A : i32 to index
      %get3A_975 = tpu.vector_load %arg5[%get3A_973, %get3A_974] {strides = array<i32>} : memref<64x256xf32, #tpu.memory_space<vmem>>, vector<1x16xf32>,
      %get3A_976 = vector.shape_cast %get3A_975 : vector<1x16xf32> to vector<16xf32>
      %sub3A_977 = arith.subf %get3A_976, %select_n3A_640 : vector<16xf32>
      %exp3A_978 = math.exp %sub3A_977 : vector<16xf32>
      %add3A_979 = arith.addf %add3A_971, %exp3A_978 : vector<16xf32>
      %get3A_980 = arith.constant 42 : i32
      %get3A_981 = arith.index_cast %get3A_980 : i32 to index
      %get3A_982 = arith.index_cast %multiple_of3A : i32 to index
      %get3A_983 = tpu.vector_load %arg5[%get3A_981, %get3A_982] {strides = array<i32>} : memref<64x256xf32, #tpu.memory_space<vmem>>, vector<1x16xf32>,
      %get3A_984 = vector.shape_cast %get3A_983 : vector<1x16xf32> to vector<16xf32>
      %sub3A_985 = arith.subf %get3A_984, %select_n3A_640 : vector<16xf32>
      %exp3A_986 = math.exp %sub3A_985 : vector<16xf32>
      %add3A_987 = arith.addf %add3A_979, %exp3A_986 : vector<16xf32>
      %get3A_988 = arith.constant 43 : i32
      %get3A_989 = arith.index_cast %get3A_988 : i32 to index
      %get3A_990 = arith.index_cast %multiple_of3A : i32 to index
      %get3A_991 = tpu.vector_load %arg5[%get3A_989, %get3A_990] {strides = array<i32>} : memref<64x256xf32, #tpu.memory_space<vmem>>, vector<1x16xf32>,
      %get3A_992 = vector.shape_cast %get3A_991 : vector<1x16xf32> to vector<16xf32>
      %sub3A_993 = arith.subf %get3A_992, %select_n3A_640 : vector<16xf32>
      %exp3A_994 = math.exp %sub3A_993 : vector<16xf32>
      %add3A_995 = arith.addf %add3A_987, %exp3A_994 : vector<16xf32>
      %get3A_996 = arith.constant 44 : i32
      %get3A_997 = arith.index_cast %get3A_996 : i32 to index
      %get3A_998 = arith.index_cast %multiple_of3A : i32 to index
      %get3A_999 = tpu.vector_load %arg5[%get3A_997, %get3A_998] {strides = array<i32>} : memref<64x256xf32, #tpu.memory_space<vmem>>, vector<1x16xf32>,
      %get3A_1000 = vector.shape_cast %get3A_999 : vector<1x16xf32> to vector<16xf32>
      %sub3A_1001 = arith.subf %get3A_1000, %select_n3A_640 : vector<16xf32>
      %exp3A_1002 = math.exp %sub3A_1001 : vector<16xf32>
      %add3A_1003 = arith.addf %add3A_995, %exp3A_1002 : vector<16xf32>
      %get3A_1004 = arith.constant 45 : i32
      %get3A_1005 = arith.index_cast %get3A_1004 : i32 to index
      %get3A_1006 = arith.index_cast %multiple_of3A : i32 to index
      %get3A_1007 = tpu.vector_load %arg5[%get3A_1005, %get3A_1006] {strides = array<i32>} : memref<64x256xf32, #tpu.memory_space<vmem>>, vector<1x16xf32>,
      %get3A_1008 = vector.shape_cast %get3A_1007 : vector<1x16xf32> to vector<16xf32>
      %sub3A_1009 = arith.subf %get3A_1008, %select_n3A_640 : vector<16xf32>
      %exp3A_1010 = math.exp %sub3A_1009 : vector<16xf32>
      %add3A_1011 = arith.addf %add3A_1003, %exp3A_1010 : vector<16xf32>
      %get3A_1012 = arith.constant 46 : i32
      %get3A_1013 = arith.index_cast %get3A_1012 : i32 to index
      %get3A_1014 = arith.index_cast %multiple_of3A : i32 to index
      %get3A_1015 = tpu.vector_load %arg5[%get3A_1013, %get3A_1014] {strides = array<i32>} : memref<64x256xf32, #tpu.memory_space<vmem>>, vector<1x16xf32>,
      %get3A_1016 = vector.shape_cast %get3A_1015 : vector<1x16xf32> to vector<16xf32>
      %sub3A_1017 = arith.subf %get3A_1016, %select_n3A_640 : vector<16xf32>
      %exp3A_1018 = math.exp %sub3A_1017 : vector<16xf32>
      %add3A_1019 = arith.addf %add3A_1011, %exp3A_1018 : vector<16xf32>
      %get3A_1020 = arith.constant 47 : i32
      %get3A_1021 = arith.index_cast %get3A_1020 : i32 to index
      %get3A_1022 = arith.index_cast %multiple_of3A : i32 to index
      %get3A_1023 = tpu.vector_load %arg5[%get3A_1021, %get3A_1022] {strides = array<i32>} : memref<64x256xf32, #tpu.memory_space<vmem>>, vector<1x16xf32>,
      %get3A_1024 = vector.shape_cast %get3A_1023 : vector<1x16xf32> to vector<16xf32>
      %sub3A_1025 = arith.subf %get3A_1024, %select_n3A_640 : vector<16xf32>
      %exp3A_1026 = math.exp %sub3A_1025 : vector<16xf32>
      %add3A_1027 = arith.addf %add3A_1019, %exp3A_1026 : vector<16xf32>
      %get3A_1028 = arith.constant 48 : i32
      %get3A_1029 = arith.index_cast %get3A_1028 : i32 to index
      %get3A_1030 = arith.index_cast %multiple_of3A : i32 to index
      %get3A_1031 = tpu.vector_load %arg5[%get3A_1029, %get3A_1030] {strides = array<i32>} : memref<64x256xf32, #tpu.memory_space<vmem>>, vector<1x16xf32>,
      %get3A_1032 = vector.shape_cast %get3A_1031 : vector<1x16xf32> to vector<16xf32>
      %sub3A_1033 = arith.subf %get3A_1032, %select_n3A_640 : vector<16xf32>
      %exp3A_1034 = math.exp %sub3A_1033 : vector<16xf32>
      %add3A_1035 = arith.addf %add3A_1027, %exp3A_1034 : vector<16xf32>
      %get3A_1036 = arith.constant 49 : i32
      %get3A_1037 = arith.index_cast %get3A_1036 : i32 to index
      %get3A_1038 = arith.index_cast %multiple_of3A : i32 to index
      %get3A_1039 = tpu.vector_load %arg5[%get3A_1037, %get3A_1038] {strides = array<i32>} : memref<64x256xf32, #tpu.memory_space<vmem>>, vector<1x16xf32>,
      %get3A_1040 = vector.shape_cast %get3A_1039 : vector<1x16xf32> to vector<16xf32>
      %sub3A_1041 = arith.subf %get3A_1040, %select_n3A_640 : vector<16xf32>
      %exp3A_1042 = math.exp %sub3A_1041 : vector<16xf32>
      %add3A_1043 = arith.addf %add3A_1035, %exp3A_1042 : vector<16xf32>
      %get3A_1044 = arith.constant 50 : i32
      %get3A_1045 = arith.index_cast %get3A_1044 : i32 to index
      %get3A_1046 = arith.index_cast %multiple_of3A : i32 to index
      %get3A_1047 = tpu.vector_load %arg5[%get3A_1045, %get3A_1046] {strides = array<i32>} : memref<64x256xf32, #tpu.memory_space<vmem>>, vector<1x16xf32>,
      %get3A_1048 = vector.shape_cast %get3A_1047 : vector<1x16xf32> to vector<16xf32>
      %sub3A_1049 = arith.subf %get3A_1048, %select_n3A_640 : vector<16xf32>
      %exp3A_1050 = math.exp %sub3A_1049 : vector<16xf32>
      %add3A_1051 = arith.addf %add3A_1043, %exp3A_1050 : vector<16xf32>
      %get3A_1052 = arith.constant 51 : i32
      %get3A_1053 = arith.index_cast %get3A_1052 : i32 to index
      %get3A_1054 = arith.index_cast %multiple_of3A : i32 to index
      %get3A_1055 = tpu.vector_load %arg5[%get3A_1053, %get3A_1054] {strides = array<i32>} : memref<64x256xf32, #tpu.memory_space<vmem>>, vector<1x16xf32>,
      %get3A_1056 = vector.shape_cast %get3A_1055 : vector<1x16xf32> to vector<16xf32>
      %sub3A_1057 = arith.subf %get3A_1056, %select_n3A_640 : vector<16xf32>
      %exp3A_1058 = math.exp %sub3A_1057 : vector<16xf32>
      %add3A_1059 = arith.addf %add3A_1051, %exp3A_1058 : vector<16xf32>
      %get3A_1060 = arith.constant 52 : i32
      %get3A_1061 = arith.index_cast %get3A_1060 : i32 to index
      %get3A_1062 = arith.index_cast %multiple_of3A : i32 to index
      %get3A_1063 = tpu.vector_load %arg5[%get3A_1061, %get3A_1062] {strides = array<i32>} : memref<64x256xf32, #tpu.memory_space<vmem>>, vector<1x16xf32>,
      %get3A_1064 = vector.shape_cast %get3A_1063 : vector<1x16xf32> to vector<16xf32>
      %sub3A_1065 = arith.subf %get3A_1064, %select_n3A_640 : vector<16xf32>
      %exp3A_1066 = math.exp %sub3A_1065 : vector<16xf32>
      %add3A_1067 = arith.addf %add3A_1059, %exp3A_1066 : vector<16xf32>
      %get3A_1068 = arith.constant 53 : i32
      %get3A_1069 = arith.index_cast %get3A_1068 : i32 to index
      %get3A_1070 = arith.index_cast %multiple_of3A : i32 to index
      %get3A_1071 = tpu.vector_load %arg5[%get3A_1069, %get3A_1070] {strides = array<i32>} : memref<64x256xf32, #tpu.memory_space<vmem>>, vector<1x16xf32>,
      %get3A_1072 = vector.shape_cast %get3A_1071 : vector<1x16xf32> to vector<16xf32>
      %sub3A_1073 = arith.subf %get3A_1072, %select_n3A_640 : vector<16xf32>
      %exp3A_1074 = math.exp %sub3A_1073 : vector<16xf32>
      %add3A_1075 = arith.addf %add3A_1067, %exp3A_1074 : vector<16xf32>
      %get3A_1076 = arith.constant 54 : i32
      %get3A_1077 = arith.index_cast %get3A_1076 : i32 to index
      %get3A_1078 = arith.index_cast %multiple_of3A : i32 to index
      %get3A_1079 = tpu.vector_load %arg5[%get3A_1077, %get3A_1078] {strides = array<i32>} : memref<64x256xf32, #tpu.memory_space<vmem>>, vector<1x16xf32>,
      %get3A_1080 = vector.shape_cast %get3A_1079 : vector<1x16xf32> to vector<16xf32>
      %sub3A_1081 = arith.subf %get3A_1080, %select_n3A_640 : vector<16xf32>
      %exp3A_1082 = math.exp %sub3A_1081 : vector<16xf32>
      %add3A_1083 = arith.addf %add3A_1075, %exp3A_1082 : vector<16xf32>
      %get3A_1084 = arith.constant 55 : i32
      %get3A_1085 = arith.index_cast %get3A_1084 : i32 to index
      %get3A_1086 = arith.index_cast %multiple_of3A : i32 to index
      %get3A_1087 = tpu.vector_load %arg5[%get3A_1085, %get3A_1086] {strides = array<i32>} : memref<64x256xf32, #tpu.memory_space<vmem>>, vector<1x16xf32>,
      %get3A_1088 = vector.shape_cast %get3A_1087 : vector<1x16xf32> to vector<16xf32>
      %sub3A_1089 = arith.subf %get3A_1088, %select_n3A_640 : vector<16xf32>
      %exp3A_1090 = math.exp %sub3A_1089 : vector<16xf32>
      %add3A_1091 = arith.addf %add3A_1083, %exp3A_1090 : vector<16xf32>
      %get3A_1092 = arith.constant 56 : i32
      %get3A_1093 = arith.index_cast %get3A_1092 : i32 to index
      %get3A_1094 = arith.index_cast %multiple_of3A : i32 to index
      %get3A_1095 = tpu.vector_load %arg5[%get3A_1093, %get3A_1094] {strides = array<i32>} : memref<64x256xf32, #tpu.memory_space<vmem>>, vector<1x16xf32>,
      %get3A_1096 = vector.shape_cast %get3A_1095 : vector<1x16xf32> to vector<16xf32>
      %sub3A_1097 = arith.subf %get3A_1096, %select_n3A_640 : vector<16xf32>
      %exp3A_1098 = math.exp %sub3A_1097 : vector<16xf32>
      %add3A_1099 = arith.addf %add3A_1091, %exp3A_1098 : vector<16xf32>
      %get3A_1100 = arith.constant 57 : i32
      %get3A_1101 = arith.index_cast %get3A_1100 : i32 to index
      %get3A_1102 = arith.index_cast %multiple_of3A : i32 to index
      %get3A_1103 = tpu.vector_load %arg5[%get3A_1101, %get3A_1102] {strides = array<i32>} : memref<64x256xf32, #tpu.memory_space<vmem>>, vector<1x16xf32>,
      %get3A_1104 = vector.shape_cast %get3A_1103 : vector<1x16xf32> to vector<16xf32>
      %sub3A_1105 = arith.subf %get3A_1104, %select_n3A_640 : vector<16xf32>
      %exp3A_1106 = math.exp %sub3A_1105 : vector<16xf32>
      %add3A_1107 = arith.addf %add3A_1099, %exp3A_1106 : vector<16xf32>
      %get3A_1108 = arith.constant 58 : i32
      %get3A_1109 = arith.index_cast %get3A_1108 : i32 to index
      %get3A_1110 = arith.index_cast %multiple_of3A : i32 to index
      %get3A_1111 = tpu.vector_load %arg5[%get3A_1109, %get3A_1110] {strides = array<i32>} : memref<64x256xf32, #tpu.memory_space<vmem>>, vector<1x16xf32>,
      %get3A_1112 = vector.shape_cast %get3A_1111 : vector<1x16xf32> to vector<16xf32>
      %sub3A_1113 = arith.subf %get3A_1112, %select_n3A_640 : vector<16xf32>
      %exp3A_1114 = math.exp %sub3A_1113 : vector<16xf32>
      %add3A_1115 = arith.addf %add3A_1107, %exp3A_1114 : vector<16xf32>
      %get3A_1116 = arith.constant 59 : i32
      %get3A_1117 = arith.index_cast %get3A_1116 : i32 to index
      %get3A_1118 = arith.index_cast %multiple_of3A : i32 to index
      %get3A_1119 = tpu.vector_load %arg5[%get3A_1117, %get3A_1118] {strides = array<i32>} : memref<64x256xf32, #tpu.memory_space<vmem>>, vector<1x16xf32>,
      %get3A_1120 = vector.shape_cast %get3A_1119 : vector<1x16xf32> to vector<16xf32>
      %sub3A_1121 = arith.subf %get3A_1120, %select_n3A_640 : vector<16xf32>
      %exp3A_1122 = math.exp %sub3A_1121 : vector<16xf32>
      %add3A_1123 = arith.addf %add3A_1115, %exp3A_1122 : vector<16xf32>
      %get3A_1124 = arith.constant 60 : i32
      %get3A_1125 = arith.index_cast %get3A_1124 : i32 to index
      %get3A_1126 = arith.index_cast %multiple_of3A : i32 to index
      %get3A_1127 = tpu.vector_load %arg5[%get3A_1125, %get3A_1126] {strides = array<i32>} : memref<64x256xf32, #tpu.memory_space<vmem>>, vector<1x16xf32>,
      %get3A_1128 = vector.shape_cast %get3A_1127 : vector<1x16xf32> to vector<16xf32>
      %sub3A_1129 = arith.subf %get3A_1128, %select_n3A_640 : vector<16xf32>
      %exp3A_1130 = math.exp %sub3A_1129 : vector<16xf32>
      %add3A_1131 = arith.addf %add3A_1123, %exp3A_1130 : vector<16xf32>
      %get3A_1132 = arith.constant 61 : i32
      %get3A_1133 = arith.index_cast %get3A_1132 : i32 to index
      %get3A_1134 = arith.index_cast %multiple_of3A : i32 to index
      %get3A_1135 = tpu.vector_load %arg5[%get3A_1133, %get3A_1134] {strides = array<i32>} : memref<64x256xf32, #tpu.memory_space<vmem>>, vector<1x16xf32>,
      %get3A_1136 = vector.shape_cast %get3A_1135 : vector<1x16xf32> to vector<16xf32>
      %sub3A_1137 = arith.subf %get3A_1136, %select_n3A_640 : vector<16xf32>
      %exp3A_1138 = math.exp %sub3A_1137 : vector<16xf32>
      %add3A_1139 = arith.addf %add3A_1131, %exp3A_1138 : vector<16xf32>
      %get3A_1140 = arith.constant 62 : i32
      %get3A_1141 = arith.index_cast %get3A_1140 : i32 to index
      %get3A_1142 = arith.index_cast %multiple_of3A : i32 to index
      %get3A_1143 = tpu.vector_load %arg5[%get3A_1141, %get3A_1142] {strides = array<i32>} : memref<64x256xf32, #tpu.memory_space<vmem>>, vector<1x16xf32>,
      %get3A_1144 = vector.shape_cast %get3A_1143 : vector<1x16xf32> to vector<16xf32>
      %sub3A_1145 = arith.subf %get3A_1144, %select_n3A_640 : vector<16xf32>
      %exp3A_1146 = math.exp %sub3A_1145 : vector<16xf32>
      %add3A_1147 = arith.addf %add3A_1139, %exp3A_1146 : vector<16xf32>
      %get3A_1148 = arith.constant 63 : i32
      %get3A_1149 = arith.index_cast %get3A_1148 : i32 to index
      %get3A_1150 = arith.index_cast %multiple_of3A : i32 to index
      %get3A_1151 = tpu.vector_load %arg5[%get3A_1149, %get3A_1150] {strides = array<i32>} : memref<64x256xf32, #tpu.memory_space<vmem>>, vector<1x16xf32>,
      %get3A_1152 = vector.shape_cast %get3A_1151 : vector<1x16xf32> to vector<16xf32>
      %sub3A_1153 = arith.subf %get3A_1152, %select_n3A_640 : vector<16xf32>
      %exp3A_1154 = math.exp %sub3A_1153 : vector<16xf32>
      %add3A_1155 = arith.addf %add3A_1147, %exp3A_1154 : vector<16xf32>
      %swap3A = arith.index_cast %multiple_of3A : i32 to index
      %swap3A_1156 = tpu.vector_load %arg6[%swap3A] {strides = array<i32>} : memref<256xi32, #tpu.memory_space<vmem>>, vector<16xi32>,
      %swap3A_1157 = vector.shape_cast %swap3A_1156 : vector<16xi32> to vector<16xi32>
      %swap3A_1158 = vector.shape_cast %select_n3A_643 : vector<16xi32> to vector<16xi32>
      tpu.vector_store %arg6[%swap3A], %swap3A_1158 {strides = array<i32>} : memref<256xi32, #tpu.memory_space<vmem>>, vector<16xi32>,
      %div3A = arith.constant 1.000000e+00 : f32
      %div3A_1159 = vector.broadcast %div3A : f32 to vector<16xf32>
      %div3A_1160 = arith.divf %div3A_1159, %add3A_1155 : vector<16xf32>
      %swap3A_1161 = arith.index_cast %multiple_of3A : i32 to index
      %swap3A_1162 = tpu.vector_load %arg7[%swap3A_1161] {strides = array<i32>} : memref<256xf32, #tpu.memory_space<vmem>>, vector<16xf32>,
      %swap3A_1163 = vector.shape_cast %swap3A_1162 : vector<16xf32> to vector<16xf32>
      %swap3A_1164 = vector.shape_cast %div3A_1160 : vector<16xf32> to vector<16xf32>
      tpu.vector_store %arg7[%swap3A_1161], %swap3A_1164 {strides = array<i32>} : memref<256xf32, #tpu.memory_space<vmem>>, vector<16xf32>,
    }
    %scan3A_7 = arith.constant 16 : i32
    "tpu.region"() ({
      %run_scoped3A = tpu.sem_alloc : memref<!tpu.dma_semaphore, #tpu.memory_space<semaphore_mem>>
      %dma_start3A = tpu.memref_slice %arg3[%mul3A_2] : memref<8192xi32, #tpu.memory_space<hbm>> -> memref<256xi32, #tpu.memory_space<hbm>>
      %dma_start3A_8 = tpu.memref_slice %arg3[%mul3A_2] : memref<8192xi32, #tpu.memory_space<hbm>> -> memref<256xi32, #tpu.memory_space<hbm>>
      tpu.enqueue_dma source(%arg6 : memref<256xi32, #tpu.memory_space<vmem>>) target(%dma_start3A_8 : memref<256xi32, #tpu.memory_space<hbm>>) target_semaphore(%run_scoped3A : memref<!tpu.dma_semaphore, #tpu.memory_space<semaphore_mem>>)
      %dma_wait3A = tpu.memref_slice %arg3[%mul3A_2] : memref<8192xi32, #tpu.memory_space<hbm>> -> memref<256xi32, #tpu.memory_space<hbm>>
      %dma_wait3A_9 = tpu.memref_slice %arg3[%mul3A_2] : memref<8192xi32, #tpu.memory_space<hbm>> -> memref<256xi32, #tpu.memory_space<hbm>>
      tpu.wait_dma2 semaphore(%run_scoped3A : memref<!tpu.dma_semaphore, #tpu.memory_space<semaphore_mem>>) src(%arg6 : memref<256xi32, #tpu.memory_space<vmem>>) dst(%dma_wait3A_9 : memref<256xi32, #tpu.memory_space<hbm>>)
      tpu.yield
    }) : () -> ()
    "tpu.region"() ({
      %run_scoped3A = tpu.sem_alloc : memref<!tpu.dma_semaphore, #tpu.memory_space<semaphore_mem>>
      %dma_start3A = tpu.memref_slice %arg4[%mul3A_2] : memref<8192xf32, #tpu.memory_space<hbm>> -> memref<256xf32, #tpu.memory_space<hbm>>
      %dma_start3A_8 = tpu.memref_slice %arg4[%mul3A_2] : memref<8192xf32, #tpu.memory_space<hbm>> -> memref<256xf32, #tpu.memory_space<hbm>>
      tpu.enqueue_dma source(%arg7 : memref<256xf32, #tpu.memory_space<vmem>>) target(%dma_start3A_8 : memref<256xf32, #tpu.memory_space<hbm>>) target_semaphore(%run_scoped3A : memref<!tpu.dma_semaphore, #tpu.memory_space<semaphore_mem>>)
      %dma_wait3A = tpu.memref_slice %arg4[%mul3A_2] : memref<8192xf32, #tpu.memory_space<hbm>> -> memref<256xf32, #tpu.memory_space<hbm>>
      %dma_wait3A_9 = tpu.memref_slice %arg4[%mul3A_2] : memref<8192xf32, #tpu.memory_space<hbm>> -> memref<256xf32, #tpu.memory_space<hbm>>
      tpu.wait_dma2 semaphore(%run_scoped3A : memref<!tpu.dma_semaphore, #tpu.memory_space<semaphore_mem>>) src(%arg7 : memref<256xf32, #tpu.memory_space<vmem>>) dst(%dma_wait3A_9 : memref<256xf32, #tpu.memory_space<hbm>>)
      tpu.yield
    }) : () -> ()
    return
  }
}

module attributes {stable_mosaic.version = 14 : i64} {
  func.func @_logits_body(%arg0: i32, %arg1: memref<1024x2048xf32, #tpu.memory_space<vmem>>, %arg2: memref<1x2048xf32, #tpu.memory_space<vmem>>, %arg3: memref<64x2048xf32, #tpu.memory_space<vmem>>, %arg4: memref<64x1024xf32, #tpu.memory_space<vmem>>) attributes {dimension_semantics = [#tpu.dimension_semantics<parallel>], iteration_bounds = array<i64: 8>, scalar_prefetch = 0 : i64, scratch_operands = 0 : i64, tpu.core_type = #tpu.core_type<tc>, window_params = [{transform_indices = @transform_0, window_bounds = array<i64: 1024, 2048>}, {pipeline_mode = #tpu.pipeline_mode<synchronous>, transform_indices = @transform_1, window_bounds = array<i64: 1, 2048>}, {pipeline_mode = #tpu.pipeline_mode<synchronous>, transform_indices = @transform_2, window_bounds = array<i64: 64, 2048>}, {transform_indices = @transform_3, window_bounds = array<i64: 64, 1024>}]} {
    %get3A = arith.constant 0 : index
    %get3A_0 = arith.constant 0 : index
    %get3A_1 = vector.load %arg1[%get3A, %get3A_0] : memref<1024x2048xf32, #tpu.memory_space<vmem>>, vector<1024x2048xf32>
    %mul3A = arith.mulf %get3A_1, %get3A_1 : vector<1024x2048xf32>
    %reduce_sum3A = arith.constant dense<0.000000e+00> : vector<1024xf32>
    %reduce_sum3A_2 = vector.multi_reduction <add>, %mul3A, %reduce_sum3A [1] : vector<1024x2048xf32> to vector<1024xf32>
    %broadcast_in_dim3A = vector.shape_cast %reduce_sum3A_2 : vector<1024xf32> to vector<1024x1xf32>
    %mul3A_3 = arith.constant 4.8828125E-4 : f32
    %mul3A_4 = vector.broadcast %mul3A_3 : f32 to vector<1024x1xf32>
    %mul3A_5 = arith.mulf %broadcast_in_dim3A, %mul3A_4 : vector<1024x1xf32>
    %add3A = arith.constant 9.99999997E-7 : f32
    %add3A_6 = vector.broadcast %add3A : f32 to vector<1024x1xf32>
    %add3A_7 = arith.addf %mul3A_5, %add3A_6 : vector<1024x1xf32>
    %rsqrt3A = math.rsqrt %add3A_7 : vector<1024x1xf32>
    %mul3A_8 = vector.broadcast %rsqrt3A : vector<1024x1xf32> to vector<1024x2048xf32>
    %mul3A_9 = arith.mulf %get3A_1, %mul3A_8 : vector<1024x2048xf32>
    %get3A_10 = arith.constant 0 : index
    %get3A_11 = arith.constant 0 : index
    %get3A_12 = vector.load %arg3[%get3A_10, %get3A_11] : memref<64x2048xf32, #tpu.memory_space<vmem>>, vector<64x2048xf32>
    %get3A_13 = arith.constant 0 : index
    %get3A_14 = arith.constant 0 : index
    %get3A_15 = vector.load %arg2[%get3A_13, %get3A_14] : memref<1x2048xf32, #tpu.memory_space<vmem>>, vector<1x2048xf32>
    %mul3A_16 = vector.broadcast %get3A_15 : vector<1x2048xf32> to vector<64x2048xf32>
    %mul3A_17 = arith.mulf %get3A_12, %mul3A_16 : vector<64x2048xf32>
    %dot_general3A = arith.constant dense<0.000000e+00> : vector<64x1024xf32>
    %dot_general3A_18 = tpu.matmul %mul3A_17, %mul3A_9, %dot_general3A {dimension_numbers = #tpu.dot_dimension_numbers<[1], [1], [0], [0], [0, 0, 1, 0], [], []>, transpose_lhs_hint = false} : vector<64x2048xf32>, vector<1024x2048xf32>, vector<64x1024xf32> -> vector<64x1024xf32>
    %swap3A = arith.constant 0 : index
    %swap3A_19 = arith.constant 0 : index
    %swap3A_20 = vector.load %arg4[%swap3A, %swap3A_19] : memref<64x1024xf32, #tpu.memory_space<vmem>>, vector<64x1024xf32>
    tpu.vector_store %arg4[%swap3A, %swap3A_19], %dot_general3A_18 {strides = array<i32>} : memref<64x1024xf32, #tpu.memory_space<vmem>>, vector<64x1024xf32>,
    return
  }
  func.func @transform_0(%arg0: i32) -> (i32, i32) {
    %c0_i32 = arith.constant 0 : i32
    %c0_i32_0 = arith.constant 0 : i32
    return %arg0, %c0_i32 : i32, i32
  }
  func.func @transform_1(%arg0: i32) -> (i32, i32) {
    %c0_i32 = arith.constant 0 : i32
    %c0_i32_0 = arith.constant 0 : i32
    %c0_i32_1 = arith.constant 0 : i32
    return %c0_i32, %c0_i32_0 : i32, i32
  }
  func.func @transform_2(%arg0: i32) -> (i32, i32) {
    %c0_i32 = arith.constant 0 : i32
    %c0_i32_0 = arith.constant 0 : i32
    %c0_i32_1 = arith.constant 0 : i32
    return %c0_i32, %c0_i32_0 : i32, i32
  }
  func.func @transform_3(%arg0: i32) -> (i32, i32) {
    %c0_i32 = arith.constant 0 : i32
    %c0_i32_0 = arith.constant 0 : i32
    return %c0_i32, %arg0 : i32, i32
  }
}

</mosaic_0001>

<sc_bundles>
// kernel: kernel.4.cloned.1.call-start
scs
__scs_entry_jumppad:
0x0: {  	(pc) =	sbr.rel $0x88, $3  }
0x1: {  	(tag) =	ssettag $0x0;
	lr =	simm.s32 $0x1  }
0x2: {  	[smem:$0x3F9E] =	sst lr;
	_ =	strace $0xD0000000  }
0x3: {  	_ = 	snop  }
0x4: {  	_ = 	snop  }
0x5: {  	_ = 	snop  }
0x6: {  	_ = 	snop  }
0x7: {  	_ = 	snop  }
__scs_overlays_trampoline_lowered:
0x8: {  	[smem:$0x3FAD] =	sst s0  }
0x9: {  	[smem:$0x3FAE] =	sst s1  }
0xa: {  	[smem:$0x3FAF] =	sst s2  }
0xb: {  	[smem:$0x3FB0] =	sst s3  }
0xc: {  	[smem:$0x3FB1] =	sst s4  }
0xd: {  	[smem:$0x3FB2] =	sst s5  }
0xe: {  	[smem:$0x3FB3] =	sst s6  }
0xf: {  	[smem:$0x3FB4] =	sst s7  }
0x10: {  	[smem:$0x3FB5] =	sst s8  }
0x11: {  	[smem:$0x3FB6] =	sst s9;
	s0 =	simm.s32 @!p0 $0x0  }
0x12: {  	s1 =	sld [smem:$0x3F9C];
	s0 =	simm.s32 @p0 $0x1  }
0x13: {  	[smem:$0x3FB7] =	sst s0;
	s0 =	simm.s32 @!p1 $0x0  }
0x14: {  	s2 =	sld [smem:$0x3F9B];
	s0 =	simm.s32 @p1 $0x1  }
0x15: {  	[smem:$0x3FB8] =	sst s0;
	s0 =	simm.s32 @!p2 $0x0  }
0x16: {  	s3 =	sld [smem:$0x3FDB];
	s0 =	simm.s32 @p2 $0x1  }
0x17: {  	s4 =	simm.s32 $0x1BF5;
	[smem:$0x3FBA] =	sst s0  }
0x18: {  	s0 =	sld [smem:$0x3F9D];
	_ =	swait.ge [sflag:s4], $0x0  }
0x19: {  	s7 =	sld [smem:$0x3F9E]  }
0x1a: {  	s8 =	sadd.s32 $0xFFFFE003, lr  }
0x1b: {  	s9 =	sadd.s32 $0xFFFFFEF7, lr;
	s5 =	simm.s32 $0xFFFFFFFF;
	p2 =	slt.u32 s8, $0xFFFFF086  }
0x1c: {  	p1 =	slt.u32 s9, $0xF7A;
	s5 =	simm.s32 @!p2 $0x0  }
0x1d: {  	s5 =	simm.s32 @p1 $0x1;
	p0 =	seq.s32 s7, s2  }
0x1e: {  	s7 =	smul.u32 @!p0 $0xF7A, s2;
	p2 =	seq.s32 @!p0 s5, $0x0  }
0x1f: {  	s9 =	smul.u32 $0xF7A, s1;
	s8 =	simm.s32 @!p0 $0x1BF5;
	p2 =	por !p2, p0  }
0x20: {  	[sflag:s8] =	ssyncset.s32 @!p0 $0xFFFFF086;
	s6 =	sadd.s32 @!p0 s3, s7;
	s7 =	simm.s32 @!p0 $0x108  }
0x21: {  	s3 =	sadd.s32 s3, s9;
	s6 =	sadd.s32 @!p0 $0x88, s6;
	s7 =	simm.s32 @p2 $0x1082  }
0x22: {  	[simem:s7], [sflag:s8] =	dma.local @!p0 [hbm:s6], $0xF7A  }
0x23: {  	s9 =	sor.u32 $0xD0000000, s2;
	s6 =	simm.s32 $0x108;
	_ =	swait.ge @!p0 [sflag:s8], $0x0  }
0x24: {  	s3 =	sadd.s32 $0x88, s3;
	s6 =	simm.s32 @!p1 $0x1082;
	[sflag:s4] =	ssyncset.s32 $0xFFFFF086  }
0x25: {  	[simem:s6], [sflag:s4] =	dma.local [hbm:s3], $0xF7A  }
0x26: {  	[smem:$0x3F9E] =	sst s1;
	(tag) =	ssettag s2;
	_ =	strace s9  }
0x27: {  	s1 =	sld [smem:$0x3FAE]  }
0x28: {  	s2 =	sld [smem:$0x3FAF]  }
0x29: {  	s4 =	sld [smem:$0x3FB1]  }
0x2a: {  	p0 =	seq.s32 s5, $0x0;
	s5 =	sld [smem:$0x3FB2]  }
0x2b: {  	s6 =	sld [smem:$0x3FB3]  }
0x2c: {  	s7 =	sld [smem:$0x3FB4]  }
0x2d: {  	s3 =	simm.s32 $0x108;
	s8 =	sld [smem:$0x3FB5]  }
0x2e: {  	s3 =	simm.s32 @!p0 $0x1082;
	s9 =	sld [smem:$0x3FB6]  }
0x2f: {  	lr =	sadd.s32 s0, s3;
	s0 =	sld [smem:$0x3FAD]  }
0x30: {  	s3 =	sld [smem:$0x3FB0]  }
0x31: {  	[smem:$0x3FB9] =	sst s10  }
0x32: {  	s10 =	sld [smem:$0x3FB7];
	_ =	sdelay $0x3  }
0x33: {  	p0 =	seq.s32 s10, $0x1;
	s10 =	sld [smem:$0x3FB9];
	_ =	sdelay $0x3  }
0x34: {  	[smem:$0x3FB9] =	sst s10  }
0x35: {  	s10 =	sld [smem:$0x3FB8];
	_ =	sdelay $0x3  }
0x36: {  	p1 =	seq.s32 s10, $0x1;
	s10 =	sld [smem:$0x3FB9];
	_ =	sdelay $0x3  }
0x37: {  	[smem:$0x3FB9] =	sst s10  }
0x38: {  	s10 =	sld [smem:$0x3FBA]  }
0x39: {  	_ = 	snop;
	(pc) =	sbr.ind lr, $3  }
0x3a: {  	_ = 	snop  }
0x3b: {  	_ = 	snop  }
0x3c: {  	p2 =	seq.s32 s10, $0x1;
	s10 =	sld [smem:$0x3FB9]  }
0x3d: {  	_ =	shalt  }
0x3e: {  	_ =	shalt  }
0x3f: {  	_ =	shalt  }
0x40: {  	_ =	shalt  }
0x41: {  	_ =	shalt  }
0x42: {  	_ =	shalt  }
0x43: {  	_ =	shalt  }
0x44: {  	_ =	shalt  }
0x45: {  	_ =	shalt  }
0x46: {  	_ =	shalt  }
0x47: {  	_ =	shalt  }
0x48: {  	_ =	shalt  }
0x49: {  	_ =	shalt  }
0x4a: {  	_ =	shalt  }
0x4b: {  	_ =	shalt  }
0x4c: {  	_ =	shalt  }
0x4d: {  	_ =	shalt  }
0x4e: {  	_ =	shalt  }
0x4f: {  	_ =	shalt  }
0x50: {  	_ =	shalt  }
0x51: {  	_ =	shalt  }
0x52: {  	_ =	shalt  }
0x53: {  	_ =	shalt  }
0x54: {  	_ =	shalt  }
0x55: {  	_ =	shalt  }
0x56: {  	_ =	shalt  }
0x57: {  	_ =	shalt  }
0x58: {  	_ =	shalt  }
0x59: {  	_ =	shalt  }
0x5a: {  	_ =	shalt  }
0x5b: {  	_ =	shalt  }
0x5c: {  	_ =	shalt  }
0x5d: {  	_ =	shalt  }
0x5e: {  	_ =	shalt  }
0x5f: {  	_ =	shalt  }
0x60: {  	_ =	shalt  }
0x61: {  	_ =	shalt  }
0x62: {  	_ =	shalt  }
0x63: {  	_ =	shalt  }
0x64: {  	_ =	shalt  }
0x65: {  	_ =	shalt  }
0x66: {  	_ =	shalt  }
0x67: {  	_ =	shalt  }
0x68: {  	_ =	shalt  }
0x69: {  	_ =	shalt  }
0x6a: {  	_ =	shalt  }
0x6b: {  	_ =	shalt  }
0x6c: {  	_ =	shalt  }
0x6d: {  	_ =	shalt  }
0x6e: {  	_ =	shalt  }
0x6f: {  	_ =	shalt  }
0x70: {  	_ =	shalt  }
0x71: {  	_ =	shalt  }
0x72: {  	_ =	shalt  }
0x73: {  	_ =	shalt  }
0x74: {  	_ =	shalt  }
0x75: {  	_ =	shalt  }
0x76: {  	_ =	shalt  }
0x77: {  	_ =	shalt  }
0x78: {  	_ =	shalt  }
0x79: {  	_ =	shalt  }
0x7a: {  	_ =	shalt  }
0x7b: {  	_ =	shalt  }
0x7c: {  	_ =	shalt  }
0x7d: {  	_ =	shalt  }
0x7e: {  	_ =	shalt  }
0x7f: {  	_ =	shalt  }
0x80: {  	_ =	shalt  }
0x81: {  	_ =	shalt  }
0x82: {  	_ =	shalt  }
0x83: {  	_ =	shalt  }
0x84: {  	_ =	shalt  }
0x85: {  	_ =	shalt  }
0x86: {  	_ =	shalt  }
0x87: {  	_ =	shalt  }
.Lfunc_end0:
.L_simem_size_0:
called_computation_lowered:
.L_overlay_start_0:
0x88: {  	s2 =	sld [smem:$0x3FD9]  }
0x89: {  	s3 =	sld [smem:$0x3FFE];
	_ =	sdelay $0x1  }
0x8a: {  	s1 =	srdreg.scid  }
0x8b: {  	s0 =	sand.u32 $0x1, s1  }
0x8c: {  	s14 =	sshll.u32 s0, $0xA;
	s2 =	sadd.s32 s3, s2  }
0x8d: {  	s2 =	sadd.s32 s2, s14  }
0x8e: {  	[smem:$0x3FC5] =	sst s2  }
0x8f: {  	_ = 	snop  }
0x90: {  	s2 =	sld [smem:$0x3FD0];
	_ =	sdelay $0x2  }
0x91: {  	s15 =	simm.s32 $0xA;
	s4 =	simm.s32 $0x10  }
0x92: {  	[smem:s4], [sflag:s15] =	dma.local [hbm:s2], $0x1  }
0x93: {  	_ =	swait.eq [sflag:s15], $0x1  }
0x94: {  	[sflag:s15] =	ssyncset.done $0x0  }
0x95: {  	s16 =	sld [smem:$0x10];
	[sflag:s15] =	ssyncadd.s32 $0xFFFFFFFF  }
0x96: {  	s17 =	sld [smem:$0x11];
	(tm) =	ssettm $0x1  }
0x97: {  	s18 =	sld [smem:$0x3FFB];
	_ =	sdelay $0x3  }
0x98: {  	_ =	strace s18  }
0x99: {  	s4 =	sld [smem:$0x3FFC];
	_ =	sdelay $0x3  }
0x9a: {  	_ =	strace s4  }
0x9b: {  	s4 =	sld [smem:$0x3FFD];
	_ =	sdelay $0x3  }
0x9c: {  	_ =	strace s4  }
0x9d: {  	_ =	strace $0x8FFFFFFF  }
0x9e: {  	s19 =	sld [smem:$0x3FDB];
	_ =	sdelay $0x1  }
0x9f: {  	s5 =	simm.s32 $_scs_section_size  }
0xa0: {  	s6 =	simm.s32 $_size__tile_overlayer_lowered;
	s7 =	simm.s32 $_tile_overlayer_lowered  }
0xa1: {  	s22 =	simm.s32 $0x1BFF;
	s21 =	sshll.u32 s7, $0x1;
	s4 =	sadd.s32 s5, s19  }
0xa2: {  	s8 =	simm.s32 $0x0;
	s20 =	sshll.u32 s6, $0x1;
	s6 =	sadd.s32 s21, s4  }
0xa3: {  	[timem:s8], [sflag:s22] =	dma.local [hbm:s6], s20  }
0xa4: {  	_ =	swait.ge [sflag:s22], s20  }
0xa5: {  	s5 =	ssub.s32 $0x0, s20;
	[sflag:s22] =	ssyncset.done $0x0  }
0xa6: {  	[sflag:s22] =	ssyncadd.s32 s5;
	_ =	sdelay $0x1  }
0xa7: {  	s23 =	simm.s32 $0x1B8B  }
0xa8: {  	_ =	swait.ge [sflag:s23], $0x1  }
0xa9: {  	[sflag:s23] =	ssyncset.done $0x0  }
0xaa: {  	s25 =	simm.s32 $0x1B8E;
	s24 =	sld [smem:$0x3FFE];
	[sflag:s23] =	ssyncadd.s32 $0xFFFFFFFF  }
0xab: {  	s26 =	simm.s32 $execute0_lowered;
	[smem:$0x3FD2] =	sst s25  }
0xac: {  	s6 =	sshll.u32 s26, $0x1;
	_ =	strace $0x80000046;
	[dreg:$0x1] =	wrdreg $0xFFFFFFFF  }
0xad: {  	s28 =	simm.s32 $_size_execute0_lowered;
	s4 =	sadd.s32 s4, s6;
	[dreg:$0x0] =	wrdreg $0x0  }
0xae: {  	s6 =	sshll.u32 s28, $0x1;
	[dreg:$0x2] =	wrdreg s4  }
0xaf: {  	[dreg:$0x3] =	wrdreg s6  }
0xb0: {  	[dreg:$0x4] =	wrdreg $0xC0  }
0xb1: {  	_ =	task [dreg:s8], $0x5FFFF  }
0xb2: {  	[dreg:$0x1] =	wrdreg $0xFFFFFFFF  }
0xb3: {  	[dreg:$0x0] =	wrdreg $0x60  }
0xb4: {  	[dreg:$0x2] =	wrdreg s24  }
0xb5: {  	[dreg:$0x3] =	wrdreg s16  }
0xb6: {  	[dreg:$0x4] =	wrdreg s17  }
0xb7: {  	[dreg:$0x5] =	wrdreg $0x9  }
0xb8: {  	_ =	task.clear_ibuf [dreg:s8], $0x6FFFF;
	_ =	strace $0x90000046  }
0xb9: {  	s29 =	simm.s32 $0x9;
	_ =	strace $0x80000048  }
0xba: {  	_ =	swait.ge [sflag:s29], $0x1  }
0xbb: {  	[sflag:s29] =	ssyncadd.s32 $0xFFFFFFFF  }
0xbc: {  	_ =	strace $0x90000048  }
0xbd: {  	_ =	sfence  }
0xbe: {  	s30 =	sld [smem:$0x0];
	_ =	sdelay $0x2  }
0xbf: {  	s31 =	sshll.u32 s1, $0xD;
	s1 =	sshrl.u32 s1, $0x2  }
0xc0: {  	s3 =	sand.u32 $0x4000, s31;
	s1 =	sadd.s32 s1, s30  }
0xc1: {  	s0 =	sor.u32 s3, s0;
	s1 =	sshll.u32 s1, $0x11  }
0xc2: {  	s0 =	sor.u32 s1, s0  }
0xc3: {  	s0 =	sadd.s32 $0x8F2B, s0  }
0xc4: {  	[sflag:s0] =	ssyncadd.remote.s32 $0x1  }
0xc5: {  	_ =	sfence.sel $0xFFFF  }
0xc6: {  	[dreg:$0x0] =	wrdreg $0xFFFFFFFF;
	(pc) =	sbr.abs _section_cstart, $3  }
0xc7: {  	[dreg:$0x1] =	wrdreg $0xFFFFFFFF  }
0xc8: {  	_ =	task.clear_ibuf [dreg:s8], $0x2FFFF;
	_ =	strace $0x9FFFFFFF  }
0xc9: {  	(tm) =	ssettm $0x7FFFFFFF  }
tec
execute0_lowered:
.L_overlay_start_1:
0x0: {  	(tag) =	ssettag $0x1  }
0x1: {  	s3 =	rddreg [dreg:$0x0]  }
0x2: {  	s4 =	rddreg [dreg:$0x1]  }
0x3: {  	s5 =	rddreg [dreg:$0x2];
	s2 =	srdreg.scid  }
0x4: {  	s0 =	rddreg [dreg:$0x3];
	s1 =	stileid.u32;
	s9 =	simm.s32 $0x1  }
0x5: {  	s10 =	simm.s32 $0x4000;
	s11 =	simm.s32 $0x4100;
	s12 =	simm.s32 $0x0  }
0x6: {  	s6 =	sand.u32 $0x1, s2;
	s2 =	simm.s32 $0x0;
	s7 =	sshll.u32 s1, $0x9  }
0x7: {  	s8 =	sshll.u32 s6, $0x8;
	[smem:$0x7FF] =	sst s2;
	s6 =	ssub.s32 $0x2, s6  }
0x8: {  	s7 =	sor.u32 s8, s7;
	_ =	strace $0x80000047;
	s31 =	sshrl.u32 s6, $0x1  }
0x9: {  	s8 =	simm.s32 $0x10000;
	s3 =	sadd.s32 s7, s3;
	s7 =	sshrl.u32 s7, $0x3  }
0xa: {  	s6 =	ssub.s32 s6, s31;
	s3 =	sadd.s32 $0xC00, s3;
	s4 =	sadd.s32 s4, s7  }
0xb: {  	s5 =	sadd.s32 s5, s7;
	s6 =	smax.u32 s6, $0x1;
	s7 =	simm.s32 $0x800  }
.LBB2_1:
0xc: {  	[tilespmem:s2], [sflag:$0x1] =	stream.strided.gather [hbm4b:s3+s7], $0x4000, s8, s7, $0x38;
	[tilespmem:$0x4200] =	vst v63  }
0xd: {  	_ =	swait.ge [sflag:s9], $0x4000  }
0xe: {  	s13 =	sand.u32 $0x70, s2;
	s14 =	sand.u32 $0x400, s2;
	[sflag:s9] =	ssyncset.done $0x0  }
0xf: {  	s13 =	sor.u32 s13, s14;
	[sflag:s9] =	ssyncadd.s32 $0xFFFFC000  }
0x10: {  	v63 =	vld [tilespmem:s13+$0x0]  }
0x11: {  	v3 =	vld [tilespmem:s13+$0x80];
	_ =	sdelay $0x1  }
0x12: {  	v62 =	vld [tilespmem:s13+$0x100];
	_ =	sdelay $0x1  }
0x13: {  	v60 =	vld [tilespmem:s13+$0x180]  }
0x14: {  	vm1 =	vgt.f32 v3, v63  }
0x15: {  	v59 =	vld [tilespmem:s13+$0x200];
	v1 =	vsel vm1, v3, v63  }
0x16: {  	vm2 =	vgt.f32 v62, v1  }
0x17: {  	v61 =	vld [tilespmem:s13+$0x280];
	v1 =	vsel vm2, v62, v1  }
0x18: {  	vm3 =	vgt.f32 v60, v1  }
0x19: {  	v56 =	vld [tilespmem:s13+$0x300];
	v1 =	vsel vm3, v60, v1  }
0x1a: {  	vm4 =	vgt.f32 v59, v1  }
0x1b: {  	v57 =	vld [tilespmem:s13+$0x380];
	v1 =	vsel vm4, v59, v1  }
0x1c: {  	vm5 =	vgt.f32 v61, v1  }
0x1d: {  	v58 =	vld [tilespmem:s13+$0x800];
	v1 =	vsel vm5, v61, v1  }
0x1e: {  	vm6 =	vgt.f32 v56, v1  }
0x1f: {  	v54 =	vld [tilespmem:s13+$0x880];
	v1 =	vsel vm6, v56, v1  }
0x20: {  	vm7 =	vgt.f32 v57, v1  }
0x21: {  	v53 =	vld [tilespmem:s13+$0x900];
	v1 =	vsel vm7, v57, v1  }
0x22: {  	vm8 =	vgt.f32 v58, v1  }
0x23: {  	v55 =	vld [tilespmem:s13+$0x980];
	v1 =	vsel vm8, v58, v1  }
0x24: {  	vm9 =	vgt.f32 v54, v1  }
0x25: {  	v51 =	vld [tilespmem:s13+$0xA00];
	v1 =	vsel vm9, v54, v1  }
0x26: {  	vm10 =	vgt.f32 v53, v1  }
0x27: {  	v50 =	vld [tilespmem:s13+$0xA80];
	v1 =	vsel vm10, v53, v1  }
0x28: {  	vm11 =	vgt.f32 v55, v1  }
0x29: {  	v52 =	vld [tilespmem:s13+$0xB00];
	v1 =	vsel vm11, v55, v1  }
0x2a: {  	vm12 =	vgt.f32 v51, v1  }
0x2b: {  	v49 =	vld [tilespmem:s13+$0xB80];
	v1 =	vsel vm12, v51, v1  }
0x2c: {  	vm13 =	vgt.f32 v50, v1  }
0x2d: {  	v47 =	vld [tilespmem:s13+$0x1000];
	v1 =	vsel vm13, v50, v1  }
0x2e: {  	vm14 =	vgt.f32 v52, v1  }
0x2f: {  	v48 =	vld [tilespmem:s13+$0x1080];
	v1 =	vsel vm14, v52, v1  }
0x30: {  	vm15 =	vgt.f32 v49, v1  }
0x31: {  	v46 =	vld [tilespmem:s13+$0x1100];
	v1 =	vsel vm15, v49, v1  }
0x32: {  	vm0 =	vgt.f32 v47, v1  }
0x33: {  	v0 =	vimm.s32 $0x0;
	v44 =	vld [tilespmem:s13+$0x1180];
	v1 =	vsel vm0, v47, v1  }
0x34: {  	v0 =	vsel vm0, $0xFFFFFFFF, v0;
	vm0 =	vgt.f32 v48, v1  }
0x35: {  	v28 =	vimm.s32 $0x0;
	v45 =	vld [tilespmem:s13+$0x1200];
	v1 =	vsel vm0, v48, v1  }
0x36: {  	[tilespmem:$0x1FCD0] =	vst v0;
	v0 =	vsel vm0, $0xFFFFFFFF, v28;
	vm0 =	vgt.f32 v46, v1  }
0x37: {  	v29 =	vimm.s32 $0x0;
	v43 =	vld [tilespmem:s13+$0x1280];
	v1 =	vsel vm0, v46, v1  }
0x38: {  	[tilespmem:$0x1FCE0] =	vst v0;
	v0 =	vsel vm0, $0xFFFFFFFF, v29;
	vm0 =	vgt.f32 v44, v1  }
0x39: {  	v30 =	vimm.s32 $0x0;
	v41 =	vld [tilespmem:s13+$0x1300];
	v1 =	vsel vm0, v44, v1  }
0x3a: {  	[tilespmem:$0x1FCF0] =	vst v0;
	v0 =	vsel vm0, $0xFFFFFFFF, v30;
	vm0 =	vgt.f32 v45, v1  }
0x3b: {  	v31 =	vimm.s32 $0x0;
	v42 =	vld [tilespmem:s13+$0x1380];
	v1 =	vsel vm0, v45, v1  }
0x3c: {  	[tilespmem:$0x1FD00] =	vst v0;
	v0 =	vsel vm0, $0xFFFFFFFF, v31;
	vm0 =	vgt.f32 v43, v1  }
0x3d: {  	v32 =	vimm.s32 $0x0;
	v40 =	vld [tilespmem:s13+$0x1800];
	v1 =	vsel vm0, v43, v1  }
0x3e: {  	[tilespmem:$0x1FD10] =	vst v0;
	v0 =	vsel vm0, $0xFFFFFFFF, v32;
	vm0 =	vgt.f32 v41, v1  }
0x3f: {  	v33 =	vimm.s32 $0x0;
	v38 =	vld [tilespmem:s13+$0x1880];
	v1 =	vsel vm0, v41, v1  }
0x40: {  	[tilespmem:$0x1FD20] =	vst v0;
	v0 =	vsel vm0, $0xFFFFFFFF, v33;
	vm0 =	vgt.f32 v42, v1  }
0x41: {  	v34 =	vimm.s32 $0x0;
	v39 =	vld [tilespmem:s13+$0x1900];
	v1 =	vsel vm0, v42, v1  }
0x42: {  	[tilespmem:$0x1FD30] =	vst v0;
	v0 =	vsel vm0, $0xFFFFFFFF, v34;
	vm0 =	vgt.f32 v40, v1  }
0x43: {  	v35 =	vimm.s32 $0x0;
	v37 =	vld [tilespmem:s13+$0x1980];
	v1 =	vsel vm0, v40, v1  }
0x44: {  	[tilespmem:$0x1FD40] =	vst v0;
	v0 =	vsel vm0, $0xFFFFFFFF, v35;
	vm0 =	vgt.f32 v38, v1  }
0x45: {  	v36 =	vimm.s32 $0x0;
	v35 =	vld [tilespmem:s13+$0x1A00];
	v1 =	vsel vm0, v38, v1  }
0x46: {  	[tilespmem:$0x1FD50] =	vst v0;
	v0 =	vsel vm0, $0xFFFFFFFF, v36;
	vm0 =	vgt.f32 v39, v1  }
0x47: {  	v4 =	vimm.s32 $0x0;
	v36 =	vld [tilespmem:s13+$0x1A80];
	v1 =	vsel vm0, v39, v1  }
0x48: {  	[tilespmem:$0x1FD60] =	vst v0;
	v0 =	vsel vm0, $0xFFFFFFFF, v4;
	vm0 =	vgt.f32 v37, v1  }
0x49: {  	v5 =	vimm.s32 $0x0;
	v34 =	vld [tilespmem:s13+$0x1B00];
	v1 =	vsel vm0, v37, v1  }
0x4a: {  	[tilespmem:$0x1FD70] =	vst v0;
	v0 =	vsel vm0, $0xFFFFFFFF, v5;
	vm0 =	vgt.f32 v35, v1  }
0x4b: {  	v6 =	vimm.s32 $0x0;
	v32 =	vld [tilespmem:s13+$0x1B80];
	v1 =	vsel vm0, v35, v1  }
0x4c: {  	[tilespmem:$0x1FD80] =	vst v0;
	v0 =	vsel vm0, $0xFFFFFFFF, v6;
	vm0 =	vgt.f32 v36, v1  }
0x4d: {  	v7 =	vimm.s32 $0x0;
	v33 =	vld [tilespmem:s13+$0x2000];
	v1 =	vsel vm0, v36, v1  }
0x4e: {  	[tilespmem:$0x1FD90] =	vst v0;
	v0 =	vsel vm0, $0xFFFFFFFF, v7;
	vm0 =	vgt.f32 v34, v1  }
0x4f: {  	v8 =	vimm.s32 $0x0;
	v31 =	vld [tilespmem:s13+$0x2080];
	v1 =	vsel vm0, v34, v1  }
0x50: {  	[tilespmem:$0x1FDA0] =	vst v0;
	v0 =	vsel vm0, $0xFFFFFFFF, v8;
	vm0 =	vgt.f32 v32, v1  }
0x51: {  	v9 =	vimm.s32 $0x0;
	v29 =	vld [tilespmem:s13+$0x2100];
	v1 =	vsel vm0, v32, v1  }
0x52: {  	[tilespmem:$0x1FDB0] =	vst v0;
	v0 =	vsel vm0, $0xFFFFFFFF, v9;
	vm0 =	vgt.f32 v33, v1  }
0x53: {  	v10 =	vimm.s32 $0x0;
	v30 =	vld [tilespmem:s13+$0x2180];
	v1 =	vsel vm0, v33, v1  }
0x54: {  	[tilespmem:$0x1FDC0] =	vst v0;
	v0 =	vsel vm0, $0xFFFFFFFF, v10;
	vm0 =	vgt.f32 v31, v1  }
0x55: {  	v11 =	vimm.s32 $0x0;
	v28 =	vld [tilespmem:s13+$0x2200];
	v2 =	vsel vm0, v31, v1  }
0x56: {  	[tilespmem:$0x1FDD0] =	vst v0;
	v0 =	vsel vm0, $0xFFFFFFFF, v11;
	vm0 =	vgt.f32 v29, v2  }
0x57: {  	v12 =	vimm.s32 $0x0;
	v4 =	vld [tilespmem:s13+$0x2280];
	v2 =	vsel vm0, v29, v2  }
0x58: {  	[tilespmem:$0x1FDE0] =	vst v0;
	v0 =	vsel vm0, $0xFFFFFFFF, v12;
	vm0 =	vgt.f32 v30, v2  }
0x59: {  	v13 =	vimm.s32 $0x0;
	v27 =	vld [tilespmem:s13+$0x2300];
	v2 =	vsel vm0, v30, v2  }
0x5a: {  	[tilespmem:$0x1FDF0] =	vst v0;
	v0 =	vsel vm0, $0xFFFFFFFF, v13;
	vm0 =	vgt.f32 v28, v2  }
0x5b: {  	v14 =	vimm.s32 $0x0;
	v26 =	vld [tilespmem:s13+$0x2380];
	v2 =	vsel vm0, v28, v2  }
0x5c: {  	[tilespmem:$0x1FE00] =	vst v0;
	v0 =	vsel vm0, $0xFFFFFFFF, v14;
	vm0 =	vgt.f32 v4, v2  }
0x5d: {  	v15 =	vimm.s32 $0x0;
	v24 =	vld [tilespmem:s13+$0x2800];
	v2 =	vsel vm0, v4, v2  }
0x5e: {  	[tilespmem:$0x1FE10] =	vst v0;
	v0 =	vsel vm0, $0xFFFFFFFF, v15;
	vm0 =	vgt.f32 v27, v2  }
0x5f: {  	v16 =	vimm.s32 $0x0;
	v25 =	vld [tilespmem:s13+$0x2880];
	v2 =	vsel vm0, v27, v2  }
0x60: {  	[tilespmem:$0x1FE20] =	vst v0;
	v0 =	vsel vm0, $0xFFFFFFFF, v16;
	vm0 =	vgt.f32 v26, v2  }
0x61: {  	v17 =	vimm.s32 $0x0;
	v23 =	vld [tilespmem:s13+$0x2900];
	v2 =	vsel vm0, v26, v2  }
0x62: {  	[tilespmem:$0x1FE30] =	vst v0;
	v0 =	vsel vm0, $0xFFFFFFFF, v17;
	vm0 =	vgt.f32 v24, v2  }
0x63: {  	v18 =	vimm.s32 $0x0;
	v22 =	vld [tilespmem:s13+$0x2980];
	v2 =	vsel vm0, v24, v2  }
0x64: {  	[tilespmem:$0x1FE40] =	vst v0;
	v0 =	vsel vm0, $0xFFFFFFFF, v18;
	vm0 =	vgt.f32 v25, v2  }
0x65: {  	v19 =	vimm.s32 $0x0;
	v21 =	vld [tilespmem:s13+$0x2A00];
	v2 =	vsel vm0, v25, v2  }
0x66: {  	v20 =	vimm.s32 $0x0;
	[tilespmem:$0x1FE50] =	vst v0;
	v0 =	vsel vm0, $0xFFFFFFFF, v19;
	vm0 =	vgt.f32 v23, v2  }
0x67: {  	[tilespmem:$0x1FE60] =	vst v0;
	v0 =	vsel vm0, $0xFFFFFFFF, v20;
	v20 =	vld [tilespmem:s13+$0x2A80];
	v2 =	vsel vm0, v23, v2  }
0x68: {  	vm0 =	vgt.f32 v22, v2  }
0x69: {  	v5 =	vimm.s32 $0x0;
	v19 =	vld [tilespmem:s13+$0x2B00];
	v2 =	vsel vm0, v22, v2  }
0x6a: {  	[tilespmem:$0x1FE70] =	vst v0;
	v0 =	vsel vm0, $0xFFFFFFFF, v5;
	vm0 =	vgt.f32 v21, v2  }
0x6b: {  	v6 =	vimm.s32 $0x0;
	v18 =	vld [tilespmem:s13+$0x2B80];
	v2 =	vsel vm0, v21, v2  }
0x6c: {  	[tilespmem:$0x1FE80] =	vst v0;
	v0 =	vsel vm0, $0xFFFFFFFF, v6;
	vm0 =	vgt.f32 v20, v2  }
0x6d: {  	v7 =	vimm.s32 $0x0;
	v16 =	vld [tilespmem:s13+$0x3000];
	v2 =	vsel vm0, v20, v2  }
0x6e: {  	[tilespmem:$0x1FE90] =	vst v0;
	v0 =	vsel vm0, $0xFFFFFFFF, v7;
	vm0 =	vgt.f32 v19, v2  }
0x6f: {  	v8 =	vimm.s32 $0x0;
	v17 =	vld [tilespmem:s13+$0x3080];
	v2 =	vsel vm0, v19, v2  }
0x70: {  	[tilespmem:$0x1FEB0] =	vst v0;
	v0 =	vsel vm0, $0xFFFFFFFF, v8;
	vm0 =	vgt.f32 v18, v2  }
0x71: {  	v9 =	vimm.s32 $0x0;
	v15 =	vld [tilespmem:s13+$0x3100];
	v2 =	vsel vm0, v18, v2  }
0x72: {  	[tilespmem:$0x1FED0] =	vst v0;
	v0 =	vsel vm0, $0xFFFFFFFF, v9;
	vm0 =	vgt.f32 v16, v2  }
0x73: {  	v10 =	vimm.s32 $0x0;
	v14 =	vld [tilespmem:s13+$0x3180];
	v2 =	vsel vm0, v16, v2  }
0x74: {  	[tilespmem:$0x1FEE0] =	vst v0;
	v0 =	vsel vm0, $0xFFFFFFFF, v10;
	vm0 =	vgt.f32 v17, v2  }
0x75: {  	v11 =	vimm.s32 $0x0;
	v13 =	vld [tilespmem:s13+$0x3200];
	v2 =	vsel vm0, v17, v2  }
0x76: {  	v12 =	vimm.s32 $0x0;
	[tilespmem:$0x1FF00] =	vst v0;
	v0 =	vsel vm0, $0xFFFFFFFF, v11;
	vm0 =	vgt.f32 v15, v2  }
0x77: {  	[tilespmem:$0x1FF10] =	vst v0;
	v0 =	vsel vm0, $0xFFFFFFFF, v12;
	v2 =	vsel vm0, v15, v2;
	v12 =	vld [tilespmem:s13+$0x3280]  }
0x78: {  	vm0 =	vgt.f32 v14, v2  }
0x79: {  	v5 =	vimm.s32 $0x0;
	v11 =	vld [tilespmem:s13+$0x3300];
	v2 =	vsel vm0, v14, v2  }
0x7a: {  	[tilespmem:$0x1FF20] =	vst v0;
	v0 =	vsel vm0, $0xFFFFFFFF, v5;
	vm0 =	vgt.f32 v13, v2  }
0x7b: {  	v6 =	vimm.s32 $0x0;
	v10 =	vld [tilespmem:s13+$0x3380];
	v2 =	vsel vm0, v13, v2  }
0x7c: {  	[tilespmem:$0x1FF30] =	vst v0;
	v0 =	vsel vm0, $0xFFFFFFFF, v6;
	vm0 =	vgt.f32 v12, v2  }
0x7d: {  	v7 =	vimm.s32 $0x0;
	v9 =	vld [tilespmem:s13+$0x3800];
	v2 =	vsel vm0, v12, v2  }
0x7e: {  	v8 =	vimm.s32 $0x0;
	[tilespmem:$0x1FF40] =	vst v0;
	v0 =	vsel vm0, $0xFFFFFFFF, v7;
	vm0 =	vgt.f32 v11, v2  }
0x7f: {  	[tilespmem:$0x1FF50] =	vst v0;
	v0 =	vsel vm0, $0xFFFFFFFF, v8;
	v2 =	vsel vm0, v11, v2;
	v8 =	vld [tilespmem:s13+$0x3880]  }
0x80: {  	vm0 =	vgt.f32 v10, v2  }
0x81: {  	v5 =	vimm.s32 $0x0;
	v7 =	vld [tilespmem:s13+$0x3900];
	v2 =	vsel vm0, v10, v2  }
0x82: {  	v1 =	vld [tilespmem:s13+$0x3A00];
	v6 =	vimm.s32 $0x0;
	[tilespmem:$0x1FF60] =	vst v0;
	v0 =	vsel vm0, $0xFFFFFFFF, v5;
	vm0 =	vgt.f32 v9, v2  }
0x83: {  	[tilespmem:$0x1FF70] =	vst v0;
	v0 =	vsel vm0, $0xFFFFFFFF, v6;
	v2 =	vsel vm0, v9, v2;
	v6 =	vld [tilespmem:s13+$0x3980]  }
0x84: {  	vm0 =	vgt.f32 v8, v2  }
0x85: {  	v5 =	vimm.s32 $0x0;
	v2 =	vsel vm0, v8, v2  }
0x86: {  	[tilespmem:$0x1FF80] =	vst v0;
	v0 =	vsel vm0, $0xFFFFFFFF, v5;
	vm0 =	vgt.f32 v7, v2  }
0x87: {  	[tilespmem:$0x1FEA0] =	vst v1;
	v5 =	vimm.s32 $0x0;
	v2 =	vsel vm0, v7, v2  }
0x88: {  	[tilespmem:$0x1FF90] =	vst v0;
	v0 =	vsel vm0, $0xFFFFFFFF, v5;
	v5 =	vimm.s32 $0x0;
	vm0 =	vgt.f32 v6, v2  }
0x89: {  	[tilespmem:$0x1FFA0] =	vst v0;
	v5 =	vsel vm0, $0xFFFFFFFF, v5  }
0x8a: {  	v0 =	vld [tilespmem:s13+$0x3A80];
	[tilespmem:$0x1FFB0] =	vst v5;
	v5 =	vsel vm0, v6, v2  }
0x8b: {  	v2 =	vld [tilespmem:s13+$0x3B00];
	[tilespmem:$0x1FCC0] =	vst v3;
	v3 =	vimm.s32 $0x0;
	vm0 =	vgt.f32 v1, v5  }
0x8c: {  	v3 =	vsel vm0, $0xFFFFFFFF, v3  }
0x8d: {  	[tilespmem:$0x1FFC0] =	vst v3  }
0x8e: {  	v3 =	vld [tilespmem:$0x1FCC0]  }
0x8f: {  	v5 =	vsel vm0, v1, v5;
	v1 =	vld [tilespmem:s13+$0x3B80];
	_ =	sdelay $0x3  }
0x90: {  	[tilespmem:$0x1FEC0] =	vst v0  }
0x91: {  	[tilespmem:$0x1FEF0] =	vst v1  }
0x92: {  	vm0 =	vgt.f32 v0, v5;
	[tilespmem:$0x1FCC0] =	vst v3;
	v3 =	vimm.s32 $0x0  }
0x93: {  	v5 =	vsel vm0, v0, v5;
	v3 =	vsel vm0, $0xFFFFFFFF, v3  }
0x94: {  	vm0 =	vgt.f32 v2, v5;
	[tilespmem:$0x1FFD0] =	vst v3  }
0x95: {  	v0 =	vimm.s32 $0x0;
	v5 =	vsel vm0, v2, v5;
	v3 =	vld [tilespmem:$0x1FCC0]  }
0x96: {  	v0 =	vsel vm0, $0xFFFFFFFF, v0;
	vm0 =	vgt.f32 v1, v5  }
0x97: {  	v5 =	vsel vm0, v1, v5  }
0x98: {  	[tilespmem:$0x1FFE0] =	vst v0;
	v0 =	vimm.s32 $0x0;
	v63 =	vsub.f32 v63, v5  }
0x99: {  	v0 =	vsel vm0, $0xFFFFFFFF, v0  }
0x9a: {  	[tilespmem:$0x1FFF0] =	vst v0;
	v63 =	vmul.f32 $1.442695020e+00, v63;
	v0 =	vsub.f32 v3, v5;
	_ =	sdelay $0x1  }
0x9b: {  	v62 =	vsub.f32 v62, v5;
	(erf) = vpow2.f32 v63;
	v0 =	vmul.f32 $1.442695020e+00, v0;
	_ =	sdelay $0x1  }
0x9c: {  	v3 =	vmul.f32 $1.442695020e+00, v62;
	(erf) = vpow2.f32 v0;
	v0 =	vsub.f32 v60, v5  }
0x9d: {  	v59 =	vsub.f32 v59, v5  }
0x9e: {  	(erf) = vpow2.f32 v3;
	v0 =	vmul.f32 $1.442695020e+00, v0  }
0x9f: {  	v63 =	vmul.f32 $1.442695020e+00, v59  }
0xa0: {  	v60 =	vsub.f32 v61, v5;
	(erf) = vpow2.f32 v0;
	_ =	sdelay $0x1  }
0xa1: {  	v62 =	vsub.f32 v56, v5;
	v61 =	vmul.f32 $1.442695020e+00, v60;
	(erf) = vpow2.f32 v63  }
0xa2: {  	v57 =	vsub.f32 v57, v5;
	v63 =	vpop (erf)  }
0xa3: {  	v0 =	vmul.f32 $1.442695020e+00, v62;
	(erf) = vpow2.f32 v61;
	v56 =	vadd.f32 $0.0e+00, v63  }
0xa4: {  	v58 =	vsub.f32 v58, v5;
	v3 =	vpop (erf)  }
0xa5: {  	v61 =	vmul.f32 $1.442695020e+00, v57;
	(erf) = vpow2.f32 v0;
	v60 =	vadd.f32 v56, v3  }
0xa6: {  	v54 =	vsub.f32 v54, v5;
	v63 =	vpop (erf)  }
0xa7: {  	v62 =	vmul.f32 $1.442695020e+00, v58;
	(erf) = vpow2.f32 v61;
	v0 =	vadd.f32 v60, v63  }
0xa8: {  	v53 =	vsub.f32 v53, v5;
	v1 =	vpop (erf)  }
0xa9: {  	v54 =	vmul.f32 $1.442695020e+00, v54;
	(erf) = vpow2.f32 v62;
	v0 =	vadd.f32 v0, v1  }
0xaa: {  	v55 =	vsub.f32 v55, v5;
	v3 =	vpop (erf)  }
0xab: {  	v53 =	vmul.f32 $1.442695020e+00, v53;
	(erf) = vpow2.f32 v54;
	v0 =	vadd.f32 v0, v3  }
0xac: {  	v51 =	vsub.f32 v51, v5;
	v58 =	vpop (erf)  }
0xad: {  	v57 =	vmul.f32 $1.442695020e+00, v55;
	(erf) = vpow2.f32 v53;
	v0 =	vadd.f32 v0, v58  }
0xae: {  	v50 =	vsub.f32 v50, v5;
	v59 =	vpop (erf)  }
0xaf: {  	v51 =	vmul.f32 $1.442695020e+00, v51;
	(erf) = vpow2.f32 v57;
	v0 =	vadd.f32 v0, v59  }
0xb0: {  	v52 =	vsub.f32 v52, v5;
	v60 =	vpop (erf)  }
0xb1: {  	v50 =	vmul.f32 $1.442695020e+00, v50;
	(erf) = vpow2.f32 v51;
	v0 =	vadd.f32 v0, v60  }
0xb2: {  	v49 =	vsub.f32 v49, v5;
	v62 =	vpop (erf)  }
0xb3: {  	v61 =	vmul.f32 $1.442695020e+00, v52;
	(erf) = vpow2.f32 v50;
	v0 =	vadd.f32 v0, v62  }
0xb4: {  	v47 =	vsub.f32 v47, v5;
	v63 =	vpop (erf)  }
0xb5: {  	v49 =	vmul.f32 $1.442695020e+00, v49;
	(erf) = vpow2.f32 v61;
	v0 =	vadd.f32 v0, v63  }
0xb6: {  	v48 =	vsub.f32 v48, v5;
	v46 =	vsub.f32 v46, v5;
	v3 =	vpop (erf)  }
0xb7: {  	v47 =	vmul.f32 $1.442695020e+00, v47;
	(erf) = vpow2.f32 v49;
	v0 =	vadd.f32 v0, v3  }
0xb8: {  	v44 =	vsub.f32 v44, v5;
	v45 =	vsub.f32 v45, v5;
	v54 =	vpop (erf)  }
0xb9: {  	v48 =	vmul.f32 $1.442695020e+00, v48;
	(erf) = vpow2.f32 v47;
	v0 =	vadd.f32 v0, v54  }
0xba: {  	v43 =	vsub.f32 v43, v5;
	v41 =	vsub.f32 v41, v5;
	v56 =	vpop (erf)  }
0xbb: {  	v46 =	vmul.f32 $1.442695020e+00, v46;
	(erf) = vpow2.f32 v48;
	v0 =	vadd.f32 v0, v56  }
0xbc: {  	v42 =	vsub.f32 v42, v5;
	v40 =	vsub.f32 v40, v5;
	v57 =	vpop (erf)  }
0xbd: {  	v44 =	vmul.f32 $1.442695020e+00, v44;
	(erf) = vpow2.f32 v46;
	v0 =	vadd.f32 v0, v57  }
0xbe: {  	v38 =	vsub.f32 v38, v5;
	v39 =	vsub.f32 v39, v5;
	v59 =	vpop (erf)  }
0xbf: {  	v45 =	vmul.f32 $1.442695020e+00, v45;
	(erf) = vpow2.f32 v44;
	v0 =	vadd.f32 v0, v59  }
0xc0: {  	v37 =	vsub.f32 v37, v5;
	v35 =	vsub.f32 v35, v5;
	v43 =	vmul.f32 $1.442695020e+00, v43;
	v61 =	vpop (erf)  }
0xc1: {  	v1 =	vimm.s32 $0x0;
	(erf) = vpow2.f32 v45;
	v0 =	vadd.f32 v0, v61  }
0xc2: {  	v36 =	vsub.f32 v36, v5;
	v41 =	vmul.f32 $1.442695020e+00, v41;
	v50 =	vsel vm1, $0x1, v1;
	v62 =	vpop (erf)  }
0xc3: {  	v53 =	vsel vm2, $0x2, v50;
	(erf) = vpow2.f32 v43;
	v0 =	vadd.f32 v0, v62  }
0xc4: {  	v34 =	vsub.f32 v34, v5;
	v42 =	vmul.f32 $1.442695020e+00, v42;
	v55 =	vsel vm3, $0x3, v53;
	v3 =	vpop (erf)  }
0xc5: {  	v47 =	vsel vm4, $0x4, v55;
	(erf) = vpow2.f32 v41;
	v0 =	vadd.f32 v0, v3  }
0xc6: {  	v32 =	vsub.f32 v32, v5;
	v33 =	vsub.f32 v33, v5;
	v46 =	vpop (erf)  }
0xc7: {  	v40 =	vmul.f32 $1.442695020e+00, v40;
	(erf) = vpow2.f32 v42;
	v0 =	vadd.f32 v0, v46  }
0xc8: {  	v31 =	vsub.f32 v31, v5;
	v29 =	vsub.f32 v29, v5;
	v58 =	vsel vm5, $0x5, v47;
	v47 =	vpop (erf)  }
0xc9: {  	v38 =	vmul.f32 $1.442695020e+00, v38;
	(erf) = vpow2.f32 v40;
	v0 =	vadd.f32 v0, v47  }
0xca: {  	v30 =	vsub.f32 v30, v5;
	v28 =	vsub.f32 v28, v5;
	v49 =	vpop (erf)  }
0xcb: {  	v39 =	vmul.f32 $1.442695020e+00, v39;
	(erf) = vpow2.f32 v38;
	v0 =	vadd.f32 v0, v49  }
0xcc: {  	v27 =	vsub.f32 v27, v5;
	v24 =	vsub.f32 v24, v5;
	v51 =	vpop (erf)  }
0xcd: {  	v37 =	vmul.f32 $1.442695020e+00, v37;
	(erf) = vpow2.f32 v39;
	v0 =	vadd.f32 v0, v51  }
0xce: {  	v25 =	vsub.f32 v25, v5;
	v22 =	vsub.f32 v22, v5;
	v52 =	vpop (erf)  }
0xcf: {  	v35 =	vmul.f32 $1.442695020e+00, v35;
	(erf) = vpow2.f32 v37;
	v0 =	vadd.f32 v0, v52  }
0xd0: {  	v21 =	vsub.f32 v21, v5;
	v19 =	vsub.f32 v19, v5;
	v54 =	vpop (erf)  }
0xd1: {  	v36 =	vmul.f32 $1.442695020e+00, v36;
	(erf) = vpow2.f32 v35;
	v0 =	vadd.f32 v0, v54  }
0xd2: {  	v18 =	vsub.f32 v18, v5;
	v17 =	vsub.f32 v17, v5;
	v34 =	vmul.f32 $1.442695020e+00, v34;
	v56 =	vpop (erf)  }
0xd3: {  	v60 =	vsel vm6, $0x6, v58;
	(erf) = vpow2.f32 v36;
	v0 =	vadd.f32 v0, v56  }
0xd4: {  	v15 =	vsub.f32 v15, v5;
	v32 =	vmul.f32 $1.442695020e+00, v32;
	v44 =	vsel vm7, $0x7, v60;
	v58 =	vpop (erf)  }
0xd5: {  	v63 =	vsel vm8, $0x8, v44;
	(erf) = vpow2.f32 v34;
	v0 =	vadd.f32 v0, v58  }
0xd6: {  	v13 =	vsub.f32 v13, v5;
	v33 =	vmul.f32 $1.442695020e+00, v33;
	v45 =	vsel vm9, $0x9, v63;
	v61 =	vpop (erf)  }
0xd7: {  	v41 =	vsel vm10, $0xA, v45;
	(erf) = vpow2.f32 v32;
	v0 =	vadd.f32 v0, v61  }
0xd8: {  	v12 =	vsub.f32 v12, v5;
	v31 =	vmul.f32 $1.442695020e+00, v31;
	v48 =	vsel vm11, $0xB, v41;
	v57 =	vld [tilespmem:$0x1FCD0];
	v3 =	vpop (erf)  }
0xd9: {  	v50 =	vsel vm12, $0xC, v48;
	v59 =	vld [tilespmem:$0x1FCE0];
	(erf) = vpow2.f32 v33;
	v0 =	vadd.f32 v0, v3  }
0xda: {  	v10 =	vsub.f32 v10, v5;
	v29 =	vmul.f32 $1.442695020e+00, v29;
	v38 =	vsel vm13, $0xD, v50;
	v36 =	vpop (erf)  }
0xdb: {  	v44 =	vld [tilespmem:$0x1FD30];
	v53 =	vsel vm14, $0xE, v38;
	(erf) = vpow2.f32 v31;
	v0 =	vadd.f32 v0, v36  }
0xdc: {  	v30 =	vmul.f32 $1.442695020e+00, v30;
	v28 =	vmul.f32 $1.442695020e+00, v28;
	v40 =	vld [tilespmem:$0x1FD20];
	v55 =	vsel vm15, $0xF, v53;
	v39 =	vpop (erf)  }
0xdd: {  	vm4 =	vnez.u8 v57;
	v62 =	vld [tilespmem:$0x1FCF0];
	(erf) = vpow2.f32 v29;
	v0 =	vadd.f32 v0, v39  }
0xde: {  	v43 =	vsub.f32 v4, v5;
	v50 =	vld [tilespmem:$0x1FD50];
	v35 =	vsel vm4, $0x10, v55;
	vm5 =	vnez.u8 v59;
	v42 =	vpop (erf)  }
0xdf: {  	v60 =	vsel vm5, $0x11, v35;
	v35 =	vld [tilespmem:$0x1FD00];
	(erf) = vpow2.f32 v30;
	v0 =	vadd.f32 v0, v42  }
0xe0: {  	v9 =	vsub.f32 v9, v5;
	v27 =	vmul.f32 $1.442695020e+00, v27;
	v25 =	vmul.f32 $1.442695020e+00, v25;
	v45 =	vpop (erf)  }
0xe1: {  	v1 =	vmul.f32 $1.442695020e+00, v43;
	v37 =	vld [tilespmem:$0x1FD10];
	(erf) = vpow2.f32 v28;
	v0 =	vadd.f32 v0, v45  }
0xe2: {  	vm10 =	vnez.u8 v44;
	vm9 =	vnez.u8 v40;
	vm6 =	vnez.u8 v62;
	v48 =	vpop (erf)  }
0xe3: {  	v46 =	vld [tilespmem:$0x1FD40];
	v49 =	vsub.f32 v26, v5;
	(erf) = vpow2.f32 v1;
	v0 =	vadd.f32 v0, v48  }
0xe4: {  	vm12 =	vnez.u8 v50;
	v63 =	vsel vm6, $0x12, v60;
	vm7 =	vnez.u8 v35;
	v52 =	vpop (erf)  }
0xe5: {  	v53 =	vld [tilespmem:$0x1FD60];
	v1 =	vmul.f32 $1.442695020e+00, v49;
	(erf) = vpow2.f32 v27;
	v0 =	vadd.f32 v0, v52  }
0xe6: {  	v55 =	vmul.f32 $1.442695020e+00, v24;
	vm8 =	vnez.u8 v37;
	v32 =	vsel vm7, $0x13, v63;
	v54 =	vpop (erf)  }
0xe7: {  	v38 =	vsel vm8, $0x14, v32;
	v56 =	vld [tilespmem:$0x1FD70];
	(erf) = vpow2.f32 v1;
	v0 =	vadd.f32 v0, v54  }
0xe8: {  	v59 =	vsub.f32 v23, v5;
	vm11 =	vnez.u8 v46;
	v41 =	vsel vm9, $0x15, v38;
	v58 =	vpop (erf)  }
0xe9: {  	v29 =	vsel vm10, $0x16, v41;
	(erf) = vpow2.f32 v55;
	v0 =	vadd.f32 v0, v58  }
0xea: {  	vm13 =	vnez.u8 v53;
	v47 =	vsel vm11, $0x17, v29;
	v1 =	vmul.f32 $1.442695020e+00, v59;
	v62 =	vpop (erf)  }
0xeb: {  	v51 =	vsel vm12, $0x18, v47;
	(erf) = vpow2.f32 v25;
	v0 =	vadd.f32 v0, v62  }
0xec: {  	v26 =	vsel vm13, $0x19, v51;
	vm14 =	vnez.u8 v56;
	(erf) = vpow2.f32 v1;
	v4 =	vpop (erf)  }
0xed: {  	v57 =	vsel vm14, $0x1A, v26;
	v26 =	vmul.f32 $1.442695020e+00, v22;
	v0 =	vadd.f32 v0, v4  }
0xee: {  	v7 =	vsub.f32 v7, v5;
	v21 =	vmul.f32 $1.442695020e+00, v21;
	v18 =	vmul.f32 $1.442695020e+00, v18;
	v44 =	vld [tilespmem:$0x1FDF0];
	v29 =	vpop (erf)  }
0xef: {  	v34 =	vld [tilespmem:$0x1FDC0];
	v30 =	vsub.f32 v20, v5;
	(erf) = vpow2.f32 v26;
	v0 =	vadd.f32 v0, v29  }
0xf0: {  	v6 =	vsub.f32 v6, v5;
	v15 =	vmul.f32 $1.442695020e+00, v15;
	v12 =	vmul.f32 $1.442695020e+00, v12;
	v37 =	vld [tilespmem:$0x1FDD0];
	v33 =	vpop (erf)  }
0xf1: {  	v60 =	vld [tilespmem:$0x1FD80];
	v1 =	vmul.f32 $1.442695020e+00, v30;
	(erf) = vpow2.f32 v21;
	v0 =	vadd.f32 v0, v33  }
0xf2: {  	v2 =	vsub.f32 v2, v5;
	v9 =	vmul.f32 $1.442695020e+00, v9;
	v6 =	vmul.f32 $1.442695020e+00, v6;
	v63 =	vld [tilespmem:$0x1FD90];
	v35 =	vpop (erf)  }
0xf3: {  	v27 =	vld [tilespmem:$0x1FDA0];
	v36 =	vmul.f32 $1.442695020e+00, v19;
	(erf) = vpow2.f32 v1;
	v0 =	vadd.f32 v0, v35  }
0xf4: {  	v2 =	vmul.f32 $1.442695020e+00, v2;
	v40 =	vsub.f32 v16, v5;
	vm7 =	vnez.u8 v34;
	v39 =	vpop (erf)  }
0xf5: {  	v31 =	vld [tilespmem:$0x1FDB0];
	v46 =	vmul.f32 $1.442695020e+00, v17;
	(erf) = vpow2.f32 v36;
	v0 =	vadd.f32 v0, v39  }
0xf6: {  	v50 =	vld [tilespmem:$0x1FE10];
	vm8 =	vnez.u8 v37;
	vm15 =	vnez.u8 v60;
	vm10 =	vnez.u8 v44;
	v43 =	vpop (erf)  }
0xf7: {  	v53 =	vld [tilespmem:$0x1FE20];
	v1 =	vmul.f32 $1.442695020e+00, v40;
	(erf) = vpow2.f32 v18;
	v0 =	vadd.f32 v0, v43  }
0xf8: {  	vm4 =	vnez.u8 v63;
	vm5 =	vnez.u8 v27;
	v61 =	vsel vm15, $0x1B, v57;
	v45 =	vpop (erf)  }
0xf9: {  	v41 =	vld [tilespmem:$0x1FDE0];
	v23 =	vsel vm4, $0x1C, v61;
	(erf) = vpow2.f32 v1;
	v0 =	vadd.f32 v0, v45  }
0xfa: {  	vm6 =	vnez.u8 v31;
	v49 =	vsub.f32 v14, v5;
	v28 =	vsel vm5, $0x1D, v23;
	v48 =	vpop (erf)  }
0xfb: {  	v47 =	vld [tilespmem:$0x1FE00];
	v32 =	vsel vm6, $0x1E, v28;
	(erf) = vpow2.f32 v46;
	v0 =	vadd.f32 v0, v48  }
0xfc: {  	vm12 =	vnez.u8 v50;
	vm13 =	vnez.u8 v53;
	v20 =	vsel vm7, $0x1F, v32;
	v52 =	vpop (erf)  }
0xfd: {  	v60 =	vld [tilespmem:$0x1FE40];
	v1 =	vmul.f32 $1.442695020e+00, v49;
	(erf) = vpow2.f32 v15;
	v0 =	vadd.f32 v0, v52  }
0xfe: {  	v63 =	vld [tilespmem:$0x1FE50];
	vm9 =	vnez.u8 v41;
	v55 =	vmul.f32 $1.442695020e+00, v13;
	v38 =	vsel vm8, $0x20, v20;
	v54 =	vpop (erf)  }
0xff: {  	v56 =	vld [tilespmem:$0x1FE30];
	v42 =	vsel vm9, $0x21, v38;
	(erf) = vpow2.f32 v1;
	v0 =	vadd.f32 v0, v54  }
0x100: {  	vm11 =	vnez.u8 v47;
	v59 =	vsub.f32 v11, v5;
	v16 =	vsel vm10, $0x22, v42;
	v58 =	vpop (erf)  }
0x101: {  	v26 =	vld [tilespmem:$0x1FE90];
	v16 =	vsel vm11, $0x23, v16;
	(erf) = vpow2.f32 v55;
	v0 =	vadd.f32 v0, v58  }
0x102: {  	v25 =	vmul.f32 $1.442695020e+00, v7;
	v30 =	vld [tilespmem:$0x1FEB0];
	vm15 =	vnez.u8 v60;
	v51 =	vsel vm12, $0x24, v16;
	v62 =	vpop (erf)  }
0x103: {  	v16 =	vld [tilespmem:$0x1FE60];
	v1 =	vmul.f32 $1.442695020e+00, v59;
	(erf) = vpow2.f32 v12;
	v0 =	vadd.f32 v0, v62  }
0x104: {  	vm4 =	vnez.u8 v63;
	v23 =	vld [tilespmem:$0x1FE80];
	vm14 =	vnez.u8 v56;
	v14 =	vsel vm13, $0x25, v51;
	v4 =	vpop (erf)  }
0x105: {  	v20 =	vld [tilespmem:$0x1FE70];
	v15 =	vmul.f32 $1.442695020e+00, v10;
	(erf) = vpow2.f32 v1;
	v0 =	vadd.f32 v0, v4  }
0x106: {  	v34 =	vld [tilespmem:$0x1FED0];
	v19 =	vsub.f32 v8, v5;
	vm8 =	vnez.u8 v26;
	v57 =	vsel vm14, $0x26, v14;
	v18 =	vpop (erf)  }
0x107: {  	v61 =	vsel vm15, $0x27, v57;
	(erf) = vpow2.f32 v15;
	v29 =	vld [tilespmem:$0x1FEA0];
	v0 =	vadd.f32 v0, v18  }
0x108: {  	vm9 =	vnez.u8 v30;
	v11 =	vsel vm4, $0x28, v61;
	vm5 =	vnez.u8 v16;
	v22 =	vpop (erf);
	v33 =	vld [tilespmem:$0x1FEC0]  }
0x109: {  	v37 =	vld [tilespmem:$0x1FEE0];
	v1 =	vmul.f32 $1.442695020e+00, v19;
	(erf) = vpow2.f32 v9;
	v0 =	vadd.f32 v0, v22  }
0x10a: {  	vm7 =	vnez.u8 v23;
	vm6 =	vnez.u8 v20;
	v17 =	vsel vm5, $0x29, v11;
	v24 =	vpop (erf)  }
0x10b: {  	v40 =	vld [tilespmem:$0x1FF00];
	v21 =	vsel vm6, $0x2A, v17;
	(erf) = vpow2.f32 v1;
	v0 =	vadd.f32 v0, v24  }
0x10c: {  	v41 =	vld [tilespmem:$0x1FF10];
	vm10 =	vnez.u8 v34;
	v8 =	vsel vm7, $0x2B, v21;
	v28 =	vpop (erf);
	v1 =	vsub.f32 v29, v5  }
0x10d: {  	v38 =	vld [tilespmem:$0x1FEF0];
	(erf) = vpow2.f32 v25;
	v3 =	vsub.f32 v33, v5;
	v0 =	vadd.f32 v0, v28  }
0x10e: {  	vm11 =	vnez.u8 v37;
	v27 =	vsel vm8, $0x2C, v8;
	v32 =	vpop (erf);
	v1 =	vmul.f32 $1.442695020e+00, v1;
	v43 =	vld [tilespmem:$0x1FF20]  }
0x10f: {  	(erf) = vpow2.f32 v6;
	v36 =	vmul.f32 $1.442695020e+00, v3;
	v45 =	vld [tilespmem:$0x1FF30];
	v0 =	vadd.f32 v0, v32  }
0x110: {  	v47 =	vld [tilespmem:$0x1FF40];
	vm12 =	vnez.u8 v40;
	v31 =	vsel vm9, $0x2D, v27;
	v35 =	vpop (erf);
	(erf) = vpow2.f32 v1  }
0x111: {  	(erf) = vpow2.f32 v36;
	v48 =	vld [tilespmem:$0x1FF50];
	v4 =	vsel vm10, $0x2E, v31;
	v0 =	vadd.f32 v0, v35  }
0x112: {  	vm13 =	vnez.u8 v41;
	v39 =	vpop (erf);
	(erf) = vpow2.f32 v2;
	v3 =	vsel vm11, $0x2F, v4  }
0x113: {  	v50 =	vld [tilespmem:$0x1FF60];
	v4 =	vsub.f32 v38, v5;
	v1 =	vsel vm12, $0x30, v3;
	v0 =	vadd.f32 v0, v39  }
0x114: {  	v51 =	vld [tilespmem:$0x1FF70];
	v42 =	vpop (erf);
	vm14 =	vnez.u8 v43;
	vm15 =	vnez.u8 v45;
	v1 =	vsel vm13, $0x31, v1  }
0x115: {  	v53 =	vld [tilespmem:$0x1FF80];
	v44 =	vmul.f32 $1.442695020e+00, v4;
	v1 =	vsel vm14, $0x32, v1;
	v0 =	vadd.f32 v0, v42  }
0x116: {  	vm4 =	vnez.u8 v47;
	v46 =	vpop (erf);
	v54 =	vld [tilespmem:$0x1FF90];
	vm5 =	vnez.u8 v48;
	v1 =	vsel vm15, $0x33, v1  }
0x117: {  	v56 =	vld [tilespmem:$0x1FFA0];
	(erf) = vpow2.f32 v44;
	v1 =	vsel vm4, $0x34, v1;
	v0 =	vadd.f32 v0, v46  }
0x118: {  	v57 =	vld [tilespmem:$0x1FFB0];
	vm6 =	vnez.u8 v50;
	v49 =	vpop (erf);
	v1 =	vsel vm5, $0x35, v1  }
0x119: {  	v59 =	vld [tilespmem:$0x1FFC0];
	vm7 =	vnez.u8 v51;
	v1 =	vsel vm6, $0x36, v1;
	v0 =	vadd.f32 v0, v49  }
0x11a: {  	v60 =	vld [tilespmem:$0x1FFD0];
	vm8 =	vnez.u8 v53;
	v52 =	vpop (erf);
	v1 =	vsel vm7, $0x37, v1  }
0x11b: {  	v62 =	vld [tilespmem:$0x1FFE0];
	vm9 =	vnez.u8 v54;
	v1 =	vsel vm8, $0x38, v1;
	v0 =	vadd.f32 v0, v52  }
0x11c: {  	v63 =	vld [tilespmem:$0x1FFF0];
	v55 =	vpop (erf);
	vm10 =	vnez.u8 v56;
	v1 =	vsel vm9, $0x39, v1  }
0x11d: {  	vm11 =	vnez.u8 v57;
	v1 =	vsel vm10, $0x3A, v1;
	v0 =	vadd.f32 v0, v55  }
0x11e: {  	v58 =	vpop (erf);
	vm12 =	vnez.u8 v59;
	v1 =	vsel vm11, $0x3B, v1  }
0x11f: {  	vm13 =	vnez.u8 v60;
	v1 =	vsel vm12, $0x3C, v1;
	v0 =	vadd.f32 v0, v58  }
0x120: {  	vm14 =	vnez.u8 v62;
	v61 =	vpop (erf);
	v1 =	vsel vm13, $0x3D, v1  }
0x121: {  	s31 =	simm.s32 $0x10;
	vm15 =	vnez.u8 v63;
	v1 =	vsel vm14, $0x3E, v1;
	v0 =	vadd.f32 v0, v61  }
0x122: {  	s19 =	simm.s32 $0x20;
	s16 =	simm.s32 $0x80;
	s17 =	simm.s32 $0x4100;
	v1 =	vsel vm15, $0x3F, v1  }
0x123: {  	s15 =	sand.u32 $0x70, s31;
	s14 =	simm.s32 $0x4010;
	s13 =	simm.s32 $0x4110;
	[tilespmem:s10+$0x0] =	vst v1;
	(erf) = vrcp.f32 v0  }
.LBB2_2:
0x124: {  	_ =	sdelay $0x7  }
0x125: {  	s21 =	sand.u32 $0x400, s16;
	v0 =	vpop (erf)  }
0x126: {  	s31 =	sor.u32 s15, s21;
	[tilespmem:s17+$0x0] =	vst v0  }
0x127: {  	v2 =	vld [tilespmem:s31+$0x0]  }
0x128: {  	v3 =	vld [tilespmem:s31+$0x80];
	_ =	sdelay $0x1  }
0x129: {  	v4 =	vld [tilespmem:s31+$0x100];
	_ =	sdelay $0x1  }
0x12a: {  	v6 =	vld [tilespmem:s31+$0x180]  }
0x12b: {  	vm0 =	vgt.f32 v3, v2  }
0x12c: {  	v7 =	vld [tilespmem:s31+$0x200];
	v63 =	vsel vm0, v3, v2  }
0x12d: {  	vm1 =	vgt.f32 v4, v63  }
0x12e: {  	v1 =	vld [tilespmem:s31+$0x280];
	v0 =	vsel vm1, v4, v63  }
0x12f: {  	vm2 =	vgt.f32 v6, v0  }
0x130: {  	v5 =	vld [tilespmem:s31+$0x300];
	v0 =	vsel vm2, v6, v0  }
0x131: {  	vm3 =	vgt.f32 v7, v0  }
0x132: {  	v8 =	vld [tilespmem:s31+$0x380];
	v0 =	vsel vm3, v7, v0  }
0x133: {  	vm4 =	vgt.f32 v1, v0  }
0x134: {  	v9 =	vld [tilespmem:s31+$0x800];
	v0 =	vsel vm4, v1, v0  }
0x135: {  	vm5 =	vgt.f32 v5, v0  }
0x136: {  	v10 =	vld [tilespmem:s31+$0x880];
	v0 =	vsel vm5, v5, v0  }
0x137: {  	vm6 =	vgt.f32 v8, v0  }
0x138: {  	v11 =	vld [tilespmem:s31+$0x900];
	v0 =	vsel vm6, v8, v0  }
0x139: {  	vm8 =	vgt.f32 v9, v0  }
0x13a: {  	v12 =	vld [tilespmem:s31+$0x980];
	v0 =	vsel vm8, v9, v0  }
0x13b: {  	vm9 =	vgt.f32 v10, v0  }
0x13c: {  	v13 =	vld [tilespmem:s31+$0xA00];
	v0 =	vsel vm9, v10, v0  }
0x13d: {  	vm10 =	vgt.f32 v11, v0  }
0x13e: {  	v14 =	vld [tilespmem:s31+$0xA80];
	v0 =	vsel vm10, v11, v0  }
0x13f: {  	vm11 =	vgt.f32 v12, v0  }
0x140: {  	v15 =	vld [tilespmem:s31+$0xB00];
	v0 =	vsel vm11, v12, v0  }
0x141: {  	vm12 =	vgt.f32 v13, v0  }
0x142: {  	v16 =	vld [tilespmem:s31+$0xB80];
	v0 =	vsel vm12, v13, v0  }
0x143: {  	vm13 =	vgt.f32 v14, v0  }
0x144: {  	v17 =	vld [tilespmem:s31+$0x1000];
	[tilespmem:$0x1FCA0] =	vst v5;
	v5 =	vimm.s32 $0x0;
	v0 =	vsel vm13, v14, v0  }
0x145: {  	[tilespmem:$0x1FC90] =	vst v1;
	v1 =	vsel vm0, $0x1, v5;
	vm14 =	vgt.f32 v15, v0  }
0x146: {  	v18 =	vld [tilespmem:s31+$0x1080];
	v1 =	vsel vm1, $0x2, v1;
	v0 =	vsel vm14, v15, v0  }
0x147: {  	v1 =	vsel vm2, $0x3, v1;
	vm15 =	vgt.f32 v16, v0  }
0x148: {  	v19 =	vld [tilespmem:s31+$0x1100];
	v1 =	vsel vm3, $0x4, v1;
	v0 =	vsel vm15, v16, v0  }
0x149: {  	v1 =	vsel vm4, $0x5, v1;
	vm4 =	vgt.f32 v17, v0  }
0x14a: {  	v20 =	vld [tilespmem:s31+$0x1180];
	v0 =	vsel vm4, v17, v0  }
0x14b: {  	v1 =	vsel vm5, $0x6, v1;
	vm5 =	vgt.f32 v18, v0  }
0x14c: {  	v21 =	vld [tilespmem:s31+$0x1200];
	v0 =	vsel vm5, v18, v0  }
0x14d: {  	v1 =	vsel vm6, $0x7, v1;
	vm6 =	vgt.f32 v19, v0  }
0x14e: {  	v22 =	vld [tilespmem:s31+$0x1280];
	v0 =	vsel vm6, v19, v0  }
0x14f: {  	vm7 =	vgt.f32 v20, v0  }
0x150: {  	v23 =	vld [tilespmem:s31+$0x1300];
	v0 =	vsel vm7, v20, v0  }
0x151: {  	v1 =	vsel vm8, $0x8, v1;
	vm8 =	vgt.f32 v21, v0  }
0x152: {  	v24 =	vld [tilespmem:s31+$0x1380];
	v0 =	vsel vm8, v21, v0  }
0x153: {  	v1 =	vsel vm9, $0x9, v1;
	vm9 =	vgt.f32 v22, v0  }
0x154: {  	v25 =	vld [tilespmem:s31+$0x1800];
	v0 =	vsel vm9, v22, v0  }
0x155: {  	v1 =	vsel vm10, $0xA, v1;
	vm10 =	vgt.f32 v23, v0  }
0x156: {  	v26 =	vld [tilespmem:s31+$0x1880];
	v0 =	vsel vm10, v23, v0  }
0x157: {  	v1 =	vsel vm11, $0xB, v1;
	vm11 =	vgt.f32 v24, v0  }
0x158: {  	v27 =	vld [tilespmem:s31+$0x1900];
	v0 =	vsel vm11, v24, v0  }
0x159: {  	v1 =	vsel vm12, $0xC, v1;
	vm12 =	vgt.f32 v25, v0  }
0x15a: {  	v28 =	vld [tilespmem:s31+$0x1980];
	v0 =	vsel vm12, v25, v0  }
0x15b: {  	v1 =	vsel vm13, $0xD, v1;
	vm13 =	vgt.f32 v26, v0  }
0x15c: {  	v29 =	vld [tilespmem:s31+$0x1A00];
	v0 =	vsel vm13, v26, v0  }
0x15d: {  	v1 =	vsel vm14, $0xE, v1;
	vm14 =	vgt.f32 v27, v0  }
0x15e: {  	v30 =	vld [tilespmem:s31+$0x1A80];
	v0 =	vsel vm14, v27, v0  }
0x15f: {  	v1 =	vsel vm15, $0xF, v1;
	vm15 =	vgt.f32 v28, v0  }
0x160: {  	v31 =	vld [tilespmem:s31+$0x1B00];
	v0 =	vsel vm15, v28, v0  }
0x161: {  	v1 =	vsel vm4, $0x10, v1;
	vm4 =	vgt.f32 v29, v0  }
0x162: {  	v32 =	vld [tilespmem:s31+$0x1B80];
	v0 =	vsel vm4, v29, v0  }
0x163: {  	v1 =	vsel vm5, $0x11, v1;
	vm5 =	vgt.f32 v30, v0  }
0x164: {  	v33 =	vld [tilespmem:s31+$0x2000];
	v0 =	vsel vm5, v30, v0  }
0x165: {  	v1 =	vsel vm6, $0x12, v1;
	vm6 =	vgt.f32 v31, v0  }
0x166: {  	v34 =	vld [tilespmem:s31+$0x2080];
	v0 =	vsel vm6, v31, v0  }
0x167: {  	v1 =	vsel vm7, $0x13, v1;
	vm7 =	vgt.f32 v32, v0  }
0x168: {  	v35 =	vld [tilespmem:s31+$0x2100];
	v0 =	vsel vm7, v32, v0  }
0x169: {  	v1 =	vsel vm8, $0x14, v1;
	vm8 =	vgt.f32 v33, v0  }
0x16a: {  	v36 =	vld [tilespmem:s31+$0x2180];
	v0 =	vsel vm8, v33, v0  }
0x16b: {  	v1 =	vsel vm9, $0x15, v1;
	vm9 =	vgt.f32 v34, v0  }
0x16c: {  	v37 =	vld [tilespmem:s31+$0x2200];
	v0 =	vsel vm9, v34, v0  }
0x16d: {  	v1 =	vsel vm10, $0x16, v1;
	vm10 =	vgt.f32 v35, v0  }
0x16e: {  	v38 =	vld [tilespmem:s31+$0x2280];
	v0 =	vsel vm10, v35, v0  }
0x16f: {  	v1 =	vsel vm11, $0x17, v1;
	vm11 =	vgt.f32 v36, v0  }
0x170: {  	v39 =	vld [tilespmem:s31+$0x2300];
	v0 =	vsel vm11, v36, v0  }
0x171: {  	v1 =	vsel vm12, $0x18, v1;
	vm12 =	vgt.f32 v37, v0  }
0x172: {  	v40 =	vld [tilespmem:s31+$0x2380];
	v0 =	vsel vm12, v37, v0  }
0x173: {  	v1 =	vsel vm13, $0x19, v1;
	vm13 =	vgt.f32 v38, v0  }
0x174: {  	v41 =	vld [tilespmem:s31+$0x2800];
	v0 =	vsel vm13, v38, v0  }
0x175: {  	v1 =	vsel vm14, $0x1A, v1;
	vm14 =	vgt.f32 v39, v0  }
0x176: {  	v42 =	vld [tilespmem:s31+$0x2880];
	v0 =	vsel vm14, v39, v0  }
0x177: {  	v1 =	vsel vm15, $0x1B, v1;
	vm15 =	vgt.f32 v40, v0  }
0x178: {  	v43 =	vld [tilespmem:s31+$0x2900];
	v0 =	vsel vm15, v40, v0  }
0x179: {  	v1 =	vsel vm4, $0x1C, v1;
	vm4 =	vgt.f32 v41, v0  }
0x17a: {  	v44 =	vld [tilespmem:s31+$0x2980];
	v0 =	vsel vm4, v41, v0  }
0x17b: {  	v1 =	vsel vm5, $0x1D, v1;
	vm5 =	vgt.f32 v42, v0  }
0x17c: {  	v45 =	vld [tilespmem:s31+$0x2A00];
	v0 =	vsel vm5, v42, v0  }
0x17d: {  	v1 =	vsel vm6, $0x1E, v1;
	vm6 =	vgt.f32 v43, v0  }
0x17e: {  	v46 =	vld [tilespmem:s31+$0x2A80];
	v0 =	vsel vm6, v43, v0  }
0x17f: {  	v1 =	vsel vm7, $0x1F, v1;
	vm7 =	vgt.f32 v44, v0  }
0x180: {  	v47 =	vld [tilespmem:s31+$0x2B00];
	v0 =	vsel vm7, v44, v0  }
0x181: {  	v1 =	vsel vm8, $0x20, v1;
	vm8 =	vgt.f32 v45, v0  }
0x182: {  	v48 =	vld [tilespmem:s31+$0x2B80];
	v0 =	vsel vm8, v45, v0  }
0x183: {  	v1 =	vsel vm9, $0x21, v1;
	vm9 =	vgt.f32 v46, v0  }
0x184: {  	v49 =	vld [tilespmem:s31+$0x3000];
	v0 =	vsel vm9, v46, v0  }
0x185: {  	v1 =	vsel vm10, $0x22, v1;
	vm10 =	vgt.f32 v47, v0  }
0x186: {  	v50 =	vld [tilespmem:s31+$0x3080];
	v0 =	vsel vm10, v47, v0  }
0x187: {  	v1 =	vsel vm11, $0x23, v1;
	vm11 =	vgt.f32 v48, v0  }
0x188: {  	v51 =	vld [tilespmem:s31+$0x3100];
	v0 =	vsel vm11, v48, v0  }
0x189: {  	v1 =	vsel vm12, $0x24, v1;
	vm12 =	vgt.f32 v49, v0  }
0x18a: {  	v52 =	vld [tilespmem:s31+$0x3180];
	v0 =	vsel vm12, v49, v0  }
0x18b: {  	v1 =	vsel vm13, $0x25, v1;
	vm13 =	vgt.f32 v50, v0  }
0x18c: {  	v53 =	vld [tilespmem:s31+$0x3200];
	v0 =	vsel vm13, v50, v0  }
0x18d: {  	v1 =	vsel vm14, $0x26, v1;
	vm14 =	vgt.f32 v51, v0  }
0x18e: {  	v54 =	vld [tilespmem:s31+$0x3280];
	v0 =	vsel vm14, v51, v0  }
0x18f: {  	v1 =	vsel vm15, $0x27, v1;
	vm15 =	vgt.f32 v52, v0  }
0x190: {  	v55 =	vld [tilespmem:s31+$0x3300];
	v0 =	vsel vm15, v52, v0  }
0x191: {  	v1 =	vsel vm4, $0x28, v1;
	vm4 =	vgt.f32 v53, v0  }
0x192: {  	v56 =	vld [tilespmem:s31+$0x3380];
	v0 =	vsel vm4, v53, v0  }
0x193: {  	v1 =	vsel vm5, $0x29, v1;
	vm5 =	vgt.f32 v54, v0  }
0x194: {  	v57 =	vld [tilespmem:s31+$0x3800];
	v0 =	vsel vm5, v54, v0  }
0x195: {  	v1 =	vsel vm6, $0x2A, v1;
	vm6 =	vgt.f32 v55, v0  }
0x196: {  	v58 =	vld [tilespmem:s31+$0x3880];
	v1 =	vsel vm7, $0x2B, v1;
	v0 =	vsel vm6, v55, v0  }
0x197: {  	v1 =	vsel vm8, $0x2C, v1;
	vm7 =	vgt.f32 v56, v0  }
0x198: {  	v59 =	vld [tilespmem:s31+$0x3900];
	v1 =	vsel vm9, $0x2D, v1;
	v0 =	vsel vm7, v56, v0  }
0x199: {  	v1 =	vsel vm10, $0x2E, v1;
	vm8 =	vgt.f32 v57, v0  }
0x19a: {  	v60 =	vld [tilespmem:s31+$0x3980];
	v1 =	vsel vm11, $0x2F, v1;
	v0 =	vsel vm8, v57, v0  }
0x19b: {  	v1 =	vsel vm12, $0x30, v1;
	vm9 =	vgt.f32 v58, v0  }
0x19c: {  	v61 =	vld [tilespmem:s31+$0x3A00];
	v1 =	vsel vm13, $0x31, v1;
	v0 =	vsel vm9, v58, v0  }
0x19d: {  	v1 =	vsel vm14, $0x32, v1;
	vm10 =	vgt.f32 v59, v0  }
0x19e: {  	v62 =	vld [tilespmem:s31+$0x3A80];
	v1 =	vsel vm15, $0x33, v1;
	v0 =	vsel vm10, v59, v0  }
0x19f: {  	v1 =	vsel vm4, $0x34, v1;
	vm11 =	vgt.f32 v60, v0  }
0x1a0: {  	v63 =	vld [tilespmem:s31+$0x3B00];
	v1 =	vsel vm5, $0x35, v1;
	v0 =	vsel vm11, v60, v0  }
0x1a1: {  	v1 =	vsel vm6, $0x36, v1;
	vm12 =	vgt.f32 v61, v0  }
0x1a2: {  	[tilespmem:$0x1FCB0] =	vst v8;
	v8 =	vld [tilespmem:s31+$0x3B80];
	v1 =	vsel vm7, $0x37, v1;
	v0 =	vsel vm12, v61, v0  }
0x1a3: {  	v1 =	vsel vm8, $0x38, v1;
	vm13 =	vgt.f32 v62, v0  }
0x1a4: {  	v1 =	vsel vm9, $0x39, v1;
	v0 =	vsel vm13, v62, v0  }
0x1a5: {  	v1 =	vsel vm10, $0x3A, v1;
	vm14 =	vgt.f32 v63, v0  }
0x1a6: {  	v1 =	vsel vm11, $0x3B, v1;
	v0 =	vsel vm14, v63, v0  }
0x1a7: {  	v1 =	vsel vm12, $0x3C, v1;
	vm15 =	vgt.f32 v8, v0  }
0x1a8: {  	v1 =	vsel vm13, $0x3D, v1;
	v0 =	vsel vm15, v8, v0  }
0x1a9: {  	v1 =	vsel vm14, $0x3E, v1;
	v2 =	vsub.f32 v2, v0  }
0x1aa: {  	v1 =	vsel vm15, $0x3F, v1;
	v3 =	vsub.f32 v3, v0;
	v5 =	vsub.f32 v4, v0  }
0x1ab: {  	[tilespmem:s14+$0x0] =	vst v1;
	v4 =	vsub.f32 v6, v0;
	v1 =	vsub.f32 v7, v0;
	v7 =	vld [tilespmem:$0x1FC90];
	v6 =	vmul.f32 $1.442695020e+00, v2;
	_ =	sdelay $0x1  }
0x1ac: {  	v3 =	vmul.f32 $1.442695020e+00, v3;
	(erf) = vpow2.f32 v6  }
0x1ad: {  	v12 =	vsub.f32 v12, v0;
	v16 =	vsub.f32 v16, v0;
	v5 =	vmul.f32 $1.442695020e+00, v5  }
0x1ae: {  	v20 =	vsub.f32 v20, v0;
	v4 =	vmul.f32 $1.442695020e+00, v4;
	(erf) = vpow2.f32 v3  }
0x1af: {  	v2 =	vsub.f32 v7, v0;
	v7 =	vmul.f32 $1.442695020e+00, v1;
	v1 =	vld [tilespmem:$0x1FCA0];
	v3 =	vsub.f32 v9, v0  }
0x1b0: {  	v6 =	vld [tilespmem:$0x1FCB0];
	v9 =	vsub.f32 v10, v0;
	v10 =	vsub.f32 v11, v0;
	(erf) = vpow2.f32 v5  }
0x1b1: {  	v11 =	vsub.f32 v13, v0;
	v13 =	vmul.f32 $1.442695020e+00, v16;
	v2 =	vmul.f32 $1.442695020e+00, v2  }
0x1b2: {  	v22 =	vsub.f32 v22, v0;
	v3 =	vmul.f32 $1.442695020e+00, v3;
	(erf) = vpow2.f32 v4  }
0x1b3: {  	v26 =	vsub.f32 v26, v0;
	v5 =	vmul.f32 $1.442695020e+00, v9;
	v10 =	vmul.f32 $1.442695020e+00, v10  }
0x1b4: {  	v4 =	vsub.f32 v14, v0;
	(erf) = vpow2.f32 v7;
	v1 =	vsub.f32 v1, v0  }
0x1b5: {  	v9 =	vmul.f32 $1.442695020e+00, v12;
	v7 =	vsub.f32 v18, v0;
	v6 =	vsub.f32 v6, v0;
	v18 =	vpop (erf)  }
0x1b6: {  	v1 =	vmul.f32 $1.442695020e+00, v1;
	(erf) = vpow2.f32 v2;
	v2 =	vadd.f32 $0.0e+00, v18  }
0x1b7: {  	v12 =	vsub.f32 v15, v0;
	v14 =	vmul.f32 $1.442695020e+00, v4;
	v4 =	vsub.f32 v17, v0;
	v16 =	vpop (erf)  }
0x1b8: {  	v6 =	vmul.f32 $1.442695020e+00, v6;
	(erf) = vpow2.f32 v1;
	v1 =	vadd.f32 v2, v16  }
0x1b9: {  	v11 =	vmul.f32 $1.442695020e+00, v11;
	v17 =	vmul.f32 $1.442695020e+00, v7;
	v2 =	vsub.f32 v21, v0;
	v21 =	vpop (erf)  }
0x1ba: {  	v18 =	vsub.f32 v19, v0;
	(erf) = vpow2.f32 v6;
	v1 =	vadd.f32 v1, v21  }
0x1bb: {  	v15 =	vmul.f32 $1.442695020e+00, v4;
	v6 =	vsub.f32 v24, v0;
	v24 =	vsub.f32 v25, v0;
	v4 =	vpop (erf)  }
0x1bc: {  	v7 =	vmul.f32 $1.442695020e+00, v26;
	(erf) = vpow2.f32 v3;
	v1 =	vadd.f32 v1, v4  }
0x1bd: {  	v16 =	vmul.f32 $1.442695020e+00, v18;
	v18 =	vmul.f32 $1.442695020e+00, v20;
	v25 =	vpop (erf)  }
0x1be: {  	v20 =	vmul.f32 $1.442695020e+00, v22;
	(erf) = vpow2.f32 v5;
	v1 =	vadd.f32 v1, v25  }
0x1bf: {  	v33 =	vsub.f32 v33, v0;
	v22 =	vmul.f32 $1.442695020e+00, v6;
	v6 =	vmul.f32 $1.442695020e+00, v24;
	v24 =	vpop (erf)  }
0x1c0: {  	v26 =	vsub.f32 v29, v0;
	(erf) = vpow2.f32 v10;
	v1 =	vadd.f32 v1, v24  }
0x1c1: {  	v19 =	vmul.f32 $1.442695020e+00, v2;
	v2 =	vsub.f32 v23, v0;
	v23 =	vsub.f32 v27, v0;
	v27 =	vpop (erf)  }
0x1c2: {  	v25 =	vsub.f32 v28, v0;
	(erf) = vpow2.f32 v9;
	v29 =	vadd.f32 v1, v27  }
0x1c3: {  	v28 =	vsub.f32 v30, v0;
	v30 =	vsub.f32 v31, v0;
	v31 =	vpop (erf)  }
0x1c4: {  	(erf) = vpow2.f32 v11;
	v9 =	vadd.f32 v29, v31  }
0x1c5: {  	v32 =	vsub.f32 v32, v0;
	v12 =	vmul.f32 $1.442695020e+00, v12;
	v24 =	vpop (erf)  }
0x1c6: {  	v3 =	vmul.f32 $1.442695020e+00, v26;
	(erf) = vpow2.f32 v14;
	v9 =	vadd.f32 v9, v24  }
0x1c7: {  	v31 =	vmul.f32 $1.442695020e+00, v32;
	v32 =	vmul.f32 $1.442695020e+00, v33;
	v33 =	vpop (erf)  }
0x1c8: {  	v26 =	vsub.f32 v35, v0;
	(erf) = vpow2.f32 v12;
	v9 =	vadd.f32 v9, v33  }
0x1c9: {  	v4 =	vmul.f32 $1.442695020e+00, v25;
	v25 =	vsub.f32 v34, v0;
	v34 =	vsub.f32 v36, v0;
	v36 =	vpop (erf)  }
0x1ca: {  	v35 =	vsub.f32 v37, v0;
	(erf) = vpow2.f32 v13;
	v9 =	vadd.f32 v9, v36  }
0x1cb: {  	v37 =	vsub.f32 v38, v0;
	v38 =	vsub.f32 v39, v0;
	v39 =	vpop (erf)  }
0x1cc: {  	(erf) = vpow2.f32 v15;
	v9 =	vadd.f32 v9, v39  }
0x1cd: {  	v21 =	vmul.f32 $1.442695020e+00, v2;
	v2 =	vmul.f32 $1.442695020e+00, v30;
	v24 =	vpop (erf)  }
0x1ce: {  	v30 =	vmul.f32 $1.442695020e+00, v26;
	(erf) = vpow2.f32 v17;
	v9 =	vadd.f32 v9, v24  }
0x1cf: {  	v1 =	vmul.f32 $1.442695020e+00, v28;
	v28 =	vmul.f32 $1.442695020e+00, v35;
	v35 =	vpop (erf)  }
0x1d0: {  	v26 =	vmul.f32 $1.442695020e+00, v38;
	(erf) = vpow2.f32 v16;
	v9 =	vadd.f32 v9, v35  }
0x1d1: {  	v38 =	vsub.f32 v44, v0;
	v27 =	vmul.f32 $1.442695020e+00, v34;
	v34 =	vsub.f32 v43, v0;
	v43 =	vpop (erf)  }
0x1d2: {  	v44 =	vsub.f32 v46, v0;
	(erf) = vpow2.f32 v18;
	v9 =	vadd.f32 v9, v43  }
0x1d3: {  	v33 =	vsub.f32 v42, v0;
	v42 =	vsub.f32 v45, v0;
	v46 =	vpop (erf)  }
0x1d4: {  	v45 =	vsub.f32 v47, v0;
	(erf) = vpow2.f32 v19;
	v9 =	vadd.f32 v9, v46  }
0x1d5: {  	v47 =	vsub.f32 v48, v0;
	v48 =	vsub.f32 v49, v0;
	v49 =	vpop (erf)  }
0x1d6: {  	(erf) = vpow2.f32 v20;
	v9 =	vadd.f32 v9, v49  }
0x1d7: {  	v39 =	vmul.f32 $1.442695020e+00, v33;
	v33 =	vpop (erf)  }
0x1d8: {  	(erf) = vpow2.f32 v21;
	v9 =	vadd.f32 v9, v33  }
0x1d9: {  	v36 =	vpop (erf)  }
0x1da: {  	(erf) = vpow2.f32 v22;
	v19 =	vadd.f32 v9, v36  }
0x1db: {  	v43 =	vpop (erf)  }
0x1dc: {  	(erf) = vpow2.f32 v6;
	v19 =	vadd.f32 v19, v43  }
0x1dd: {  	v40 =	vsub.f32 v40, v0;
	v46 =	vpop (erf)  }
0x1de: {  	v5 =	vmul.f32 $1.442695020e+00, v23;
	(erf) = vpow2.f32 v7;
	v19 =	vadd.f32 v19, v46  }
0x1df: {  	v41 =	vsub.f32 v41, v0;
	v23 =	vmul.f32 $1.442695020e+00, v40;
	v49 =	vpop (erf)  }
0x1e0: {  	v40 =	vmul.f32 $1.442695020e+00, v34;
	(erf) = vpow2.f32 v5;
	v19 =	vadd.f32 v19, v49  }
0x1e1: {  	v34 =	vsub.f32 v52, v0;
	v24 =	vmul.f32 $1.442695020e+00, v41;
	v41 =	vsub.f32 v54, v0;
	v52 =	vpop (erf)  }
0x1e2: {  	v20 =	vsub.f32 v51, v0;
	(erf) = vpow2.f32 v4;
	v54 =	vadd.f32 v19, v52  }
0x1e3: {  	v50 =	vsub.f32 v50, v0;
	v18 =	vmul.f32 $1.442695020e+00, v45;
	v45 =	vsub.f32 v57, v0;
	v57 =	vpop (erf)  }
0x1e4: {  	v14 =	vmul.f32 $1.442695020e+00, v20;
	(erf) = vpow2.f32 v3;
	v20 =	vadd.f32 v54, v57  }
0x1e5: {  	v13 =	vmul.f32 $1.442695020e+00, v50;
	v50 =	vsub.f32 v60, v0;
	v60 =	vpop (erf)  }
0x1e6: {  	v51 =	vsub.f32 v61, v0;
	(erf) = vpow2.f32 v1;
	v61 =	vadd.f32 v20, v60  }
0x1e7: {  	v29 =	vmul.f32 $1.442695020e+00, v25;
	v35 =	vsub.f32 v53, v0;
	v53 =	vsub.f32 v62, v0;
	v62 =	vpop (erf)  }
0x1e8: {  	v25 =	vmul.f32 $1.442695020e+00, v37;
	(erf) = vpow2.f32 v2;
	v1 =	vadd.f32 v61, v62  }
0x1e9: {  	v17 =	vmul.f32 $1.442695020e+00, v44;
	v44 =	vsub.f32 v56, v0;
	v56 =	vsub.f32 v63, v0;
	v63 =	vpop (erf)  }
0x1ea: {  	v37 =	vmul.f32 $1.442695020e+00, v38;
	(erf) = vpow2.f32 v31;
	v1 =	vadd.f32 v1, v63  }
0x1eb: {  	v38 =	vmul.f32 $1.442695020e+00, v42;
	v15 =	vmul.f32 $1.442695020e+00, v47;
	v42 =	vsub.f32 v55, v0;
	v4 =	vpop (erf)  }
0x1ec: {  	v47 =	vsub.f32 v58, v0;
	(erf) = vpow2.f32 v32;
	v1 =	vadd.f32 v1, v4  }
0x1ed: {  	v16 =	vmul.f32 $1.442695020e+00, v48;
	v48 =	vsub.f32 v59, v0;
	v0 =	vsub.f32 v8, v0;
	v8 =	vpop (erf)  }
0x1ee: {  	(erf) = vpow2.f32 v29;
	v1 =	vadd.f32 v1, v8  }
0x1ef: {  	v19 =	vpop (erf)  }
0x1f0: {  	(erf) = vpow2.f32 v30;
	v1 =	vadd.f32 v1, v19  }
0x1f1: {  	v20 =	vpop (erf)  }
0x1f2: {  	(erf) = vpow2.f32 v27;
	v1 =	vadd.f32 v1, v20  }
0x1f3: {  	v21 =	vpop (erf)  }
0x1f4: {  	(erf) = vpow2.f32 v28;
	v1 =	vadd.f32 v1, v21  }
0x1f5: {  	v22 =	vpop (erf)  }
0x1f6: {  	(erf) = vpow2.f32 v25;
	v1 =	vadd.f32 v1, v22  }
0x1f7: {  	v27 =	vpop (erf)  }
0x1f8: {  	(erf) = vpow2.f32 v26;
	v1 =	vadd.f32 v1, v27  }
0x1f9: {  	v28 =	vpop (erf)  }
0x1fa: {  	(erf) = vpow2.f32 v23;
	v1 =	vadd.f32 v1, v28  }
0x1fb: {  	v29 =	vpop (erf)  }
0x1fc: {  	(erf) = vpow2.f32 v24;
	v1 =	vadd.f32 v1, v29  }
0x1fd: {  	v30 =	vpop (erf)  }
0x1fe: {  	(erf) = vpow2.f32 v39;
	v1 =	vadd.f32 v1, v30  }
0x1ff: {  	v31 =	vpop (erf)  }
0x200: {  	(erf) = vpow2.f32 v40;
	v1 =	vadd.f32 v1, v31  }
0x201: {  	v32 =	vpop (erf)  }
0x202: {  	(erf) = vpow2.f32 v37;
	v1 =	vadd.f32 v1, v32  }
0x203: {  	v37 =	vpop (erf)  }
0x204: {  	(erf) = vpow2.f32 v38;
	v1 =	vadd.f32 v1, v37  }
0x205: {  	v38 =	vpop (erf)  }
0x206: {  	(erf) = vpow2.f32 v17;
	v1 =	vadd.f32 v1, v38  }
0x207: {  	v39 =	vpop (erf)  }
0x208: {  	(erf) = vpow2.f32 v18;
	v1 =	vadd.f32 v1, v39  }
0x209: {  	v40 =	vpop (erf)  }
0x20a: {  	(erf) = vpow2.f32 v15;
	v1 =	vadd.f32 v1, v40  }
0x20b: {  	v9 =	vmul.f32 $1.442695020e+00, v41;
	v41 =	vpop (erf)  }
0x20c: {  	(erf) = vpow2.f32 v16;
	v1 =	vadd.f32 v1, v41  }
0x20d: {  	v10 =	vmul.f32 $1.442695020e+00, v42;
	v42 =	vpop (erf)  }
0x20e: {  	(erf) = vpow2.f32 v13;
	v1 =	vadd.f32 v1, v42  }
0x20f: {  	v43 =	vpop (erf)  }
0x210: {  	v11 =	vmul.f32 $1.442695020e+00, v34;
	(erf) = vpow2.f32 v14;
	v1 =	vadd.f32 v1, v43  }
0x211: {  	v6 =	vmul.f32 $1.442695020e+00, v44;
	v44 =	vpop (erf)  }
0x212: {  	v12 =	vmul.f32 $1.442695020e+00, v35;
	(erf) = vpow2.f32 v11;
	v1 =	vadd.f32 v1, v44  }
0x213: {  	v7 =	vmul.f32 $1.442695020e+00, v45;
	v45 =	vpop (erf)  }
0x214: {  	(erf) = vpow2.f32 v12;
	v1 =	vadd.f32 v1, v45  }
0x215: {  	v46 =	vpop (erf)  }
0x216: {  	(erf) = vpow2.f32 v9;
	v1 =	vadd.f32 v1, v46  }
0x217: {  	v36 =	vmul.f32 $1.442695020e+00, v47;
	v47 =	vpop (erf)  }
0x218: {  	(erf) = vpow2.f32 v10;
	v1 =	vadd.f32 v1, v47  }
0x219: {  	v5 =	vmul.f32 $1.442695020e+00, v48;
	v48 =	vpop (erf)  }
0x21a: {  	(erf) = vpow2.f32 v6;
	v1 =	vadd.f32 v1, v48  }
0x21b: {  	v49 =	vpop (erf)  }
0x21c: {  	(erf) = vpow2.f32 v7;
	v1 =	vadd.f32 v1, v49  }
0x21d: {  	v34 =	vmul.f32 $1.442695020e+00, v50;
	v50 =	vpop (erf)  }
0x21e: {  	(erf) = vpow2.f32 v36;
	v1 =	vadd.f32 v1, v50  }
0x21f: {  	v55 =	vmul.f32 $1.442695020e+00, v51;
	v51 =	vpop (erf)  }
0x220: {  	(erf) = vpow2.f32 v5;
	v1 =	vadd.f32 v1, v51  }
0x221: {  	v52 =	vpop (erf)  }
0x222: {  	(erf) = vpow2.f32 v34;
	v1 =	vadd.f32 v1, v52  }
0x223: {  	v58 =	vmul.f32 $1.442695020e+00, v53;
	v53 =	vpop (erf)  }
0x224: {  	(erf) = vpow2.f32 v55;
	v1 =	vadd.f32 v1, v53  }
0x225: {  	v54 =	vpop (erf)  }
0x226: {  	v59 =	vmul.f32 $1.442695020e+00, v56;
	(erf) = vpow2.f32 v58;
	v1 =	vadd.f32 v1, v54  }
0x227: {  	v55 =	vpop (erf)  }
0x228: {  	v0 =	vmul.f32 $1.442695020e+00, v0;
	(erf) = vpow2.f32 v59;
	v56 =	vadd.f32 v1, v55  }
0x229: {  	v57 =	vpop (erf)  }
0x22a: {  	(erf) = vpow2.f32 v0;
	v58 =	vadd.f32 v56, v57  }
0x22b: {  	v59 =	vpop (erf)  }
0x22c: {  	v0 =	vadd.f32 v58, v59  }
0x22d: {  	v60 =	vpop (erf)  }
0x22e: {  	v0 =	vadd.f32 v0, v60  }
0x22f: {  	v61 =	vpop (erf)  }
0x230: {  	v0 =	vadd.f32 v0, v61  }
0x231: {  	p0 =	sne.s32 s19, $0xF0;
	v62 =	vpop (erf)  }
.Ltmp0:
0x232: {  	v0 =	vadd.f32 v0, v62;
	(pc) =	sbr.rel @p0 .LBB2_2-.Ltmp0, $4  }
0x233: {  	s18 =	smov.u32 s19;
	v63 =	vpop (erf)  }
0x234: {  	s20 =	sand.u32 $0x70, s19;
	s18 =	sadd.s32 $0x10, s19;
	v0 =	vadd.f32 v0, v63  }
0x235: {  	s16 =	sadd.s32 $0x80, s16;
	s15 =	smov.u32 s20;
	s19 =	smov.u32 s18  }
0x236: {  	s17 =	smov.u32 s13;
	s13 =	sadd.s32 $0x10, s13;
	s14 =	sadd.s32 $0x10, s14;
	(erf) = vrcp.f32 v0  }
0x237: {  	_ =	sdelay $0x7  }
0x238: {  	s16 =	sand.u32 $0x400, s16;
	v0 =	vpop (erf)  }
0x239: {  	s15 =	sor.u32 s15, s16;
	[tilespmem:s17+$0x0] =	vst v0  }
0x23a: {  	v63 =	vld [tilespmem:s15+$0x0]  }
0x23b: {  	v3 =	vld [tilespmem:s15+$0x80];
	_ =	sdelay $0x1  }
0x23c: {  	v62 =	vld [tilespmem:s15+$0x100];
	_ =	sdelay $0x1  }
0x23d: {  	v60 =	vld [tilespmem:s15+$0x180]  }
0x23e: {  	vm1 =	vgt.f32 v3, v63  }
0x23f: {  	v58 =	vld [tilespmem:s15+$0x200];
	v1 =	vsel vm1, v3, v63  }
0x240: {  	vm2 =	vgt.f32 v62, v1  }
0x241: {  	v59 =	vld [tilespmem:s15+$0x280];
	v1 =	vsel vm2, v62, v1  }
0x242: {  	vm3 =	vgt.f32 v60, v1  }
0x243: {  	v61 =	vld [tilespmem:s15+$0x300];
	v1 =	vsel vm3, v60, v1  }
0x244: {  	vm4 =	vgt.f32 v58, v1  }
0x245: {  	v57 =	vld [tilespmem:s15+$0x380];
	v1 =	vsel vm4, v58, v1  }
0x246: {  	vm5 =	vgt.f32 v59, v1  }
0x247: {  	v55 =	vld [tilespmem:s15+$0x800];
	v1 =	vsel vm5, v59, v1  }
0x248: {  	vm6 =	vgt.f32 v61, v1  }
0x249: {  	v56 =	vld [tilespmem:s15+$0x880];
	v1 =	vsel vm6, v61, v1  }
0x24a: {  	vm7 =	vgt.f32 v57, v1  }
0x24b: {  	v53 =	vld [tilespmem:s15+$0x900];
	v1 =	vsel vm7, v57, v1  }
0x24c: {  	vm8 =	vgt.f32 v55, v1  }
0x24d: {  	v52 =	vld [tilespmem:s15+$0x980];
	v1 =	vsel vm8, v55, v1  }
0x24e: {  	vm9 =	vgt.f32 v56, v1  }
0x24f: {  	v54 =	vld [tilespmem:s15+$0xA00];
	v1 =	vsel vm9, v56, v1  }
0x250: {  	vm10 =	vgt.f32 v53, v1  }
0x251: {  	v50 =	vld [tilespmem:s15+$0xA80];
	v1 =	vsel vm10, v53, v1  }
0x252: {  	vm11 =	vgt.f32 v52, v1  }
0x253: {  	v49 =	vld [tilespmem:s15+$0xB00];
	v1 =	vsel vm11, v52, v1  }
0x254: {  	vm12 =	vgt.f32 v54, v1  }
0x255: {  	v51 =	vld [tilespmem:s15+$0xB80];
	v1 =	vsel vm12, v54, v1  }
0x256: {  	vm13 =	vgt.f32 v50, v1  }
0x257: {  	v47 =	vld [tilespmem:s15+$0x1000];
	v1 =	vsel vm13, v50, v1  }
0x258: {  	vm14 =	vgt.f32 v49, v1  }
0x259: {  	v46 =	vld [tilespmem:s15+$0x1080];
	v1 =	vsel vm14, v49, v1  }
0x25a: {  	vm15 =	vgt.f32 v51, v1  }
0x25b: {  	v48 =	vld [tilespmem:s15+$0x1100];
	v1 =	vsel vm15, v51, v1  }
0x25c: {  	vm0 =	vgt.f32 v47, v1  }
0x25d: {  	v27 =	vimm.s32 $0x0;
	v44 =	vld [tilespmem:s15+$0x1180];
	v1 =	vsel vm0, v47, v1  }
0x25e: {  	v0 =	vsel vm0, $0xFFFFFFFF, v27;
	vm0 =	vgt.f32 v46, v1  }
0x25f: {  	v28 =	vimm.s32 $0x0;
	v43 =	vld [tilespmem:s15+$0x1200];
	v1 =	vsel vm0, v46, v1  }
0x260: {  	[tilespmem:$0x1F960] =	vst v0;
	v0 =	vsel vm0, $0xFFFFFFFF, v28;
	vm0 =	vgt.f32 v48, v1  }
0x261: {  	v29 =	vimm.s32 $0x0;
	v45 =	vld [tilespmem:s15+$0x1280];
	v1 =	vsel vm0, v48, v1  }
0x262: {  	[tilespmem:$0x1F970] =	vst v0;
	v0 =	vsel vm0, $0xFFFFFFFF, v29;
	vm0 =	vgt.f32 v44, v1  }
0x263: {  	v30 =	vimm.s32 $0x0;
	v42 =	vld [tilespmem:s15+$0x1300];
	v1 =	vsel vm0, v44, v1  }
0x264: {  	[tilespmem:$0x1F980] =	vst v0;
	v0 =	vsel vm0, $0xFFFFFFFF, v30;
	vm0 =	vgt.f32 v43, v1  }
0x265: {  	v31 =	vimm.s32 $0x0;
	v40 =	vld [tilespmem:s15+$0x1380];
	v1 =	vsel vm0, v43, v1  }
0x266: {  	[tilespmem:$0x1F990] =	vst v0;
	v0 =	vsel vm0, $0xFFFFFFFF, v31;
	vm0 =	vgt.f32 v45, v1  }
0x267: {  	v32 =	vimm.s32 $0x0;
	v41 =	vld [tilespmem:s15+$0x1800];
	v1 =	vsel vm0, v45, v1  }
0x268: {  	[tilespmem:$0x1F9A0] =	vst v0;
	v0 =	vsel vm0, $0xFFFFFFFF, v32;
	vm0 =	vgt.f32 v42, v1  }
0x269: {  	v33 =	vimm.s32 $0x0;
	v39 =	vld [tilespmem:s15+$0x1880];
	v1 =	vsel vm0, v42, v1  }
0x26a: {  	[tilespmem:$0x1F9B0] =	vst v0;
	v0 =	vsel vm0, $0xFFFFFFFF, v33;
	vm0 =	vgt.f32 v40, v1  }
0x26b: {  	v34 =	vimm.s32 $0x0;
	v37 =	vld [tilespmem:s15+$0x1900];
	v1 =	vsel vm0, v40, v1  }
0x26c: {  	[tilespmem:$0x1F9C0] =	vst v0;
	v0 =	vsel vm0, $0xFFFFFFFF, v34;
	vm0 =	vgt.f32 v41, v1  }
0x26d: {  	v35 =	vimm.s32 $0x0;
	v38 =	vld [tilespmem:s15+$0x1980];
	v1 =	vsel vm0, v41, v1  }
0x26e: {  	v36 =	vimm.s32 $0x0;
	[tilespmem:$0x1F9D0] =	vst v0;
	v0 =	vsel vm0, $0xFFFFFFFF, v35;
	vm0 =	vgt.f32 v39, v1  }
0x26f: {  	[tilespmem:$0x1F9E0] =	vst v0;
	v0 =	vsel vm0, $0xFFFFFFFF, v36;
	v36 =	vld [tilespmem:s15+$0x1A00];
	v1 =	vsel vm0, v39, v1  }
0x270: {  	vm0 =	vgt.f32 v37, v1  }
0x271: {  	v4 =	vimm.s32 $0x0;
	v34 =	vld [tilespmem:s15+$0x1A80];
	v1 =	vsel vm0, v37, v1  }
0x272: {  	[tilespmem:$0x1F9F0] =	vst v0;
	v0 =	vsel vm0, $0xFFFFFFFF, v4;
	vm0 =	vgt.f32 v38, v1  }
0x273: {  	v5 =	vimm.s32 $0x0;
	v35 =	vld [tilespmem:s15+$0x1B00];
	v1 =	vsel vm0, v38, v1  }
0x274: {  	[tilespmem:$0x1FA00] =	vst v0;
	v0 =	vsel vm0, $0xFFFFFFFF, v5;
	vm0 =	vgt.f32 v36, v1  }
0x275: {  	v6 =	vimm.s32 $0x0;
	v33 =	vld [tilespmem:s15+$0x1B80];
	v1 =	vsel vm0, v36, v1  }
0x276: {  	[tilespmem:$0x1FA10] =	vst v0;
	v0 =	vsel vm0, $0xFFFFFFFF, v6;
	vm0 =	vgt.f32 v34, v1  }
0x277: {  	v7 =	vimm.s32 $0x0;
	v31 =	vld [tilespmem:s15+$0x2000];
	v1 =	vsel vm0, v34, v1  }
0x278: {  	[tilespmem:$0x1FA20] =	vst v0;
	v0 =	vsel vm0, $0xFFFFFFFF, v7;
	vm0 =	vgt.f32 v35, v1  }
0x279: {  	v8 =	vimm.s32 $0x0;
	v32 =	vld [tilespmem:s15+$0x2080];
	v1 =	vsel vm0, v35, v1  }
0x27a: {  	[tilespmem:$0x1FA30] =	vst v0;
	v0 =	vsel vm0, $0xFFFFFFFF, v8;
	vm0 =	vgt.f32 v33, v1  }
0x27b: {  	v9 =	vimm.s32 $0x0;
	v30 =	vld [tilespmem:s15+$0x2100];
	v1 =	vsel vm0, v33, v1  }
0x27c: {  	[tilespmem:$0x1FA40] =	vst v0;
	v0 =	vsel vm0, $0xFFFFFFFF, v9;
	vm0 =	vgt.f32 v31, v1  }
0x27d: {  	v10 =	vimm.s32 $0x0;
	v28 =	vld [tilespmem:s15+$0x2180];
	v1 =	vsel vm0, v31, v1  }
0x27e: {  	[tilespmem:$0x1FA50] =	vst v0;
	v0 =	vsel vm0, $0xFFFFFFFF, v10;
	vm0 =	vgt.f32 v32, v1  }
0x27f: {  	v11 =	vimm.s32 $0x0;
	v29 =	vld [tilespmem:s15+$0x2200];
	v1 =	vsel vm0, v32, v1  }
0x280: {  	[tilespmem:$0x1FA60] =	vst v0;
	v0 =	vsel vm0, $0xFFFFFFFF, v11;
	vm0 =	vgt.f32 v30, v1  }
0x281: {  	v12 =	vimm.s32 $0x0;
	v27 =	vld [tilespmem:s15+$0x2280];
	v2 =	vsel vm0, v30, v1  }
0x282: {  	[tilespmem:$0x1FA70] =	vst v0;
	v0 =	vsel vm0, $0xFFFFFFFF, v12;
	vm0 =	vgt.f32 v28, v2  }
0x283: {  	v13 =	vimm.s32 $0x0;
	v5 =	vld [tilespmem:s15+$0x2300];
	v2 =	vsel vm0, v28, v2  }
0x284: {  	[tilespmem:$0x1FA80] =	vst v0;
	v0 =	vsel vm0, $0xFFFFFFFF, v13;
	vm0 =	vgt.f32 v29, v2  }
0x285: {  	v14 =	vimm.s32 $0x0;
	v26 =	vld [tilespmem:s15+$0x2380];
	v2 =	vsel vm0, v29, v2  }
0x286: {  	[tilespmem:$0x1FA90] =	vst v0;
	v0 =	vsel vm0, $0xFFFFFFFF, v14;
	vm0 =	vgt.f32 v27, v2  }
0x287: {  	v15 =	vimm.s32 $0x0;
	v25 =	vld [tilespmem:s15+$0x2800];
	v2 =	vsel vm0, v27, v2  }
0x288: {  	[tilespmem:$0x1FAA0] =	vst v0;
	v0 =	vsel vm0, $0xFFFFFFFF, v15;
	vm0 =	vgt.f32 v5, v2  }
0x289: {  	v16 =	vimm.s32 $0x0;
	v23 =	vld [tilespmem:s15+$0x2880];
	v2 =	vsel vm0, v5, v2  }
0x28a: {  	[tilespmem:$0x1FAB0] =	vst v0;
	v0 =	vsel vm0, $0xFFFFFFFF, v16;
	vm0 =	vgt.f32 v26, v2  }
0x28b: {  	v17 =	vimm.s32 $0x0;
	v24 =	vld [tilespmem:s15+$0x2900];
	v2 =	vsel vm0, v26, v2  }
0x28c: {  	[tilespmem:$0x1FAD0] =	vst v0;
	v0 =	vsel vm0, $0xFFFFFFFF, v17;
	vm0 =	vgt.f32 v25, v2  }
0x28d: {  	v18 =	vimm.s32 $0x0;
	v22 =	vld [tilespmem:s15+$0x2980];
	v2 =	vsel vm0, v25, v2  }
0x28e: {  	[tilespmem:$0x1FAF0] =	vst v0;
	v0 =	vsel vm0, $0xFFFFFFFF, v18;
	vm0 =	vgt.f32 v23, v2  }
0x28f: {  	v19 =	vimm.s32 $0x0;
	v21 =	vld [tilespmem:s15+$0x2A00];
	v2 =	vsel vm0, v23, v2  }
0x290: {  	v20 =	vimm.s32 $0x0;
	[tilespmem:$0x1FB10] =	vst v0;
	v0 =	vsel vm0, $0xFFFFFFFF, v19;
	vm0 =	vgt.f32 v24, v2  }
0x291: {  	[tilespmem:$0x1FB20] =	vst v0;
	v0 =	vsel vm0, $0xFFFFFFFF, v20;
	v20 =	vld [tilespmem:s15+$0x2A80];
	v2 =	vsel vm0, v24, v2  }
0x292: {  	vm0 =	vgt.f32 v22, v2  }
0x293: {  	v4 =	vimm.s32 $0x0;
	v19 =	vld [tilespmem:s15+$0x2B00];
	v2 =	vsel vm0, v22, v2  }
0x294: {  	[tilespmem:$0x1FB30] =	vst v0;
	v0 =	vsel vm0, $0xFFFFFFFF, v4;
	vm0 =	vgt.f32 v21, v2  }
0x295: {  	v6 =	vimm.s32 $0x0;
	v18 =	vld [tilespmem:s15+$0x2B80];
	v2 =	vsel vm0, v21, v2  }
0x296: {  	[tilespmem:$0x1FB40] =	vst v0;
	v0 =	vsel vm0, $0xFFFFFFFF, v6;
	vm0 =	vgt.f32 v20, v2  }
0x297: {  	v7 =	vimm.s32 $0x0;
	v17 =	vld [tilespmem:s15+$0x3000];
	v2 =	vsel vm0, v20, v2  }
0x298: {  	[tilespmem:$0x1FB50] =	vst v0;
	v0 =	vsel vm0, $0xFFFFFFFF, v7;
	vm0 =	vgt.f32 v19, v2  }
0x299: {  	v8 =	vimm.s32 $0x0;
	v16 =	vld [tilespmem:s15+$0x3080];
	v2 =	vsel vm0, v19, v2  }
0x29a: {  	[tilespmem:$0x1FB60] =	vst v0;
	v0 =	vsel vm0, $0xFFFFFFFF, v8;
	vm0 =	vgt.f32 v18, v2  }
0x29b: {  	v9 =	vimm.s32 $0x0;
	v15 =	vld [tilespmem:s15+$0x3100];
	v2 =	vsel vm0, v18, v2  }
0x29c: {  	[tilespmem:$0x1FB70] =	vst v0;
	v0 =	vsel vm0, $0xFFFFFFFF, v9;
	vm0 =	vgt.f32 v17, v2  }
0x29d: {  	v10 =	vimm.s32 $0x0;
	v14 =	vld [tilespmem:s15+$0x3180];
	v2 =	vsel vm0, v17, v2  }
0x29e: {  	[tilespmem:$0x1FB80] =	vst v0;
	v0 =	vsel vm0, $0xFFFFFFFF, v10;
	vm0 =	vgt.f32 v16, v2  }
0x29f: {  	v11 =	vimm.s32 $0x0;
	v13 =	vld [tilespmem:s15+$0x3200];
	v2 =	vsel vm0, v16, v2  }
0x2a0: {  	v12 =	vimm.s32 $0x0;
	[tilespmem:$0x1FB90] =	vst v0;
	v0 =	vsel vm0, $0xFFFFFFFF, v11;
	vm0 =	vgt.f32 v15, v2  }
0x2a1: {  	[tilespmem:$0x1FBA0] =	vst v0;
	v0 =	vsel vm0, $0xFFFFFFFF, v12;
	v2 =	vsel vm0, v15, v2;
	v12 =	vld [tilespmem:s15+$0x3280]  }
0x2a2: {  	vm0 =	vgt.f32 v14, v2  }
0x2a3: {  	v4 =	vimm.s32 $0x0;
	v11 =	vld [tilespmem:s15+$0x3300];
	v2 =	vsel vm0, v14, v2  }
0x2a4: {  	[tilespmem:$0x1FBB0] =	vst v0;
	v0 =	vsel vm0, $0xFFFFFFFF, v4;
	vm0 =	vgt.f32 v13, v2  }
0x2a5: {  	v6 =	vimm.s32 $0x0;
	v10 =	vld [tilespmem:s15+$0x3380];
	v2 =	vsel vm0, v13, v2  }
0x2a6: {  	[tilespmem:$0x1FBC0] =	vst v0;
	v0 =	vsel vm0, $0xFFFFFFFF, v6;
	vm0 =	vgt.f32 v12, v2  }
0x2a7: {  	v7 =	vimm.s32 $0x0;
	v9 =	vld [tilespmem:s15+$0x3800];
	v2 =	vsel vm0, v12, v2  }
0x2a8: {  	v8 =	vimm.s32 $0x0;
	[tilespmem:$0x1FBD0] =	vst v0;
	v0 =	vsel vm0, $0xFFFFFFFF, v7;
	vm0 =	vgt.f32 v11, v2  }
0x2a9: {  	[tilespmem:$0x1FBE0] =	vst v0;
	v0 =	vsel vm0, $0xFFFFFFFF, v8;
	v2 =	vsel vm0, v11, v2;
	v8 =	vld [tilespmem:s15+$0x3880]  }
0x2aa: {  	vm0 =	vgt.f32 v10, v2  }
0x2ab: {  	v4 =	vimm.s32 $0x0;
	v2 =	vsel vm0, v10, v2  }
0x2ac: {  	v7 =	vld [tilespmem:s15+$0x3900];
	[tilespmem:$0x1FBF0] =	vst v0;
	v0 =	vsel vm0, $0xFFFFFFFF, v4;
	vm0 =	vgt.f32 v9, v2  }
0x2ad: {  	v6 =	vimm.s32 $0x0;
	v2 =	vsel vm0, v9, v2  }
0x2ae: {  	v4 =	vimm.s32 $0x0;
	[tilespmem:$0x1FC00] =	vst v0;
	v0 =	vsel vm0, $0xFFFFFFFF, v6;
	vm0 =	vgt.f32 v8, v2  }
0x2af: {  	v6 =	vld [tilespmem:s15+$0x3980];
	[tilespmem:$0x1FC10] =	vst v0;
	v0 =	vsel vm0, $0xFFFFFFFF, v4  }
0x2b0: {  	[tilespmem:$0x1FC20] =	vst v0;
	v0 =	vsel vm0, v8, v2;
	v2 =	vld [tilespmem:s15+$0x3A00]  }
0x2b1: {  	v4 =	vimm.s32 $0x0;
	vm0 =	vgt.f32 v7, v0  }
0x2b2: {  	v1 =	vsel vm0, $0xFFFFFFFF, v4  }
0x2b3: {  	[tilespmem:$0x1FC30] =	vst v1;
	v1 =	vsel vm0, v7, v0  }
0x2b4: {  	v4 =	vimm.s32 $0x0;
	vm0 =	vgt.f32 v6, v1  }
0x2b5: {  	[tilespmem:$0x1FAC0] =	vst v2;
	v4 =	vsel vm0, $0xFFFFFFFF, v4  }
0x2b6: {  	v0 =	vld [tilespmem:s15+$0x3A80];
	[tilespmem:$0x1FC40] =	vst v4;
	v4 =	vsel vm0, v6, v1  }
0x2b7: {  	v1 =	vld [tilespmem:s15+$0x3B00];
	[tilespmem:$0x1FCC0] =	vst v3;
	v3 =	vimm.s32 $0x0;
	vm0 =	vgt.f32 v2, v4  }
0x2b8: {  	v3 =	vsel vm0, $0xFFFFFFFF, v3  }
0x2b9: {  	[tilespmem:$0x1FC50] =	vst v3  }
0x2ba: {  	v3 =	vld [tilespmem:$0x1FCC0];
	_ =	sdelay $0x3  }
0x2bb: {  	v4 =	vsel vm0, v2, v4;
	v2 =	vld [tilespmem:s15+$0x3B80];
	[tilespmem:$0x1FAE0] =	vst v0  }
0x2bc: {  	vm0 =	vgt.f32 v0, v4;
	[tilespmem:$0x1FCC0] =	vst v3;
	v3 =	vimm.s32 $0x0  }
0x2bd: {  	v4 =	vsel vm0, v0, v4;
	v3 =	vsel vm0, $0xFFFFFFFF, v3  }
0x2be: {  	vm0 =	vgt.f32 v1, v4;
	[tilespmem:$0x1FC60] =	vst v3  }
0x2bf: {  	v0 =	vimm.s32 $0x0;
	v4 =	vsel vm0, v1, v4;
	v3 =	vld [tilespmem:$0x1FCC0]  }
0x2c0: {  	v0 =	vsel vm0, $0xFFFFFFFF, v0;
	vm0 =	vgt.f32 v2, v4  }
0x2c1: {  	v4 =	vsel vm0, v2, v4  }
0x2c2: {  	[tilespmem:$0x1FC70] =	vst v0;
	v0 =	vimm.s32 $0x0;
	v63 =	vsub.f32 v63, v4  }
0x2c3: {  	v0 =	vsel vm0, $0xFFFFFFFF, v0  }
0x2c4: {  	[tilespmem:$0x1FC80] =	vst v0;
	v63 =	vmul.f32 $1.442695020e+00, v63;
	v0 =	vsub.f32 v3, v4;
	_ =	sdelay $0x1  }
0x2c5: {  	v62 =	vsub.f32 v62, v4;
	(erf) = vpow2.f32 v63;
	v0 =	vmul.f32 $1.442695020e+00, v0;
	_ =	sdelay $0x1  }
0x2c6: {  	v3 =	vmul.f32 $1.442695020e+00, v62;
	(erf) = vpow2.f32 v0;
	v0 =	vsub.f32 v60, v4;
	_ =	sdelay $0x1  }
0x2c7: {  	v58 =	vsub.f32 v58, v4;
	(erf) = vpow2.f32 v3;
	v0 =	vmul.f32 $1.442695020e+00, v0  }
0x2c8: {  	v60 =	vsub.f32 v61, v4  }
0x2c9: {  	v58 =	vmul.f32 $1.442695020e+00, v58;
	v63 =	vsub.f32 v59, v4;
	(erf) = vpow2.f32 v0  }
0x2ca: {  	v61 =	vmul.f32 $1.442695020e+00, v60  }
0x2cb: {  	v0 =	vmul.f32 $1.442695020e+00, v63;
	(erf) = vpow2.f32 v58  }
0x2cc: {  	v62 =	vpop (erf)  }
0x2cd: {  	v63 =	vsub.f32 v57, v4;
	(erf) = vpow2.f32 v0;
	v60 =	vadd.f32 $0.0e+00, v62  }
0x2ce: {  	(erf) = vpow2.f32 v61;
	v61 =	vpop (erf)  }
0x2cf: {  	v55 =	vsub.f32 v55, v4;
	v0 =	vmul.f32 $1.442695020e+00, v63;
	v57 =	vadd.f32 v60, v61  }
0x2d0: {  	v56 =	vsub.f32 v56, v4;
	v62 =	vpop (erf)  }
0x2d1: {  	v55 =	vmul.f32 $1.442695020e+00, v55;
	(erf) = vpow2.f32 v0;
	v63 =	vadd.f32 v57, v62  }
0x2d2: {  	v53 =	vsub.f32 v53, v4;
	v3 =	vpop (erf)  }
0x2d3: {  	v56 =	vmul.f32 $1.442695020e+00, v56;
	(erf) = vpow2.f32 v55;
	v0 =	vadd.f32 v63, v3  }
0x2d4: {  	v52 =	vsub.f32 v52, v4;
	v57 =	vpop (erf)  }
0x2d5: {  	v53 =	vmul.f32 $1.442695020e+00, v53;
	(erf) = vpow2.f32 v56;
	v0 =	vadd.f32 v0, v57  }
0x2d6: {  	v54 =	vsub.f32 v54, v4;
	v58 =	vpop (erf)  }
0x2d7: {  	v52 =	vmul.f32 $1.442695020e+00, v52;
	(erf) = vpow2.f32 v53;
	v0 =	vadd.f32 v0, v58  }
0x2d8: {  	v50 =	vsub.f32 v50, v4;
	v60 =	vpop (erf)  }
0x2d9: {  	v59 =	vmul.f32 $1.442695020e+00, v54;
	(erf) = vpow2.f32 v52;
	v0 =	vadd.f32 v0, v60  }
0x2da: {  	v49 =	vsub.f32 v49, v4;
	v61 =	vpop (erf)  }
0x2db: {  	v50 =	vmul.f32 $1.442695020e+00, v50;
	(erf) = vpow2.f32 v59;
	v0 =	vadd.f32 v0, v61  }
0x2dc: {  	v51 =	vsub.f32 v51, v4;
	v62 =	vpop (erf)  }
0x2dd: {  	v49 =	vmul.f32 $1.442695020e+00, v49;
	(erf) = vpow2.f32 v50;
	v0 =	vadd.f32 v0, v62  }
0x2de: {  	v47 =	vsub.f32 v47, v4;
	v54 =	vpop (erf)  }
0x2df: {  	v63 =	vmul.f32 $1.442695020e+00, v51;
	(erf) = vpow2.f32 v49;
	v0 =	vadd.f32 v0, v54  }
0x2e0: {  	v46 =	vsub.f32 v46, v4;
	v55 =	vpop (erf)  }
0x2e1: {  	v47 =	vmul.f32 $1.442695020e+00, v47;
	(erf) = vpow2.f32 v63;
	v0 =	vadd.f32 v0, v55  }
0x2e2: {  	v48 =	vsub.f32 v48, v4;
	v56 =	vpop (erf)  }
0x2e3: {  	v46 =	vmul.f32 $1.442695020e+00, v46;
	(erf) = vpow2.f32 v47;
	v0 =	vadd.f32 v0, v56  }
0x2e4: {  	v44 =	vsub.f32 v44, v4;
	v58 =	vpop (erf)  }
0x2e5: {  	v57 =	vmul.f32 $1.442695020e+00, v48;
	(erf) = vpow2.f32 v46;
	v0 =	vadd.f32 v0, v58  }
0x2e6: {  	v43 =	vsub.f32 v43, v4;
	v59 =	vpop (erf)  }
0x2e7: {  	v44 =	vmul.f32 $1.442695020e+00, v44;
	(erf) = vpow2.f32 v57;
	v0 =	vadd.f32 v0, v59  }
0x2e8: {  	v45 =	vsub.f32 v45, v4;
	v60 =	vpop (erf)  }
0x2e9: {  	v43 =	vmul.f32 $1.442695020e+00, v43;
	(erf) = vpow2.f32 v44;
	v0 =	vadd.f32 v0, v60  }
0x2ea: {  	v42 =	vsub.f32 v42, v4;
	v62 =	vpop (erf)  }
0x2eb: {  	v61 =	vmul.f32 $1.442695020e+00, v45;
	(erf) = vpow2.f32 v43;
	v0 =	vadd.f32 v0, v62  }
0x2ec: {  	v40 =	vsub.f32 v40, v4;
	v63 =	vpop (erf)  }
0x2ed: {  	v42 =	vmul.f32 $1.442695020e+00, v42;
	(erf) = vpow2.f32 v61;
	v0 =	vadd.f32 v0, v63  }
0x2ee: {  	v41 =	vsub.f32 v41, v4;
	v3 =	vpop (erf)  }
0x2ef: {  	v40 =	vmul.f32 $1.442695020e+00, v40;
	(erf) = vpow2.f32 v42;
	v0 =	vadd.f32 v0, v3  }
0x2f0: {  	v39 =	vsub.f32 v39, v4;
	v47 =	vpop (erf)  }
0x2f1: {  	v41 =	vmul.f32 $1.442695020e+00, v41;
	(erf) = vpow2.f32 v40;
	v0 =	vadd.f32 v0, v47  }
0x2f2: {  	v37 =	vsub.f32 v37, v4;
	v49 =	vpop (erf)  }
0x2f3: {  	v39 =	vmul.f32 $1.442695020e+00, v39;
	(erf) = vpow2.f32 v41;
	v0 =	vadd.f32 v0, v49  }
0x2f4: {  	v38 =	vsub.f32 v38, v4;
	v36 =	vsub.f32 v36, v4;
	v50 =	vpop (erf)  }
0x2f5: {  	v37 =	vmul.f32 $1.442695020e+00, v37;
	(erf) = vpow2.f32 v39;
	v0 =	vadd.f32 v0, v50  }
0x2f6: {  	v34 =	vsub.f32 v34, v4;
	v35 =	vsub.f32 v35, v4;
	v52 =	vpop (erf)  }
0x2f7: {  	v38 =	vmul.f32 $1.442695020e+00, v38;
	(erf) = vpow2.f32 v37;
	v0 =	vadd.f32 v0, v52  }
0x2f8: {  	v33 =	vsub.f32 v33, v4;
	v31 =	vsub.f32 v31, v4;
	v54 =	vpop (erf)  }
0x2f9: {  	v36 =	vmul.f32 $1.442695020e+00, v36;
	(erf) = vpow2.f32 v38;
	v0 =	vadd.f32 v0, v54  }
0x2fa: {  	v32 =	vsub.f32 v32, v4;
	v30 =	vsub.f32 v30, v4;
	v55 =	vpop (erf)  }
0x2fb: {  	v34 =	vmul.f32 $1.442695020e+00, v34;
	(erf) = vpow2.f32 v36;
	v0 =	vadd.f32 v0, v55  }
0x2fc: {  	v28 =	vsub.f32 v28, v4;
	v29 =	vsub.f32 v29, v4;
	v57 =	vpop (erf)  }
0x2fd: {  	v35 =	vmul.f32 $1.442695020e+00, v35;
	(erf) = vpow2.f32 v34;
	v0 =	vadd.f32 v0, v57  }
0x2fe: {  	v27 =	vsub.f32 v27, v4;
	v26 =	vsub.f32 v26, v4;
	v59 =	vpop (erf)  }
0x2ff: {  	v33 =	vmul.f32 $1.442695020e+00, v33;
	(erf) = vpow2.f32 v35;
	v0 =	vadd.f32 v0, v59  }
0x300: {  	[tilespmem:$0x1FB00] =	vst v1;
	v1 =	vimm.s32 $0x0;
	v23 =	vsub.f32 v23, v4;
	v24 =	vsub.f32 v24, v4;
	v60 =	vpop (erf)  }
0x301: {  	v31 =	vmul.f32 $1.442695020e+00, v31;
	(erf) = vpow2.f32 v33;
	v0 =	vadd.f32 v0, v60  }
0x302: {  	v21 =	vsub.f32 v21, v4;
	v32 =	vmul.f32 $1.442695020e+00, v32;
	v43 =	vsel vm1, $0x1, v1;
	v62 =	vpop (erf)  }
0x303: {  	v46 =	vsel vm2, $0x2, v43;
	(erf) = vpow2.f32 v31;
	v0 =	vadd.f32 v0, v62  }
0x304: {  	v20 =	vsub.f32 v20, v4;
	v30 =	vmul.f32 $1.442695020e+00, v30;
	v48 =	vsel vm3, $0x3, v46;
	v1 =	vpop (erf)  }
0x305: {  	v40 =	vsel vm4, $0x4, v48;
	(erf) = vpow2.f32 v32;
	v0 =	vadd.f32 v0, v1  }
0x306: {  	v18 =	vsub.f32 v18, v4;
	v28 =	vmul.f32 $1.442695020e+00, v28;
	v51 =	vsel vm5, $0x5, v40;
	v3 =	vpop (erf)  }
0x307: {  	v53 =	vsel vm6, $0x6, v51;
	(erf) = vpow2.f32 v30;
	v0 =	vadd.f32 v0, v3  }
0x308: {  	v17 =	vsub.f32 v17, v4;
	v29 =	vmul.f32 $1.442695020e+00, v29;
	v37 =	vsel vm7, $0x7, v53;
	v36 =	vpop (erf)  }
0x309: {  	v56 =	vsel vm8, $0x8, v37;
	(erf) = vpow2.f32 v28;
	v0 =	vadd.f32 v0, v36  }
0x30a: {  	v27 =	vmul.f32 $1.442695020e+00, v27;
	v39 =	vsub.f32 v5, v4;
	v58 =	vsel vm9, $0x9, v56;
	v38 =	vpop (erf)  }
0x30b: {  	v34 =	vsel vm10, $0xA, v58;
	(erf) = vpow2.f32 v29;
	v0 =	vadd.f32 v0, v38  }
0x30c: {  	v15 =	vsub.f32 v15, v4;
	v14 =	vsub.f32 v14, v4;
	v42 =	vld [tilespmem:$0x1F970];
	v61 =	vsel vm11, $0xB, v34;
	v41 =	vpop (erf)  }
0x30d: {  	v40 =	vld [tilespmem:$0x1F960];
	(erf) = vpow2.f32 v27;
	v1 =	vmul.f32 $1.442695020e+00, v39;
	v0 =	vadd.f32 v0, v41  }
0x30e: {  	v26 =	vmul.f32 $1.442695020e+00, v26;
	v45 =	vsub.f32 v25, v4;
	v63 =	vsel vm12, $0xC, v61;
	v44 =	vpop (erf)  }
0x30f: {  	v46 =	vld [tilespmem:$0x1F980];
	v31 =	vsel vm13, $0xD, v63;
	(erf) = vpow2.f32 v1;
	v0 =	vadd.f32 v0, v44  }
0x310: {  	v12 =	vsub.f32 v12, v4;
	v51 =	vmul.f32 $1.442695020e+00, v23;
	v35 =	vsel vm14, $0xE, v31;
	v48 =	vpop (erf)  }
0x311: {  	v49 =	vld [tilespmem:$0x1F990];
	v1 =	vmul.f32 $1.442695020e+00, v45;
	(erf) = vpow2.f32 v26;
	v0 =	vadd.f32 v0, v48  }
0x312: {  	vm5 =	vnez.u8 v42;
	vm4 =	vnez.u8 v40;
	v37 =	vsel vm15, $0xF, v35;
	v50 =	vpop (erf)  }
0x313: {  	v28 =	vsel vm4, $0x10, v37;
	(erf) = vpow2.f32 v1;
	v0 =	vadd.f32 v0, v50  }
0x314: {  	v24 =	vmul.f32 $1.442695020e+00, v24;
	vm6 =	vnez.u8 v46;
	v52 =	vld [tilespmem:$0x1F9A0];
	v43 =	vsel vm5, $0x11, v28;
	v54 =	vpop (erf)  }
0x315: {  	v55 =	vsub.f32 v22, v4;
	(erf) = vpow2.f32 v51;
	v0 =	vadd.f32 v0, v54  }
0x316: {  	v11 =	vsub.f32 v11, v4;
	vm7 =	vnez.u8 v49;
	v47 =	vsel vm6, $0x12, v43;
	v58 =	vpop (erf)  }
0x317: {  	v1 =	vmul.f32 $1.442695020e+00, v55;
	(erf) = vpow2.f32 v24;
	v0 =	vadd.f32 v0, v58  }
0x318: {  	v9 =	vsub.f32 v9, v4;
	v61 =	vmul.f32 $1.442695020e+00, v21;
	v25 =	vsel vm7, $0x13, v47;
	v60 =	vpop (erf)  }
0x319: {  	vm8 =	vnez.u8 v52;
	(erf) = vpow2.f32 v1;
	v0 =	vadd.f32 v0, v60  }
0x31a: {  	v8 =	vsub.f32 v8, v4;
	v20 =	vmul.f32 $1.442695020e+00, v20;
	v42 =	vld [tilespmem:$0x1FA30];
	v53 =	vsel vm8, $0x14, v25;
	v24 =	vpop (erf)  }
0x31b: {  	v56 =	vld [tilespmem:$0x1F9B0];
	v25 =	vsub.f32 v19, v4;
	(erf) = vpow2.f32 v61;
	v0 =	vadd.f32 v0, v24  }
0x31c: {  	v6 =	vsub.f32 v6, v4;
	v17 =	vmul.f32 $1.442695020e+00, v17;
	v14 =	vmul.f32 $1.442695020e+00, v14;
	v32 =	vld [tilespmem:$0x1FA00];
	v28 =	vpop (erf)  }
0x31d: {  	v59 =	vld [tilespmem:$0x1F9C0];
	v1 =	vmul.f32 $1.442695020e+00, v25;
	(erf) = vpow2.f32 v20;
	v0 =	vadd.f32 v0, v28  }
0x31e: {  	v2 =	vsub.f32 v2, v4;
	v11 =	vmul.f32 $1.442695020e+00, v11;
	v8 =	vmul.f32 $1.442695020e+00, v8;
	v29 =	vld [tilespmem:$0x1F9F0];
	v30 =	vpop (erf)  }
0x31f: {  	v31 =	vmul.f32 $1.442695020e+00, v18;
	v62 =	vld [tilespmem:$0x1F9D0];
	(erf) = vpow2.f32 v1;
	v0 =	vadd.f32 v0, v30  }
0x320: {  	vm9 =	vnez.u8 v56;
	v21 =	vmul.f32 $1.442695020e+00, v6;
	v35 =	vsub.f32 v16, v4;
	v34 =	vpop (erf)  }
0x321: {  	vm5 =	vnez.u8 v42;
	v26 =	vld [tilespmem:$0x1F9E0];
	(erf) = vpow2.f32 v31;
	v0 =	vadd.f32 v0, v34  }
0x322: {  	v46 =	vld [tilespmem:$0x1FA40];
	vm14 =	vnez.u8 v32;
	v57 =	vsel vm9, $0x15, v53;
	vm10 =	vnez.u8 v59;
	v38 =	vpop (erf)  }
0x323: {  	v39 =	vld [tilespmem:$0x1FA20];
	v1 =	vmul.f32 $1.442695020e+00, v35;
	(erf) = vpow2.f32 v17;
	v0 =	vadd.f32 v0, v38  }
0x324: {  	vm13 =	vnez.u8 v29;
	v22 =	vsel vm10, $0x16, v57;
	vm11 =	vnez.u8 v62;
	v40 =	vpop (erf)  }
0x325: {  	v36 =	vld [tilespmem:$0x1FA10];
	v41 =	vmul.f32 $1.442695020e+00, v15;
	(erf) = vpow2.f32 v1;
	v0 =	vadd.f32 v0, v40  }
0x326: {  	v45 =	vsub.f32 v13, v4;
	v63 =	vsel vm11, $0x17, v22;
	vm12 =	vnez.u8 v26;
	v44 =	vpop (erf)  }
0x327: {  	v49 =	vld [tilespmem:$0x1FA50];
	v27 =	vsel vm12, $0x18, v63;
	(erf) = vpow2.f32 v41;
	v0 =	vadd.f32 v0, v44  }
0x328: {  	v56 =	vld [tilespmem:$0x1FA70];
	vm6 =	vnez.u8 v46;
	vm4 =	vnez.u8 v39;
	v19 =	vsel vm13, $0x19, v27;
	v48 =	vpop (erf)  }
0x329: {  	v52 =	vld [tilespmem:$0x1FA60];
	v1 =	vmul.f32 $1.442695020e+00, v45;
	(erf) = vpow2.f32 v14;
	v0 =	vadd.f32 v0, v48  }
0x32a: {  	v51 =	vmul.f32 $1.442695020e+00, v12;
	vm15 =	vnez.u8 v36;
	v33 =	vsel vm14, $0x1A, v19;
	v50 =	vpop (erf)  }
0x32b: {  	v59 =	vld [tilespmem:$0x1FA80];
	v37 =	vsel vm15, $0x1B, v33;
	(erf) = vpow2.f32 v1;
	v0 =	vadd.f32 v0, v50  }
0x32c: {  	vm7 =	vnez.u8 v49;
	v55 =	vsub.f32 v10, v4;
	v16 =	vsel vm4, $0x1C, v37;
	v54 =	vpop (erf)  }
0x32d: {  	v62 =	vld [tilespmem:$0x1FA90];
	v43 =	vsel vm5, $0x1D, v16;
	(erf) = vpow2.f32 v51;
	v0 =	vadd.f32 v0, v54  }
0x32e: {  	v18 =	vld [tilespmem:$0x1FAC0];
	vm9 =	vnez.u8 v56;
	vm8 =	vnez.u8 v52;
	v47 =	vsel vm6, $0x1E, v43;
	v58 =	vpop (erf)  }
0x32f: {  	v22 =	vld [tilespmem:$0x1FAD0];
	v1 =	vmul.f32 $1.442695020e+00, v55;
	(erf) = vpow2.f32 v11;
	v0 =	vadd.f32 v0, v58  }
0x330: {  	vm10 =	vnez.u8 v59;
	v61 =	vmul.f32 $1.442695020e+00, v9;
	v13 =	vsel vm7, $0x1F, v47;
	v14 =	vld [tilespmem:$0x1FAA0];
	v60 =	vpop (erf)  }
0x331: {  	v17 =	vld [tilespmem:$0x1FAB0];
	v53 =	vsel vm8, $0x20, v13;
	(erf) = vpow2.f32 v1;
	v0 =	vadd.f32 v0, v60  }
0x332: {  	v32 =	vld [tilespmem:$0x1FB20];
	vm11 =	vnez.u8 v62;
	v13 =	vsub.f32 v7, v4;
	v57 =	vsel vm9, $0x21, v53;
	v12 =	vpop (erf)  }
0x333: {  	v26 =	vld [tilespmem:$0x1FAF0];
	v10 =	vsel vm10, $0x22, v57;
	(erf) = vpow2.f32 v61;
	v0 =	vadd.f32 v0, v12  }
0x334: {  	v25 =	vld [tilespmem:$0x1FAE0];
	v19 =	vsub.f32 v18, v4;
	v63 =	vsel vm11, $0x23, v10;
	v1 =	vmul.f32 $1.442695020e+00, v13;
	v16 =	vpop (erf)  }
0x335: {  	v29 =	vld [tilespmem:$0x1FB10];
	vm12 =	vnez.u8 v14;
	(erf) = vpow2.f32 v8;
	v0 =	vadd.f32 v0, v16  }
0x336: {  	vm14 =	vnez.u8 v22;
	vm13 =	vnez.u8 v17;
	v28 =	vld [tilespmem:$0x1FB00];
	v15 =	vsel vm12, $0x24, v63;
	v20 =	vpop (erf)  }
0x337: {  	v35 =	vld [tilespmem:$0x1FB30];
	v7 =	vsel vm13, $0x25, v15;
	(erf) = vpow2.f32 v1;
	v0 =	vadd.f32 v0, v20  }
0x338: {  	v5 =	vmul.f32 $1.442695020e+00, v19;
	vm15 =	vnez.u8 v26;
	v23 =	vsel vm14, $0x26, v7;
	v24 =	vpop (erf)  }
0x339: {  	v37 =	vld [tilespmem:$0x1FB40];
	v1 =	vsub.f32 v25, v4;
	(erf) = vpow2.f32 v21;
	v0 =	vadd.f32 v0, v24  }
0x33a: {  	vm4 =	vnez.u8 v29;
	v3 =	vsel vm15, $0x27, v23;
	(erf) = vpow2.f32 v5;
	v27 =	vpop (erf)  }
0x33b: {  	v5 =	vsub.f32 v28, v4;
	v1 =	vmul.f32 $1.442695020e+00, v1;
	v0 =	vadd.f32 v0, v27  }
0x33c: {  	vm5 =	vnez.u8 v32;
	vm6 =	vnez.u8 v35;
	v38 =	vld [tilespmem:$0x1FB50];
	v3 =	vsel vm4, $0x28, v3;
	v30 =	vpop (erf)  }
0x33d: {  	v40 =	vld [tilespmem:$0x1FB60];
	(erf) = vpow2.f32 v1;
	v31 =	vmul.f32 $1.442695020e+00, v5;
	v0 =	vadd.f32 v0, v30  }
0x33e: {  	vm7 =	vnez.u8 v37;
	v41 =	vld [tilespmem:$0x1FB70];
	v34 =	vmul.f32 $1.442695020e+00, v2;
	v3 =	vsel vm5, $0x29, v3;
	v33 =	vpop (erf)  }
0x33f: {  	v43 =	vld [tilespmem:$0x1FB80];
	v2 =	vsel vm6, $0x2A, v3;
	(erf) = vpow2.f32 v31;
	v0 =	vadd.f32 v0, v33  }
0x340: {  	v2 =	vsel vm7, $0x2B, v2;
	v44 =	vld [tilespmem:$0x1FB90];
	v36 =	vpop (erf)  }
0x341: {  	v46 =	vld [tilespmem:$0x1FBA0];
	vm8 =	vnez.u8 v38;
	(erf) = vpow2.f32 v34;
	v0 =	vadd.f32 v0, v36  }
0x342: {  	v47 =	vld [tilespmem:$0x1FBB0];
	v1 =	vsel vm8, $0x2C, v2;
	vm9 =	vnez.u8 v40;
	v39 =	vpop (erf)  }
0x343: {  	v49 =	vld [tilespmem:$0x1FBC0];
	vm10 =	vnez.u8 v41;
	v1 =	vsel vm9, $0x2D, v1;
	v0 =	vadd.f32 v0, v39  }
0x344: {  	vm11 =	vnez.u8 v43;
	v50 =	vld [tilespmem:$0x1FBD0];
	v1 =	vsel vm10, $0x2E, v1;
	v42 =	vpop (erf)  }
0x345: {  	v52 =	vld [tilespmem:$0x1FBE0];
	vm12 =	vnez.u8 v44;
	v1 =	vsel vm11, $0x2F, v1;
	v0 =	vadd.f32 v0, v42  }
0x346: {  	v53 =	vld [tilespmem:$0x1FBF0];
	vm13 =	vnez.u8 v46;
	v1 =	vsel vm12, $0x30, v1;
	v45 =	vpop (erf)  }
0x347: {  	vm14 =	vnez.u8 v47;
	v54 =	vld [tilespmem:$0x1FC00];
	v1 =	vsel vm13, $0x31, v1;
	v0 =	vadd.f32 v0, v45  }
0x348: {  	v55 =	vld [tilespmem:$0x1FC10];
	vm15 =	vnez.u8 v49;
	v1 =	vsel vm14, $0x32, v1;
	v48 =	vpop (erf)  }
0x349: {  	v56 =	vld [tilespmem:$0x1FC20];
	vm4 =	vnez.u8 v50;
	v1 =	vsel vm15, $0x33, v1;
	v0 =	vadd.f32 v0, v48  }
0x34a: {  	v57 =	vld [tilespmem:$0x1FC30];
	vm5 =	vnez.u8 v52;
	v1 =	vsel vm4, $0x34, v1;
	v51 =	vpop (erf)  }
0x34b: {  	vm6 =	vnez.u8 v53;
	v58 =	vld [tilespmem:$0x1FC40];
	v1 =	vsel vm5, $0x35, v1;
	v0 =	vadd.f32 v0, v51  }
0x34c: {  	v59 =	vld [tilespmem:$0x1FC50];
	vm7 =	vnez.u8 v54;
	v1 =	vsel vm6, $0x36, v1  }
0x34d: {  	vm8 =	vnez.u8 v55;
	v60 =	vld [tilespmem:$0x1FC60];
	(erf) = vrcp.f32 v0;
	v0 =	vsel vm7, $0x37, v1  }
0x34e: {  	v61 =	vld [tilespmem:$0x1FC70];
	vm9 =	vnez.u8 v56;
	v0 =	vsel vm8, $0x38, v0  }
0x34f: {  	v62 =	vld [tilespmem:$0x1FC80];
	vm10 =	vnez.u8 v57;
	v0 =	vsel vm9, $0x39, v0  }
0x350: {  	vm11 =	vnez.u8 v58;
	v0 =	vsel vm10, $0x3A, v0  }
0x351: {  	vm12 =	vnez.u8 v59;
	v0 =	vsel vm11, $0x3B, v0  }
0x352: {  	vm13 =	vnez.u8 v60;
	v0 =	vsel vm12, $0x3C, v0  }
0x353: {  	vm14 =	vnez.u8 v61;
	v0 =	vsel vm13, $0x3D, v0  }
0x354: {  	vm15 =	vnez.u8 v62;
	v0 =	vsel vm14, $0x3E, v0  }
0x355: {  	v0 =	vsel vm15, $0x3F, v0  }
0x356: {  	[tilespmem:s14+$0x0] =	vst v0;
	v63 =	vpop (erf)  }
0x357: {  	[tilespmem:s13+$0x0] =	vst v63  }
0x358: {  	[hbm4b:s4+s2] =	stream.linear.scatter [tilespmem:s10], [sflag:$0x1], $0x100, $0x38;
	[tilespmem:$0x4200] =	vst v63  }
0x359: {  	s12 =	sadd.s32 $0x1, s12;
	_ =	swait.ge [sflag:s9], $0x100  }
0x35a: {  	p0 =	sne.s32 s12, s6;
	[sflag:s9] =	ssyncset.done $0x0  }
.Ltmp1:
0x35b: {  	[sflag:s9] =	ssyncadd.s32 $0xFFFFFF00;
	(pc) =	sbr.rel @p0 .LBB2_1-.Ltmp1, $4  }
0x35c: {  	[hbm4b:s5+s2] =	stream.linear.scatter [tilespmem:s11], [sflag:$0x1], $0x100, $0x38;
	[tilespmem:$0x4200] =	vst v63  }
0x35d: {  	_ =	swait.ge [sflag:s9], $0x100  }
0x35e: {  	[sflag:s9] =	ssyncset.done $0x0  }
0x35f: {  	[sflag:s9] =	ssyncadd.s32 $0xFFFFFF00  }
0x360: {  	_ =	sfence.sel $0x180000  }
0x361: {  	[bflag:$0x0] =	sbarrier.arrive $0xFFFF  }
0x362: {  	p0 =	sne.s32 s1, $0x0;
	_ =	strace $0x90000047  }
0x363: {  	s0 =	sadd.s32 @!p0 $0x100000, s0;
	[bflag:$0x2] =	sbarrier.arrive $0xFFFF  }
0x364: {  	[sflag:s0] =	ssyncadd.tile.s32 @!p0 $0x1;
	_ =	shalt  }
.Lfunc_end2:
_tile_overlayer_lowered:
.L_overlay_start_2:
0x365: {  	(tag) =	ssettag $0x2  }
0x366: {  	s0 =	rddreg [dreg:$0x0];
	s2 =	stileid.u32  }
0x367: {  	s1 =	rddreg [dreg:$0x1];
	p0 =	sne.s32 s2, $0x0  }
0x368: {  	s3 =	rddreg [dreg:$0x2];
	[bflag:$0x3] =	sbarrier.arrive $0xFFFF;
	s2 =	simm.s32 @!p0 $0x1C01  }
0x369: {  	[timem:s3], [sflag:s2] =	dma.local @!p0 [hbm:s0], s1  }
0x36a: {  	s0 =	simm.s32 @!p0 $0x1  }
0x36b: {  	_ =	swait.ge @!p0 [sflag:s0], s1  }
0x36c: {  	s1 =	ssub.s32 @!p0 $0x0, s1;
	[sflag:s0] =	ssyncset.done @!p0 $0x0  }
0x36d: {  	[sflag:s0] =	ssyncadd.s32 @!p0 s1  }
0x36e: {  	[bflag:$0x3] =	sbarrier.arrive $0xFFFF  }
0x36f: {  	_ =	shalt  }

</sc_bundles>
